<compile_context>
chip_gen: v7x
topology: tpu7x:2x2x1
jax: 0.10.2.dev20260603
libtpu: 0.0.44.dev20260713+nightly
codegen_flags: <defaults>
</compile_context>

<pallas_src>
import functools

import jax
import jax.numpy as jnp
from jax import lax
from jax.experimental import pallas as pl
from jax.experimental.pallas import tpu as pltpu
from jax.experimental.pallas import tpu_sc as plsc

N, E, D, H, C, G, L = 10000, 320000, 128, 64, 6, 64, 3

NC, NS = 2, 16
NW = NC * NS
CH = 128
NBUF = 8
PER_W = 10240
EPAD = NW * PER_W
NCHUNK = PER_W // CH
NP = 10240
ROWS_PER_TILE = NP // NS


def _bn_relu(h, g, b):
    m = jnp.mean(h, axis=0, keepdims=True)
    v = jnp.mean((h - m) * (h - m), axis=0, keepdims=True)
    return jnp.maximum((h - m) * lax.rsqrt(v + 1e-5) * g + b, 0.0)



def _embed_body(x_ref, w_ref, b_ref, g_ref, bb_ref, o_ref):
    h = jnp.dot(x_ref[...], w_ref[...], preferred_element_type=jnp.float32)
    o_ref[...] = _bn_relu(h + b_ref[...], g_ref[...], bb_ref[...])


def _mlp_core(h, a0, a1, w1, b1, g1, bb1, w2, b2, g2, bb2):
    z = h + (a0[:N] + a1[:N]).astype(jnp.float32)
    z = jnp.dot(z, w1, preferred_element_type=jnp.float32) + b1
    z = _bn_relu(z, g1, bb1)
    z = jnp.dot(z, w2, preferred_element_type=jnp.float32) + b2
    return _bn_relu(z, g2, bb2)


def _mlp_body(h_ref, a0_ref, a1_ref, w1_ref, b1_ref, g1_ref, bb1_ref,
              w2_ref, b2_ref, g2_ref, bb2_ref, o_ref):
    o_ref[...] = _mlp_core(h_ref[...], a0_ref[...], a1_ref[...],
                           w1_ref[...], b1_ref[...], g1_ref[...], bb1_ref[...],
                           w2_ref[...], b2_ref[...], g2_ref[...], bb2_ref[...])


def _final_body(h_ref, a0_ref, a1_ref, w1_ref, b1_ref, g1_ref, bb1_ref,
                w2_ref, b2_ref, g2_ref, bb2_ref, batch_ref,
                cw1_ref, cb1_ref, cw2_ref, cb2_ref, o_ref):
    h3 = _mlp_core(h_ref[...], a0_ref[...], a1_ref[...],
                   w1_ref[...], b1_ref[...], g1_ref[...], bb1_ref[...],
                   w2_ref[...], b2_ref[...], g2_ref[...], bb2_ref[...])
    gids = lax.broadcasted_iota(jnp.int32, (G, N), 0)
    oneh = (batch_ref[...] == gids).astype(jnp.float32)
    sums = jnp.dot(oneh, h3, preferred_element_type=jnp.float32)
    counts = jnp.maximum(jnp.sum(oneh, axis=1, keepdims=True), 1.0)
    pooled = sums / counts
    p = jnp.maximum(
        jnp.dot(pooled, cw1_ref[...], preferred_element_type=jnp.float32)
        + cb1_ref[...], 0.0)
    o_ref[...] = (jnp.dot(p, cw2_ref[...], preferred_element_type=jnp.float32)
                  + cb2_ref[...])


_embed_tc = pl.pallas_call(
    _embed_body, out_shape=jax.ShapeDtypeStruct((N, H), jnp.float32))

_mlp_tc = pl.pallas_call(
    _mlp_body, out_shape=jax.ShapeDtypeStruct((N, H), jnp.float32))

_final_tc = pl.pallas_call(
    _final_body, out_shape=jax.ShapeDtypeStruct((G, C), jnp.float32))




@functools.lru_cache(maxsize=None)
def _make_agg_sc():
    mesh = plsc.VectorSubcoreMesh(core_axis_name="c", subcore_axis_name="s",
                                  num_cores=NC, num_subcores=NS)

    @functools.partial(
        pl.kernel, mesh=mesh,
        out_type=jax.ShapeDtypeStruct((NC, NP, H), jnp.float32),
        scratch_types=[
            pltpu.VMEM((NCHUNK, CH), jnp.int32),
            pltpu.VMEM((NCHUNK, CH), jnp.int32),
            [pltpu.VMEM((CH, H), jnp.float32)] * NBUF,
            [pltpu.SemaphoreType.DMA] * NBUF,
            [pltpu.SemaphoreType.DMA] * NBUF,
            pltpu.VMEM_SHARED((NP, H), jnp.float32),
        ],
        compiler_params=pltpu.CompilerParams(use_tc_tiling_on_sc=False),
    )
    def _agg_sc(h_hbm, src_hbm, dst_hbm, zro_hbm, out_hbm,
                sbuf, dbuf, rb, gs, ss, agg_sh):
        cid = lax.axis_index("c")
        sid = lax.axis_index("s")
        wid = cid * NS + sid
        r0 = sid * ROWS_PER_TILE
        pltpu.sync_copy(zro_hbm.at[pl.ds(r0, ROWS_PER_TILE)],
                        agg_sh.at[pl.ds(r0, ROWS_PER_TILE)])
        crow = wid * NCHUNK
        pltpu.sync_copy(src_hbm.at[pl.ds(crow, NCHUNK)], sbuf)
        pltpu.sync_copy(dst_hbm.at[pl.ds(crow, NCHUNK)], dbuf)
        plsc.subcore_barrier()

        def wait_gather(b):
            pltpu.make_async_copy(h_hbm.at[pl.ds(0, CH)], rb[b], gs[b]).wait()

        def wait_scatter(b):
            pltpu.make_async_copy(rb[b], agg_sh.at[pl.ds(0, CH)], ss[b]).wait()

        for b in range(NBUF):
            pltpu.async_copy(h_hbm.at[sbuf.at[b]], rb[b], gs[b])

        def body(i, carry):
            j = NBUF * i
            for b in range(NBUF):
                wait_gather(b)
                pltpu.async_copy(rb[b], agg_sh.at[dbuf.at[j + b]], ss[b],
                                 add=True)
            for b in range(NBUF):
                jn = j + NBUF + b

                @pl.when(jn < NCHUNK)
                def _(b=b, jn=jn):
                    wait_scatter(b)
                    pltpu.async_copy(h_hbm.at[sbuf.at[jn]], rb[b], gs[b])

            return carry

        lax.fori_loop(0, NCHUNK // NBUF, body, 0)
        for b in range(NBUF):
            wait_scatter(b)
        plsc.subcore_barrier()
        pltpu.sync_copy(agg_sh.at[pl.ds(r0, ROWS_PER_TILE)],
                        out_hbm.at[cid, pl.ds(r0, ROWS_PER_TILE)])

    return _agg_sc



def kernel(x, edge_index, batch, embed_W, embed_b, embed_bn_g, embed_bn_b,
           fc1_W, fc1_b, mlp_bn_g, mlp_bn_b, fc2_W, fc2_b, out_bn_g, out_bn_b,
           cls_W1, cls_b1, cls_W2, cls_b2):
    pad_src = jnp.zeros((EPAD - E,), jnp.int32)
    pad_dst = (jnp.arange(EPAD - E, dtype=jnp.int32) % (NP - N)) + N
    src = jnp.concatenate([edge_index[0], pad_src]).reshape(EPAD // CH, CH)
    dst = jnp.concatenate([edge_index[1], pad_dst]).reshape(EPAD // CH, CH)
    zeros = jnp.zeros((NP, H), jnp.float32)
    row = lambda p: p.reshape(1, -1)
    _agg_sc = _make_agg_sc()

    h = _embed_tc(x, embed_W, row(embed_b), row(embed_bn_g), row(embed_bn_b))
    for i in range(L - 1):
        parts = _agg_sc(h, src, dst, zeros)
        h = _mlp_tc(h, parts[0], parts[1],
                    fc1_W[i], row(fc1_b[i]), row(mlp_bn_g[i]), row(mlp_bn_b[i]),
                    fc2_W[i], row(fc2_b[i]), row(out_bn_g[i]), row(out_bn_b[i]))
    parts = _agg_sc(h, src, dst, zeros)
    i = L - 1
    out = _final_tc(h, parts[0], parts[1],
                    fc1_W[i], row(fc1_b[i]), row(mlp_bn_g[i]), row(mlp_bn_b[i]),
                    fc2_W[i], row(fc2_b[i]), row(out_bn_g[i]), row(out_bn_b[i]),
                    batch.reshape(1, N), cls_W1, row(cls_b1), cls_W2, row(cls_b2))
    return out

# --- scband reference (transcript-rebuilt; emitter-appended) ---
"""Pipeline reference for scband-simple-gnn-43654047596746 (READ-ONLY COPY).

The authoritative reference and input builder live on the scoring server;
editing this copy changes nothing except your own understanding.
"""

import jax, jax.numpy as jnp
import numpy as np

N, E, D, H, C, G, L = 10000, 320000, 128, 64, 6, 64, 3

def setup_inputs(seed: int = 0) -> dict:
    key = jax.random.key(seed)
    ks = jax.random.split(key, 12)
    sc = 0.1
    x = jax.random.normal(ks[0], (N, D), dtype=jnp.float32)
    edge_index = jax.random.randint(ks[1], (2, E), 0, N, dtype=jnp.int32)
    batch = jnp.sort(jax.random.randint(ks[2], (N,), 0, G, dtype=jnp.int32))
    return {
        'x': x,
        'edge_index': edge_index,
        'batch': batch,
        'embed_W': jax.random.normal(ks[3], (D, H), dtype=jnp.float32) * sc,
        'embed_b': jnp.zeros((H,), dtype=jnp.float32),
        'embed_bn_g': jnp.ones((H,), dtype=jnp.float32),
        'embed_bn_b': jnp.zeros((H,), dtype=jnp.float32),
        'fc1_W': jax.random.normal(ks[4], (L, H, H), dtype=jnp.float32) * sc,
        'fc1_b': jnp.zeros((L, H), dtype=jnp.float32),
        'mlp_bn_g': jnp.ones((L, H), dtype=jnp.float32),
        'mlp_bn_b': jnp.zeros((L, H), dtype=jnp.float32),
        'fc2_W': jax.random.normal(ks[5], (L, H, H), dtype=jnp.float32) * sc,
        'fc2_b': jnp.zeros((L, H), dtype=jnp.float32),
        'out_bn_g': jnp.ones((L, H), dtype=jnp.float32),
        'out_bn_b': jnp.zeros((L, H), dtype=jnp.float32),
        'cls_W1': jax.random.normal(ks[6], (H, H // 2), dtype=jnp.float32) * sc,
        'cls_b1': jnp.zeros((H // 2,), dtype=jnp.float32),
        'cls_W2': jax.random.normal(ks[7], (H // 2, C), dtype=jnp.float32) * sc,
        'cls_b2': jnp.zeros((C,), dtype=jnp.float32),
    }

def _bn(h, g, b):
    m = jnp.mean(h, axis=0)
    v = jnp.var(h, axis=0)
    return (h - m) / jnp.sqrt(v + 1e-5) * g + b

def reference(x, edge_index, batch, embed_W, embed_b, embed_bn_g, embed_bn_b,
              fc1_W, fc1_b, mlp_bn_g, mlp_bn_b, fc2_W, fc2_b, out_bn_g, out_bn_b,
              cls_W1, cls_b1, cls_W2, cls_b2):
    src = edge_index[0]
    dst = edge_index[1]
    h = x @ embed_W + embed_b
    h = jax.nn.relu(_bn(h, embed_bn_g, embed_bn_b))
    for i in range(L):
        agg = jax.ops.segment_sum(h[src], dst, num_segments=N)
        z = h + agg  # GINConv with eps=0
        z = z @ fc1_W[i] + fc1_b[i]
        z = jax.nn.relu(_bn(z, mlp_bn_g[i], mlp_bn_b[i]))
        z = z @ fc2_W[i] + fc2_b[i]
        h = jax.nn.relu(_bn(z, out_bn_g[i], out_bn_b[i]))
    counts = jax.ops.segment_sum(jnp.ones((N,), dtype=jnp.float32), batch, num_segments=G)
    pooled = jax.ops.segment_sum(h, batch, num_segments=G) / jnp.maximum(counts, 1.0)[:, None]
    out = jax.nn.relu(pooled @ cls_W1 + cls_b1) @ cls_W2 + cls_b2
    return out

if __name__ == "__main__":
    import jax
    _d = setup_inputs()
    print(jax.jit(kernel)(*tuple(_d.values())))

</pallas_src>

<mosaic_0001>
#map = affine_map<(d0, d1) -> (0, 0)>
#map1 = affine_map<(d0, d1) -> (0, 0, 0)>
module attributes {stable_mosaic.version = 14 : i64} {
  func.func @_agg_sc(%arg0: i32, %arg1: i32, %arg2: memref<10000x64xf32, #tpu.memory_space<hbm>>, %arg3: memref<2560x128xi32, #tpu.memory_space<hbm>>, %arg4: memref<2560x128xi32, #tpu.memory_space<hbm>>, %arg5: memref<10240x64xf32, #tpu.memory_space<hbm>>, %arg6: memref<2x10240x64xf32, #tpu.memory_space<hbm>>, %arg7: memref<80x128xi32, #tpu.memory_space<vmem>>, %arg8: memref<80x128xi32, #tpu.memory_space<vmem>>, %arg9: memref<128x64xf32, #tpu.memory_space<vmem>>, %arg10: memref<128x64xf32, #tpu.memory_space<vmem>>, %arg11: memref<128x64xf32, #tpu.memory_space<vmem>>, %arg12: memref<128x64xf32, #tpu.memory_space<vmem>>, %arg13: memref<128x64xf32, #tpu.memory_space<vmem>>, %arg14: memref<128x64xf32, #tpu.memory_space<vmem>>, %arg15: memref<128x64xf32, #tpu.memory_space<vmem>>, %arg16: memref<128x64xf32, #tpu.memory_space<vmem>>, %arg17: memref<!tpu.dma_semaphore, #tpu.memory_space<semaphore_mem>>, %arg18: memref<!tpu.dma_semaphore, #tpu.memory_space<semaphore_mem>>, %arg19: memref<!tpu.dma_semaphore, #tpu.memory_space<semaphore_mem>>, %arg20: memref<!tpu.dma_semaphore, #tpu.memory_space<semaphore_mem>>, %arg21: memref<!tpu.dma_semaphore, #tpu.memory_space<semaphore_mem>>, %arg22: memref<!tpu.dma_semaphore, #tpu.memory_space<semaphore_mem>>, %arg23: memref<!tpu.dma_semaphore, #tpu.memory_space<semaphore_mem>>, %arg24: memref<!tpu.dma_semaphore, #tpu.memory_space<semaphore_mem>>, %arg25: memref<!tpu.dma_semaphore, #tpu.memory_space<semaphore_mem>>, %arg26: memref<!tpu.dma_semaphore, #tpu.memory_space<semaphore_mem>>, %arg27: memref<!tpu.dma_semaphore, #tpu.memory_space<semaphore_mem>>, %arg28: memref<!tpu.dma_semaphore, #tpu.memory_space<semaphore_mem>>, %arg29: memref<!tpu.dma_semaphore, #tpu.memory_space<semaphore_mem>>, %arg30: memref<!tpu.dma_semaphore, #tpu.memory_space<semaphore_mem>>, %arg31: memref<!tpu.dma_semaphore, #tpu.memory_space<semaphore_mem>>, %arg32: memref<!tpu.dma_semaphore, #tpu.memory_space<semaphore_mem>>, %arg33: memref<10240x64xf32, #tpu.memory_space<vmem_shared>>) attributes {dimension_semantics = [#tpu.dimension_semantics<core_parallel>, #tpu.dimension_semantics<subcore_parallel>], iteration_bounds = array<i64: 2, 16>, scalar_prefetch = 0 : i64, scratch_operands = 27 : i64, tpu.core_type = #tpu.core_type<sc_vector_subcore>, window_params = [{transform_indices = #map}, {transform_indices = #map}, {transform_indices = #map}, {transform_indices = #map}, {transform_indices = #map1}]} {
    %mul3A = arith.constant 16 : i32
    %mul3A_0 = arith.muli %arg0, %mul3A : i32
    %add3A = arith.addi %mul3A_0, %arg1 : i32
    %mul3A_1 = arith.constant 640 : i32
    %mul3A_2 = arith.muli %arg1, %mul3A_1 : i32
    "tpu.region"() ({
      %run_scoped3A = tpu.sem_alloc : memref<!tpu.dma_semaphore, #tpu.memory_space<semaphore_mem>>
      %dma_start3A_113 = arith.constant 0 : i32
      %dma_start3A_114 = tpu.memref_slice %arg33[%mul3A_2, %dma_start3A_113] : memref<10240x64xf32, #tpu.memory_space<vmem_shared>> -> memref<640x64xf32, #tpu.memory_space<vmem_shared>>
      %dma_start3A_115 = arith.constant 0 : i32
      %dma_start3A_116 = tpu.memref_slice %arg5[%mul3A_2, %dma_start3A_115] : memref<10240x64xf32, #tpu.memory_space<hbm>> -> memref<640x64xf32, #tpu.memory_space<hbm>>
      tpu.enqueue_dma source(%dma_start3A_116 : memref<640x64xf32, #tpu.memory_space<hbm>>) target(%dma_start3A_114 : memref<640x64xf32, #tpu.memory_space<vmem_shared>>) target_semaphore(%run_scoped3A : memref<!tpu.dma_semaphore, #tpu.memory_space<semaphore_mem>>)
      %dma_wait3A_117 = arith.constant 0 : i32
      %dma_wait3A_118 = tpu.memref_slice %arg33[%mul3A_2, %dma_wait3A_117] : memref<10240x64xf32, #tpu.memory_space<vmem_shared>> -> memref<640x64xf32, #tpu.memory_space<vmem_shared>>
      %dma_wait3A_119 = arith.constant 0 : i32
      %dma_wait3A_120 = tpu.memref_slice %arg5[%mul3A_2, %dma_wait3A_119] : memref<10240x64xf32, #tpu.memory_space<hbm>> -> memref<640x64xf32, #tpu.memory_space<hbm>>
      tpu.wait_dma2 semaphore(%run_scoped3A : memref<!tpu.dma_semaphore, #tpu.memory_space<semaphore_mem>>) src(%dma_wait3A_120 : memref<640x64xf32, #tpu.memory_space<hbm>>) dst(%dma_wait3A_118 : memref<640x64xf32, #tpu.memory_space<vmem_shared>>)
      tpu.yield
    }) : () -> ()
    %mul3A_3 = arith.constant 80 : i32
    %mul3A_4 = arith.muli %add3A, %mul3A_3 : i32
    "tpu.region"() ({
      %run_scoped3A = tpu.sem_alloc : memref<!tpu.dma_semaphore, #tpu.memory_space<semaphore_mem>>
      %dma_start3A_113 = arith.constant 0 : i32
      %dma_start3A_114 = tpu.memref_slice %arg3[%mul3A_4, %dma_start3A_113] : memref<2560x128xi32, #tpu.memory_space<hbm>> -> memref<80x128xi32, #tpu.memory_space<hbm>>
      %dma_start3A_115 = arith.constant 0 : i32
      %dma_start3A_116 = tpu.memref_slice %arg3[%mul3A_4, %dma_start3A_115] : memref<2560x128xi32, #tpu.memory_space<hbm>> -> memref<80x128xi32, #tpu.memory_space<hbm>>
      tpu.enqueue_dma source(%dma_start3A_116 : memref<80x128xi32, #tpu.memory_space<hbm>>) target(%arg7 : memref<80x128xi32, #tpu.memory_space<vmem>>) target_semaphore(%run_scoped3A : memref<!tpu.dma_semaphore, #tpu.memory_space<semaphore_mem>>)
      %dma_wait3A_117 = arith.constant 0 : i32
      %dma_wait3A_118 = tpu.memref_slice %arg3[%mul3A_4, %dma_wait3A_117] : memref<2560x128xi32, #tpu.memory_space<hbm>> -> memref<80x128xi32, #tpu.memory_space<hbm>>
      %dma_wait3A_119 = arith.constant 0 : i32
      %dma_wait3A_120 = tpu.memref_slice %arg3[%mul3A_4, %dma_wait3A_119] : memref<2560x128xi32, #tpu.memory_space<hbm>> -> memref<80x128xi32, #tpu.memory_space<hbm>>
      tpu.wait_dma2 semaphore(%run_scoped3A : memref<!tpu.dma_semaphore, #tpu.memory_space<semaphore_mem>>) src(%dma_wait3A_120 : memref<80x128xi32, #tpu.memory_space<hbm>>) dst(%arg7 : memref<80x128xi32, #tpu.memory_space<vmem>>)
      tpu.yield
    }) : () -> ()
    "tpu.region"() ({
      %run_scoped3A = tpu.sem_alloc : memref<!tpu.dma_semaphore, #tpu.memory_space<semaphore_mem>>
      %dma_start3A_113 = arith.constant 0 : i32
      %dma_start3A_114 = tpu.memref_slice %arg4[%mul3A_4, %dma_start3A_113] : memref<2560x128xi32, #tpu.memory_space<hbm>> -> memref<80x128xi32, #tpu.memory_space<hbm>>
      %dma_start3A_115 = arith.constant 0 : i32
      %dma_start3A_116 = tpu.memref_slice %arg4[%mul3A_4, %dma_start3A_115] : memref<2560x128xi32, #tpu.memory_space<hbm>> -> memref<80x128xi32, #tpu.memory_space<hbm>>
      tpu.enqueue_dma source(%dma_start3A_116 : memref<80x128xi32, #tpu.memory_space<hbm>>) target(%arg8 : memref<80x128xi32, #tpu.memory_space<vmem>>) target_semaphore(%run_scoped3A : memref<!tpu.dma_semaphore, #tpu.memory_space<semaphore_mem>>)
      %dma_wait3A_117 = arith.constant 0 : i32
      %dma_wait3A_118 = tpu.memref_slice %arg4[%mul3A_4, %dma_wait3A_117] : memref<2560x128xi32, #tpu.memory_space<hbm>> -> memref<80x128xi32, #tpu.memory_space<hbm>>
      %dma_wait3A_119 = arith.constant 0 : i32
      %dma_wait3A_120 = tpu.memref_slice %arg4[%mul3A_4, %dma_wait3A_119] : memref<2560x128xi32, #tpu.memory_space<hbm>> -> memref<80x128xi32, #tpu.memory_space<hbm>>
      tpu.wait_dma2 semaphore(%run_scoped3A : memref<!tpu.dma_semaphore, #tpu.memory_space<semaphore_mem>>) src(%dma_wait3A_120 : memref<80x128xi32, #tpu.memory_space<hbm>>) dst(%arg8 : memref<80x128xi32, #tpu.memory_space<vmem>>)
      tpu.yield
    }) : () -> ()
    %barrier3A = arith.constant 0 : index
    tpu.barrier barrier_id(%barrier3A)
    %dma_start3A = arith.constant 0 : i32
    %dma_start3A_5 = arith.constant 0 : i32
    %dma_start3A_6 = tpu.memref_slice %arg7[%dma_start3A, %dma_start3A_5] : memref<80x128xi32, #tpu.memory_space<vmem>> -> memref<1x128xi32, #tpu.memory_space<vmem>>
    %dma_start3A_7 = tpu.memref_squeeze %dma_start3A_6 : memref<1x128xi32, #tpu.memory_space<vmem>> -> memref<128xi32, #tpu.memory_space<vmem>>
    %dma_start3A_8 = arith.constant 0 : i32
    %dma_start3A_9 = arith.constant 0 : i32
    %dma_start3A_10 = tpu.memref_slice %arg2[%dma_start3A_8, %dma_start3A_9] : memref<10000x64xf32, #tpu.memory_space<hbm>> -> memref<10000x64xf32, #tpu.memory_space<hbm>>
    tpu.enqueue_indirect_dma source(%dma_start3A_10 : memref<10000x64xf32, #tpu.memory_space<hbm>>) target(%arg9 : memref<128x64xf32, #tpu.memory_space<vmem>>) offsets(%dma_start3A_7 : memref<128xi32, #tpu.memory_space<vmem>>) semaphore(%arg17 : memref<!tpu.dma_semaphore, #tpu.memory_space<semaphore_mem>>)
    %dma_start3A_11 = arith.constant 1 : i32
    %dma_start3A_12 = arith.constant 0 : i32
    %dma_start3A_13 = tpu.memref_slice %arg7[%dma_start3A_11, %dma_start3A_12] : memref<80x128xi32, #tpu.memory_space<vmem>> -> memref<1x128xi32, #tpu.memory_space<vmem>>
    %dma_start3A_14 = tpu.memref_squeeze %dma_start3A_13 : memref<1x128xi32, #tpu.memory_space<vmem>> -> memref<128xi32, #tpu.memory_space<vmem>>
    %dma_start3A_15 = arith.constant 0 : i32
    %dma_start3A_16 = arith.constant 0 : i32
    %dma_start3A_17 = tpu.memref_slice %arg2[%dma_start3A_15, %dma_start3A_16] : memref<10000x64xf32, #tpu.memory_space<hbm>> -> memref<10000x64xf32, #tpu.memory_space<hbm>>
    tpu.enqueue_indirect_dma source(%dma_start3A_17 : memref<10000x64xf32, #tpu.memory_space<hbm>>) target(%arg10 : memref<128x64xf32, #tpu.memory_space<vmem>>) offsets(%dma_start3A_14 : memref<128xi32, #tpu.memory_space<vmem>>) semaphore(%arg18 : memref<!tpu.dma_semaphore, #tpu.memory_space<semaphore_mem>>)
    %dma_start3A_18 = arith.constant 2 : i32
    %dma_start3A_19 = arith.constant 0 : i32
    %dma_start3A_20 = tpu.memref_slice %arg7[%dma_start3A_18, %dma_start3A_19] : memref<80x128xi32, #tpu.memory_space<vmem>> -> memref<1x128xi32, #tpu.memory_space<vmem>>
    %dma_start3A_21 = tpu.memref_squeeze %dma_start3A_20 : memref<1x128xi32, #tpu.memory_space<vmem>> -> memref<128xi32, #tpu.memory_space<vmem>>
    %dma_start3A_22 = arith.constant 0 : i32
    %dma_start3A_23 = arith.constant 0 : i32
    %dma_start3A_24 = tpu.memref_slice %arg2[%dma_start3A_22, %dma_start3A_23] : memref<10000x64xf32, #tpu.memory_space<hbm>> -> memref<10000x64xf32, #tpu.memory_space<hbm>>
    tpu.enqueue_indirect_dma source(%dma_start3A_24 : memref<10000x64xf32, #tpu.memory_space<hbm>>) target(%arg11 : memref<128x64xf32, #tpu.memory_space<vmem>>) offsets(%dma_start3A_21 : memref<128xi32, #tpu.memory_space<vmem>>) semaphore(%arg19 : memref<!tpu.dma_semaphore, #tpu.memory_space<semaphore_mem>>)
    %dma_start3A_25 = arith.constant 3 : i32
    %dma_start3A_26 = arith.constant 0 : i32
    %dma_start3A_27 = tpu.memref_slice %arg7[%dma_start3A_25, %dma_start3A_26] : memref<80x128xi32, #tpu.memory_space<vmem>> -> memref<1x128xi32, #tpu.memory_space<vmem>>
    %dma_start3A_28 = tpu.memref_squeeze %dma_start3A_27 : memref<1x128xi32, #tpu.memory_space<vmem>> -> memref<128xi32, #tpu.memory_space<vmem>>
    %dma_start3A_29 = arith.constant 0 : i32
    %dma_start3A_30 = arith.constant 0 : i32
    %dma_start3A_31 = tpu.memref_slice %arg2[%dma_start3A_29, %dma_start3A_30] : memref<10000x64xf32, #tpu.memory_space<hbm>> -> memref<10000x64xf32, #tpu.memory_space<hbm>>
    tpu.enqueue_indirect_dma source(%dma_start3A_31 : memref<10000x64xf32, #tpu.memory_space<hbm>>) target(%arg12 : memref<128x64xf32, #tpu.memory_space<vmem>>) offsets(%dma_start3A_28 : memref<128xi32, #tpu.memory_space<vmem>>) semaphore(%arg20 : memref<!tpu.dma_semaphore, #tpu.memory_space<semaphore_mem>>)
    %dma_start3A_32 = arith.constant 4 : i32
    %dma_start3A_33 = arith.constant 0 : i32
    %dma_start3A_34 = tpu.memref_slice %arg7[%dma_start3A_32, %dma_start3A_33] : memref<80x128xi32, #tpu.memory_space<vmem>> -> memref<1x128xi32, #tpu.memory_space<vmem>>
    %dma_start3A_35 = tpu.memref_squeeze %dma_start3A_34 : memref<1x128xi32, #tpu.memory_space<vmem>> -> memref<128xi32, #tpu.memory_space<vmem>>
    %dma_start3A_36 = arith.constant 0 : i32
    %dma_start3A_37 = arith.constant 0 : i32
    %dma_start3A_38 = tpu.memref_slice %arg2[%dma_start3A_36, %dma_start3A_37] : memref<10000x64xf32, #tpu.memory_space<hbm>> -> memref<10000x64xf32, #tpu.memory_space<hbm>>
    tpu.enqueue_indirect_dma source(%dma_start3A_38 : memref<10000x64xf32, #tpu.memory_space<hbm>>) target(%arg13 : memref<128x64xf32, #tpu.memory_space<vmem>>) offsets(%dma_start3A_35 : memref<128xi32, #tpu.memory_space<vmem>>) semaphore(%arg21 : memref<!tpu.dma_semaphore, #tpu.memory_space<semaphore_mem>>)
    %dma_start3A_39 = arith.constant 5 : i32
    %dma_start3A_40 = arith.constant 0 : i32
    %dma_start3A_41 = tpu.memref_slice %arg7[%dma_start3A_39, %dma_start3A_40] : memref<80x128xi32, #tpu.memory_space<vmem>> -> memref<1x128xi32, #tpu.memory_space<vmem>>
    %dma_start3A_42 = tpu.memref_squeeze %dma_start3A_41 : memref<1x128xi32, #tpu.memory_space<vmem>> -> memref<128xi32, #tpu.memory_space<vmem>>
    %dma_start3A_43 = arith.constant 0 : i32
    %dma_start3A_44 = arith.constant 0 : i32
    %dma_start3A_45 = tpu.memref_slice %arg2[%dma_start3A_43, %dma_start3A_44] : memref<10000x64xf32, #tpu.memory_space<hbm>> -> memref<10000x64xf32, #tpu.memory_space<hbm>>
    tpu.enqueue_indirect_dma source(%dma_start3A_45 : memref<10000x64xf32, #tpu.memory_space<hbm>>) target(%arg14 : memref<128x64xf32, #tpu.memory_space<vmem>>) offsets(%dma_start3A_42 : memref<128xi32, #tpu.memory_space<vmem>>) semaphore(%arg22 : memref<!tpu.dma_semaphore, #tpu.memory_space<semaphore_mem>>)
    %dma_start3A_46 = arith.constant 6 : i32
    %dma_start3A_47 = arith.constant 0 : i32
    %dma_start3A_48 = tpu.memref_slice %arg7[%dma_start3A_46, %dma_start3A_47] : memref<80x128xi32, #tpu.memory_space<vmem>> -> memref<1x128xi32, #tpu.memory_space<vmem>>
    %dma_start3A_49 = tpu.memref_squeeze %dma_start3A_48 : memref<1x128xi32, #tpu.memory_space<vmem>> -> memref<128xi32, #tpu.memory_space<vmem>>
    %dma_start3A_50 = arith.constant 0 : i32
    %dma_start3A_51 = arith.constant 0 : i32
    %dma_start3A_52 = tpu.memref_slice %arg2[%dma_start3A_50, %dma_start3A_51] : memref<10000x64xf32, #tpu.memory_space<hbm>> -> memref<10000x64xf32, #tpu.memory_space<hbm>>
    tpu.enqueue_indirect_dma source(%dma_start3A_52 : memref<10000x64xf32, #tpu.memory_space<hbm>>) target(%arg15 : memref<128x64xf32, #tpu.memory_space<vmem>>) offsets(%dma_start3A_49 : memref<128xi32, #tpu.memory_space<vmem>>) semaphore(%arg23 : memref<!tpu.dma_semaphore, #tpu.memory_space<semaphore_mem>>)
    %dma_start3A_53 = arith.constant 7 : i32
    %dma_start3A_54 = arith.constant 0 : i32
    %dma_start3A_55 = tpu.memref_slice %arg7[%dma_start3A_53, %dma_start3A_54] : memref<80x128xi32, #tpu.memory_space<vmem>> -> memref<1x128xi32, #tpu.memory_space<vmem>>
    %dma_start3A_56 = tpu.memref_squeeze %dma_start3A_55 : memref<1x128xi32, #tpu.memory_space<vmem>> -> memref<128xi32, #tpu.memory_space<vmem>>
    %dma_start3A_57 = arith.constant 0 : i32
    %dma_start3A_58 = arith.constant 0 : i32
    %dma_start3A_59 = tpu.memref_slice %arg2[%dma_start3A_57, %dma_start3A_58] : memref<10000x64xf32, #tpu.memory_space<hbm>> -> memref<10000x64xf32, #tpu.memory_space<hbm>>
    tpu.enqueue_indirect_dma source(%dma_start3A_59 : memref<10000x64xf32, #tpu.memory_space<hbm>>) target(%arg16 : memref<128x64xf32, #tpu.memory_space<vmem>>) offsets(%dma_start3A_56 : memref<128xi32, #tpu.memory_space<vmem>>) semaphore(%arg24 : memref<!tpu.dma_semaphore, #tpu.memory_space<semaphore_mem>>)
    %scan3A = arith.constant 0 : i32
    %scan3A_60 = arith.constant 0 : i32
    %scan3A_61 = arith.constant 10 : i32
    %scan3A_62 = arith.addi %scan3A_60, %scan3A_61 : i32
    %scan3A_63 = arith.constant 1 : i32
    scf.for %scan3A_113 = %scan3A_60 to %scan3A_62 step %scan3A_63  : i32 {
      %mul3A_114 = arith.constant 8 : i32
      %mul3A_115 = arith.muli %mul3A_114, %scan3A_113 : i32
      %dma_wait3A_116 = arith.constant 0 : i32
      %dma_wait3A_117 = arith.constant 0 : i32
      %dma_wait3A_118 = tpu.memref_slice %arg2[%dma_wait3A_116, %dma_wait3A_117] : memref<10000x64xf32, #tpu.memory_space<hbm>> -> memref<128x64xf32, #tpu.memory_space<hbm>>
      %dma_wait3A_119 = arith.constant 0 : i32
      %dma_wait3A_120 = arith.constant 0 : i32
      %dma_wait3A_121 = tpu.memref_slice %arg2[%dma_wait3A_119, %dma_wait3A_120] : memref<10000x64xf32, #tpu.memory_space<hbm>> -> memref<128x64xf32, #tpu.memory_space<hbm>>
      tpu.wait_dma2 semaphore(%arg17 : memref<!tpu.dma_semaphore, #tpu.memory_space<semaphore_mem>>) src(%dma_wait3A_121 : memref<128x64xf32, #tpu.memory_space<hbm>>) dst(%arg9 : memref<128x64xf32, #tpu.memory_space<vmem>>)
      %add3A_122 = arith.constant 0 : i32
      %add3A_123 = arith.addi %mul3A_115, %add3A_122 : i32
      %dma_start3A_124 = arith.constant 0 : i32
      %dma_start3A_125 = tpu.memref_slice %arg8[%add3A_123, %dma_start3A_124] : memref<80x128xi32, #tpu.memory_space<vmem>> -> memref<1x128xi32, #tpu.memory_space<vmem>>
      %dma_start3A_126 = tpu.memref_squeeze %dma_start3A_125 : memref<1x128xi32, #tpu.memory_space<vmem>> -> memref<128xi32, #tpu.memory_space<vmem>>
      %dma_start3A_127 = arith.constant 0 : i32
      %dma_start3A_128 = arith.constant 0 : i32
      %dma_start3A_129 = tpu.memref_slice %arg33[%dma_start3A_127, %dma_start3A_128] : memref<10240x64xf32, #tpu.memory_space<vmem_shared>> -> memref<10240x64xf32, #tpu.memory_space<vmem_shared>>
      tpu.enqueue_indirect_dma source(%arg9 : memref<128x64xf32, #tpu.memory_space<vmem>>) target(%dma_start3A_129 : memref<10240x64xf32, #tpu.memory_space<vmem_shared>>) offsets(%dma_start3A_126 : memref<128xi32, #tpu.memory_space<vmem>>) semaphore(%arg25 : memref<!tpu.dma_semaphore, #tpu.memory_space<semaphore_mem>>) {add = true}
      %dma_wait3A_130 = arith.constant 0 : i32
      %dma_wait3A_131 = arith.constant 0 : i32
      %dma_wait3A_132 = tpu.memref_slice %arg2[%dma_wait3A_130, %dma_wait3A_131] : memref<10000x64xf32, #tpu.memory_space<hbm>> -> memref<128x64xf32, #tpu.memory_space<hbm>>
      %dma_wait3A_133 = arith.constant 0 : i32
      %dma_wait3A_134 = arith.constant 0 : i32
      %dma_wait3A_135 = tpu.memref_slice %arg2[%dma_wait3A_133, %dma_wait3A_134] : memref<10000x64xf32, #tpu.memory_space<hbm>> -> memref<128x64xf32, #tpu.memory_space<hbm>>
      tpu.wait_dma2 semaphore(%arg18 : memref<!tpu.dma_semaphore, #tpu.memory_space<semaphore_mem>>) src(%dma_wait3A_135 : memref<128x64xf32, #tpu.memory_space<hbm>>) dst(%arg10 : memref<128x64xf32, #tpu.memory_space<vmem>>)
      %add3A_136 = arith.constant 1 : i32
      %add3A_137 = arith.addi %mul3A_115, %add3A_136 : i32
      %dma_start3A_138 = arith.constant 0 : i32
      %dma_start3A_139 = tpu.memref_slice %arg8[%add3A_137, %dma_start3A_138] : memref<80x128xi32, #tpu.memory_space<vmem>> -> memref<1x128xi32, #tpu.memory_space<vmem>>
      %dma_start3A_140 = tpu.memref_squeeze %dma_start3A_139 : memref<1x128xi32, #tpu.memory_space<vmem>> -> memref<128xi32, #tpu.memory_space<vmem>>
      %dma_start3A_141 = arith.constant 0 : i32
      %dma_start3A_142 = arith.constant 0 : i32
      %dma_start3A_143 = tpu.memref_slice %arg33[%dma_start3A_141, %dma_start3A_142] : memref<10240x64xf32, #tpu.memory_space<vmem_shared>> -> memref<10240x64xf32, #tpu.memory_space<vmem_shared>>
      tpu.enqueue_indirect_dma source(%arg10 : memref<128x64xf32, #tpu.memory_space<vmem>>) target(%dma_start3A_143 : memref<10240x64xf32, #tpu.memory_space<vmem_shared>>) offsets(%dma_start3A_140 : memref<128xi32, #tpu.memory_space<vmem>>) semaphore(%arg26 : memref<!tpu.dma_semaphore, #tpu.memory_space<semaphore_mem>>) {add = true}
      %dma_wait3A_144 = arith.constant 0 : i32
      %dma_wait3A_145 = arith.constant 0 : i32
      %dma_wait3A_146 = tpu.memref_slice %arg2[%dma_wait3A_144, %dma_wait3A_145] : memref<10000x64xf32, #tpu.memory_space<hbm>> -> memref<128x64xf32, #tpu.memory_space<hbm>>
      %dma_wait3A_147 = arith.constant 0 : i32
      %dma_wait3A_148 = arith.constant 0 : i32
      %dma_wait3A_149 = tpu.memref_slice %arg2[%dma_wait3A_147, %dma_wait3A_148] : memref<10000x64xf32, #tpu.memory_space<hbm>> -> memref<128x64xf32, #tpu.memory_space<hbm>>
      tpu.wait_dma2 semaphore(%arg19 : memref<!tpu.dma_semaphore, #tpu.memory_space<semaphore_mem>>) src(%dma_wait3A_149 : memref<128x64xf32, #tpu.memory_space<hbm>>) dst(%arg11 : memref<128x64xf32, #tpu.memory_space<vmem>>)
      %add3A_150 = arith.constant 2 : i32
      %add3A_151 = arith.addi %mul3A_115, %add3A_150 : i32
      %dma_start3A_152 = arith.constant 0 : i32
      %dma_start3A_153 = tpu.memref_slice %arg8[%add3A_151, %dma_start3A_152] : memref<80x128xi32, #tpu.memory_space<vmem>> -> memref<1x128xi32, #tpu.memory_space<vmem>>
      %dma_start3A_154 = tpu.memref_squeeze %dma_start3A_153 : memref<1x128xi32, #tpu.memory_space<vmem>> -> memref<128xi32, #tpu.memory_space<vmem>>
      %dma_start3A_155 = arith.constant 0 : i32
      %dma_start3A_156 = arith.constant 0 : i32
      %dma_start3A_157 = tpu.memref_slice %arg33[%dma_start3A_155, %dma_start3A_156] : memref<10240x64xf32, #tpu.memory_space<vmem_shared>> -> memref<10240x64xf32, #tpu.memory_space<vmem_shared>>
      tpu.enqueue_indirect_dma source(%arg11 : memref<128x64xf32, #tpu.memory_space<vmem>>) target(%dma_start3A_157 : memref<10240x64xf32, #tpu.memory_space<vmem_shared>>) offsets(%dma_start3A_154 : memref<128xi32, #tpu.memory_space<vmem>>) semaphore(%arg27 : memref<!tpu.dma_semaphore, #tpu.memory_space<semaphore_mem>>) {add = true}
      %dma_wait3A_158 = arith.constant 0 : i32
      %dma_wait3A_159 = arith.constant 0 : i32
      %dma_wait3A_160 = tpu.memref_slice %arg2[%dma_wait3A_158, %dma_wait3A_159] : memref<10000x64xf32, #tpu.memory_space<hbm>> -> memref<128x64xf32, #tpu.memory_space<hbm>>
      %dma_wait3A_161 = arith.constant 0 : i32
      %dma_wait3A_162 = arith.constant 0 : i32
      %dma_wait3A_163 = tpu.memref_slice %arg2[%dma_wait3A_161, %dma_wait3A_162] : memref<10000x64xf32, #tpu.memory_space<hbm>> -> memref<128x64xf32, #tpu.memory_space<hbm>>
      tpu.wait_dma2 semaphore(%arg20 : memref<!tpu.dma_semaphore, #tpu.memory_space<semaphore_mem>>) src(%dma_wait3A_163 : memref<128x64xf32, #tpu.memory_space<hbm>>) dst(%arg12 : memref<128x64xf32, #tpu.memory_space<vmem>>)
      %add3A_164 = arith.constant 3 : i32
      %add3A_165 = arith.addi %mul3A_115, %add3A_164 : i32
      %dma_start3A_166 = arith.constant 0 : i32
      %dma_start3A_167 = tpu.memref_slice %arg8[%add3A_165, %dma_start3A_166] : memref<80x128xi32, #tpu.memory_space<vmem>> -> memref<1x128xi32, #tpu.memory_space<vmem>>
      %dma_start3A_168 = tpu.memref_squeeze %dma_start3A_167 : memref<1x128xi32, #tpu.memory_space<vmem>> -> memref<128xi32, #tpu.memory_space<vmem>>
      %dma_start3A_169 = arith.constant 0 : i32
      %dma_start3A_170 = arith.constant 0 : i32
      %dma_start3A_171 = tpu.memref_slice %arg33[%dma_start3A_169, %dma_start3A_170] : memref<10240x64xf32, #tpu.memory_space<vmem_shared>> -> memref<10240x64xf32, #tpu.memory_space<vmem_shared>>
      tpu.enqueue_indirect_dma source(%arg12 : memref<128x64xf32, #tpu.memory_space<vmem>>) target(%dma_start3A_171 : memref<10240x64xf32, #tpu.memory_space<vmem_shared>>) offsets(%dma_start3A_168 : memref<128xi32, #tpu.memory_space<vmem>>) semaphore(%arg28 : memref<!tpu.dma_semaphore, #tpu.memory_space<semaphore_mem>>) {add = true}
      %dma_wait3A_172 = arith.constant 0 : i32
      %dma_wait3A_173 = arith.constant 0 : i32
      %dma_wait3A_174 = tpu.memref_slice %arg2[%dma_wait3A_172, %dma_wait3A_173] : memref<10000x64xf32, #tpu.memory_space<hbm>> -> memref<128x64xf32, #tpu.memory_space<hbm>>
      %dma_wait3A_175 = arith.constant 0 : i32
      %dma_wait3A_176 = arith.constant 0 : i32
      %dma_wait3A_177 = tpu.memref_slice %arg2[%dma_wait3A_175, %dma_wait3A_176] : memref<10000x64xf32, #tpu.memory_space<hbm>> -> memref<128x64xf32, #tpu.memory_space<hbm>>
      tpu.wait_dma2 semaphore(%arg21 : memref<!tpu.dma_semaphore, #tpu.memory_space<semaphore_mem>>) src(%dma_wait3A_177 : memref<128x64xf32, #tpu.memory_space<hbm>>) dst(%arg13 : memref<128x64xf32, #tpu.memory_space<vmem>>)
      %add3A_178 = arith.constant 4 : i32
      %add3A_179 = arith.addi %mul3A_115, %add3A_178 : i32
      %dma_start3A_180 = arith.constant 0 : i32
      %dma_start3A_181 = tpu.memref_slice %arg8[%add3A_179, %dma_start3A_180] : memref<80x128xi32, #tpu.memory_space<vmem>> -> memref<1x128xi32, #tpu.memory_space<vmem>>
      %dma_start3A_182 = tpu.memref_squeeze %dma_start3A_181 : memref<1x128xi32, #tpu.memory_space<vmem>> -> memref<128xi32, #tpu.memory_space<vmem>>
      %dma_start3A_183 = arith.constant 0 : i32
      %dma_start3A_184 = arith.constant 0 : i32
      %dma_start3A_185 = tpu.memref_slice %arg33[%dma_start3A_183, %dma_start3A_184] : memref<10240x64xf32, #tpu.memory_space<vmem_shared>> -> memref<10240x64xf32, #tpu.memory_space<vmem_shared>>
      tpu.enqueue_indirect_dma source(%arg13 : memref<128x64xf32, #tpu.memory_space<vmem>>) target(%dma_start3A_185 : memref<10240x64xf32, #tpu.memory_space<vmem_shared>>) offsets(%dma_start3A_182 : memref<128xi32, #tpu.memory_space<vmem>>) semaphore(%arg29 : memref<!tpu.dma_semaphore, #tpu.memory_space<semaphore_mem>>) {add = true}
      %dma_wait3A_186 = arith.constant 0 : i32
      %dma_wait3A_187 = arith.constant 0 : i32
      %dma_wait3A_188 = tpu.memref_slice %arg2[%dma_wait3A_186, %dma_wait3A_187] : memref<10000x64xf32, #tpu.memory_space<hbm>> -> memref<128x64xf32, #tpu.memory_space<hbm>>
      %dma_wait3A_189 = arith.constant 0 : i32
      %dma_wait3A_190 = arith.constant 0 : i32
      %dma_wait3A_191 = tpu.memref_slice %arg2[%dma_wait3A_189, %dma_wait3A_190] : memref<10000x64xf32, #tpu.memory_space<hbm>> -> memref<128x64xf32, #tpu.memory_space<hbm>>
      tpu.wait_dma2 semaphore(%arg22 : memref<!tpu.dma_semaphore, #tpu.memory_space<semaphore_mem>>) src(%dma_wait3A_191 : memref<128x64xf32, #tpu.memory_space<hbm>>) dst(%arg14 : memref<128x64xf32, #tpu.memory_space<vmem>>)
      %add3A_192 = arith.constant 5 : i32
      %add3A_193 = arith.addi %mul3A_115, %add3A_192 : i32
      %dma_start3A_194 = arith.constant 0 : i32
      %dma_start3A_195 = tpu.memref_slice %arg8[%add3A_193, %dma_start3A_194] : memref<80x128xi32, #tpu.memory_space<vmem>> -> memref<1x128xi32, #tpu.memory_space<vmem>>
      %dma_start3A_196 = tpu.memref_squeeze %dma_start3A_195 : memref<1x128xi32, #tpu.memory_space<vmem>> -> memref<128xi32, #tpu.memory_space<vmem>>
      %dma_start3A_197 = arith.constant 0 : i32
      %dma_start3A_198 = arith.constant 0 : i32
      %dma_start3A_199 = tpu.memref_slice %arg33[%dma_start3A_197, %dma_start3A_198] : memref<10240x64xf32, #tpu.memory_space<vmem_shared>> -> memref<10240x64xf32, #tpu.memory_space<vmem_shared>>
      tpu.enqueue_indirect_dma source(%arg14 : memref<128x64xf32, #tpu.memory_space<vmem>>) target(%dma_start3A_199 : memref<10240x64xf32, #tpu.memory_space<vmem_shared>>) offsets(%dma_start3A_196 : memref<128xi32, #tpu.memory_space<vmem>>) semaphore(%arg30 : memref<!tpu.dma_semaphore, #tpu.memory_space<semaphore_mem>>) {add = true}
      %dma_wait3A_200 = arith.constant 0 : i32
      %dma_wait3A_201 = arith.constant 0 : i32
      %dma_wait3A_202 = tpu.memref_slice %arg2[%dma_wait3A_200, %dma_wait3A_201] : memref<10000x64xf32, #tpu.memory_space<hbm>> -> memref<128x64xf32, #tpu.memory_space<hbm>>
      %dma_wait3A_203 = arith.constant 0 : i32
      %dma_wait3A_204 = arith.constant 0 : i32
      %dma_wait3A_205 = tpu.memref_slice %arg2[%dma_wait3A_203, %dma_wait3A_204] : memref<10000x64xf32, #tpu.memory_space<hbm>> -> memref<128x64xf32, #tpu.memory_space<hbm>>
      tpu.wait_dma2 semaphore(%arg23 : memref<!tpu.dma_semaphore, #tpu.memory_space<semaphore_mem>>) src(%dma_wait3A_205 : memref<128x64xf32, #tpu.memory_space<hbm>>) dst(%arg15 : memref<128x64xf32, #tpu.memory_space<vmem>>)
      %add3A_206 = arith.constant 6 : i32
      %add3A_207 = arith.addi %mul3A_115, %add3A_206 : i32
      %dma_start3A_208 = arith.constant 0 : i32
      %dma_start3A_209 = tpu.memref_slice %arg8[%add3A_207, %dma_start3A_208] : memref<80x128xi32, #tpu.memory_space<vmem>> -> memref<1x128xi32, #tpu.memory_space<vmem>>
      %dma_start3A_210 = tpu.memref_squeeze %dma_start3A_209 : memref<1x128xi32, #tpu.memory_space<vmem>> -> memref<128xi32, #tpu.memory_space<vmem>>
      %dma_start3A_211 = arith.constant 0 : i32
      %dma_start3A_212 = arith.constant 0 : i32
      %dma_start3A_213 = tpu.memref_slice %arg33[%dma_start3A_211, %dma_start3A_212] : memref<10240x64xf32, #tpu.memory_space<vmem_shared>> -> memref<10240x64xf32, #tpu.memory_space<vmem_shared>>
      tpu.enqueue_indirect_dma source(%arg15 : memref<128x64xf32, #tpu.memory_space<vmem>>) target(%dma_start3A_213 : memref<10240x64xf32, #tpu.memory_space<vmem_shared>>) offsets(%dma_start3A_210 : memref<128xi32, #tpu.memory_space<vmem>>) semaphore(%arg31 : memref<!tpu.dma_semaphore, #tpu.memory_space<semaphore_mem>>) {add = true}
      %dma_wait3A_214 = arith.constant 0 : i32
      %dma_wait3A_215 = arith.constant 0 : i32
      %dma_wait3A_216 = tpu.memref_slice %arg2[%dma_wait3A_214, %dma_wait3A_215] : memref<10000x64xf32, #tpu.memory_space<hbm>> -> memref<128x64xf32, #tpu.memory_space<hbm>>
      %dma_wait3A_217 = arith.constant 0 : i32
      %dma_wait3A_218 = arith.constant 0 : i32
      %dma_wait3A_219 = tpu.memref_slice %arg2[%dma_wait3A_217, %dma_wait3A_218] : memref<10000x64xf32, #tpu.memory_space<hbm>> -> memref<128x64xf32, #tpu.memory_space<hbm>>
      tpu.wait_dma2 semaphore(%arg24 : memref<!tpu.dma_semaphore, #tpu.memory_space<semaphore_mem>>) src(%dma_wait3A_219 : memref<128x64xf32, #tpu.memory_space<hbm>>) dst(%arg16 : memref<128x64xf32, #tpu.memory_space<vmem>>)
      %add3A_220 = arith.constant 7 : i32
      %add3A_221 = arith.addi %mul3A_115, %add3A_220 : i32
      %dma_start3A_222 = arith.constant 0 : i32
      %dma_start3A_223 = tpu.memref_slice %arg8[%add3A_221, %dma_start3A_222] : memref<80x128xi32, #tpu.memory_space<vmem>> -> memref<1x128xi32, #tpu.memory_space<vmem>>
      %dma_start3A_224 = tpu.memref_squeeze %dma_start3A_223 : memref<1x128xi32, #tpu.memory_space<vmem>> -> memref<128xi32, #tpu.memory_space<vmem>>
      %dma_start3A_225 = arith.constant 0 : i32
      %dma_start3A_226 = arith.constant 0 : i32
      %dma_start3A_227 = tpu.memref_slice %arg33[%dma_start3A_225, %dma_start3A_226] : memref<10240x64xf32, #tpu.memory_space<vmem_shared>> -> memref<10240x64xf32, #tpu.memory_space<vmem_shared>>
      tpu.enqueue_indirect_dma source(%arg16 : memref<128x64xf32, #tpu.memory_space<vmem>>) target(%dma_start3A_227 : memref<10240x64xf32, #tpu.memory_space<vmem_shared>>) offsets(%dma_start3A_224 : memref<128xi32, #tpu.memory_space<vmem>>) semaphore(%arg32 : memref<!tpu.dma_semaphore, #tpu.memory_space<semaphore_mem>>) {add = true}
      %add3A_228 = arith.constant 8 : i32
      %add3A_229 = arith.addi %mul3A_115, %add3A_228 : i32
      %add3A_230 = arith.constant 0 : i32
      %add3A_231 = arith.addi %add3A_229, %add3A_230 : i32
      %lt3A = arith.constant 80 : i32
      %lt3A_232 = arith.cmpi slt, %add3A_231, %lt3A : i32
      %convert_element_type3A = arith.extui %lt3A_232 : i1 to i32
      %cond3A = arith.constant 0 : i32
      %cond3A_233 = arith.cmpi ne, %convert_element_type3A, %cond3A : i32
      scf.if %cond3A_233 {
        %dma_wait3A_297 = arith.constant 0 : i32
        %dma_wait3A_298 = arith.constant 0 : i32
        %dma_wait3A_299 = tpu.memref_slice %arg33[%dma_wait3A_297, %dma_wait3A_298] : memref<10240x64xf32, #tpu.memory_space<vmem_shared>> -> memref<128x64xf32, #tpu.memory_space<vmem_shared>>
        %dma_wait3A_300 = arith.constant 0 : i32
        %dma_wait3A_301 = arith.constant 0 : i32
        %dma_wait3A_302 = tpu.memref_slice %arg33[%dma_wait3A_300, %dma_wait3A_301] : memref<10240x64xf32, #tpu.memory_space<vmem_shared>> -> memref<128x64xf32, #tpu.memory_space<vmem_shared>>
        tpu.wait_dma2 semaphore(%arg25 : memref<!tpu.dma_semaphore, #tpu.memory_space<semaphore_mem>>) src(%arg9 : memref<128x64xf32, #tpu.memory_space<vmem>>) dst(%dma_wait3A_302 : memref<128x64xf32, #tpu.memory_space<vmem_shared>>)
        %dma_start3A_303 = arith.constant 0 : i32
        %dma_start3A_304 = tpu.memref_slice %arg7[%add3A_231, %dma_start3A_303] : memref<80x128xi32, #tpu.memory_space<vmem>> -> memref<1x128xi32, #tpu.memory_space<vmem>>
        %dma_start3A_305 = tpu.memref_squeeze %dma_start3A_304 : memref<1x128xi32, #tpu.memory_space<vmem>> -> memref<128xi32, #tpu.memory_space<vmem>>
        %dma_start3A_306 = arith.constant 0 : i32
        %dma_start3A_307 = arith.constant 0 : i32
        %dma_start3A_308 = tpu.memref_slice %arg2[%dma_start3A_306, %dma_start3A_307] : memref<10000x64xf32, #tpu.memory_space<hbm>> -> memref<10000x64xf32, #tpu.memory_space<hbm>>
        tpu.enqueue_indirect_dma source(%dma_start3A_308 : memref<10000x64xf32, #tpu.memory_space<hbm>>) target(%arg9 : memref<128x64xf32, #tpu.memory_space<vmem>>) offsets(%dma_start3A_305 : memref<128xi32, #tpu.memory_space<vmem>>) semaphore(%arg17 : memref<!tpu.dma_semaphore, #tpu.memory_space<semaphore_mem>>)
      } else {
      }
      %add3A_234 = arith.constant 8 : i32
      %add3A_235 = arith.addi %mul3A_115, %add3A_234 : i32
      %add3A_236 = arith.constant 1 : i32
      %add3A_237 = arith.addi %add3A_235, %add3A_236 : i32
      %lt3A_238 = arith.constant 80 : i32
      %lt3A_239 = arith.cmpi slt, %add3A_237, %lt3A_238 : i32
      %convert_element_type3A_240 = arith.extui %lt3A_239 : i1 to i32
      %cond3A_241 = arith.constant 0 : i32
      %cond3A_242 = arith.cmpi ne, %convert_element_type3A_240, %cond3A_241 : i32
      scf.if %cond3A_242 {
        %dma_wait3A_297 = arith.constant 0 : i32
        %dma_wait3A_298 = arith.constant 0 : i32
        %dma_wait3A_299 = tpu.memref_slice %arg33[%dma_wait3A_297, %dma_wait3A_298] : memref<10240x64xf32, #tpu.memory_space<vmem_shared>> -> memref<128x64xf32, #tpu.memory_space<vmem_shared>>
        %dma_wait3A_300 = arith.constant 0 : i32
        %dma_wait3A_301 = arith.constant 0 : i32
        %dma_wait3A_302 = tpu.memref_slice %arg33[%dma_wait3A_300, %dma_wait3A_301] : memref<10240x64xf32, #tpu.memory_space<vmem_shared>> -> memref<128x64xf32, #tpu.memory_space<vmem_shared>>
        tpu.wait_dma2 semaphore(%arg26 : memref<!tpu.dma_semaphore, #tpu.memory_space<semaphore_mem>>) src(%arg10 : memref<128x64xf32, #tpu.memory_space<vmem>>) dst(%dma_wait3A_302 : memref<128x64xf32, #tpu.memory_space<vmem_shared>>)
        %dma_start3A_303 = arith.constant 0 : i32
        %dma_start3A_304 = tpu.memref_slice %arg7[%add3A_237, %dma_start3A_303] : memref<80x128xi32, #tpu.memory_space<vmem>> -> memref<1x128xi32, #tpu.memory_space<vmem>>
        %dma_start3A_305 = tpu.memref_squeeze %dma_start3A_304 : memref<1x128xi32, #tpu.memory_space<vmem>> -> memref<128xi32, #tpu.memory_space<vmem>>
        %dma_start3A_306 = arith.constant 0 : i32
        %dma_start3A_307 = arith.constant 0 : i32
        %dma_start3A_308 = tpu.memref_slice %arg2[%dma_start3A_306, %dma_start3A_307] : memref<10000x64xf32, #tpu.memory_space<hbm>> -> memref<10000x64xf32, #tpu.memory_space<hbm>>
        tpu.enqueue_indirect_dma source(%dma_start3A_308 : memref<10000x64xf32, #tpu.memory_space<hbm>>) target(%arg10 : memref<128x64xf32, #tpu.memory_space<vmem>>) offsets(%dma_start3A_305 : memref<128xi32, #tpu.memory_space<vmem>>) semaphore(%arg18 : memref<!tpu.dma_semaphore, #tpu.memory_space<semaphore_mem>>)
      } else {
      }
      %add3A_243 = arith.constant 8 : i32
      %add3A_244 = arith.addi %mul3A_115, %add3A_243 : i32
      %add3A_245 = arith.constant 2 : i32
      %add3A_246 = arith.addi %add3A_244, %add3A_245 : i32
      %lt3A_247 = arith.constant 80 : i32
      %lt3A_248 = arith.cmpi slt, %add3A_246, %lt3A_247 : i32
      %convert_element_type3A_249 = arith.extui %lt3A_248 : i1 to i32
      %cond3A_250 = arith.constant 0 : i32
      %cond3A_251 = arith.cmpi ne, %convert_element_type3A_249, %cond3A_250 : i32
      scf.if %cond3A_251 {
        %dma_wait3A_297 = arith.constant 0 : i32
        %dma_wait3A_298 = arith.constant 0 : i32
        %dma_wait3A_299 = tpu.memref_slice %arg33[%dma_wait3A_297, %dma_wait3A_298] : memref<10240x64xf32, #tpu.memory_space<vmem_shared>> -> memref<128x64xf32, #tpu.memory_space<vmem_shared>>
        %dma_wait3A_300 = arith.constant 0 : i32
        %dma_wait3A_301 = arith.constant 0 : i32
        %dma_wait3A_302 = tpu.memref_slice %arg33[%dma_wait3A_300, %dma_wait3A_301] : memref<10240x64xf32, #tpu.memory_space<vmem_shared>> -> memref<128x64xf32, #tpu.memory_space<vmem_shared>>
        tpu.wait_dma2 semaphore(%arg27 : memref<!tpu.dma_semaphore, #tpu.memory_space<semaphore_mem>>) src(%arg11 : memref<128x64xf32, #tpu.memory_space<vmem>>) dst(%dma_wait3A_302 : memref<128x64xf32, #tpu.memory_space<vmem_shared>>)
        %dma_start3A_303 = arith.constant 0 : i32
        %dma_start3A_304 = tpu.memref_slice %arg7[%add3A_246, %dma_start3A_303] : memref<80x128xi32, #tpu.memory_space<vmem>> -> memref<1x128xi32, #tpu.memory_space<vmem>>
        %dma_start3A_305 = tpu.memref_squeeze %dma_start3A_304 : memref<1x128xi32, #tpu.memory_space<vmem>> -> memref<128xi32, #tpu.memory_space<vmem>>
        %dma_start3A_306 = arith.constant 0 : i32
        %dma_start3A_307 = arith.constant 0 : i32
        %dma_start3A_308 = tpu.memref_slice %arg2[%dma_start3A_306, %dma_start3A_307] : memref<10000x64xf32, #tpu.memory_space<hbm>> -> memref<10000x64xf32, #tpu.memory_space<hbm>>
        tpu.enqueue_indirect_dma source(%dma_start3A_308 : memref<10000x64xf32, #tpu.memory_space<hbm>>) target(%arg11 : memref<128x64xf32, #tpu.memory_space<vmem>>) offsets(%dma_start3A_305 : memref<128xi32, #tpu.memory_space<vmem>>) semaphore(%arg19 : memref<!tpu.dma_semaphore, #tpu.memory_space<semaphore_mem>>)
      } else {
      }
      %add3A_252 = arith.constant 8 : i32
      %add3A_253 = arith.addi %mul3A_115, %add3A_252 : i32
      %add3A_254 = arith.constant 3 : i32
      %add3A_255 = arith.addi %add3A_253, %add3A_254 : i32
      %lt3A_256 = arith.constant 80 : i32
      %lt3A_257 = arith.cmpi slt, %add3A_255, %lt3A_256 : i32
      %convert_element_type3A_258 = arith.extui %lt3A_257 : i1 to i32
      %cond3A_259 = arith.constant 0 : i32
      %cond3A_260 = arith.cmpi ne, %convert_element_type3A_258, %cond3A_259 : i32
      scf.if %cond3A_260 {
        %dma_wait3A_297 = arith.constant 0 : i32
        %dma_wait3A_298 = arith.constant 0 : i32
        %dma_wait3A_299 = tpu.memref_slice %arg33[%dma_wait3A_297, %dma_wait3A_298] : memref<10240x64xf32, #tpu.memory_space<vmem_shared>> -> memref<128x64xf32, #tpu.memory_space<vmem_shared>>
        %dma_wait3A_300 = arith.constant 0 : i32
        %dma_wait3A_301 = arith.constant 0 : i32
        %dma_wait3A_302 = tpu.memref_slice %arg33[%dma_wait3A_300, %dma_wait3A_301] : memref<10240x64xf32, #tpu.memory_space<vmem_shared>> -> memref<128x64xf32, #tpu.memory_space<vmem_shared>>
        tpu.wait_dma2 semaphore(%arg28 : memref<!tpu.dma_semaphore, #tpu.memory_space<semaphore_mem>>) src(%arg12 : memref<128x64xf32, #tpu.memory_space<vmem>>) dst(%dma_wait3A_302 : memref<128x64xf32, #tpu.memory_space<vmem_shared>>)
        %dma_start3A_303 = arith.constant 0 : i32
        %dma_start3A_304 = tpu.memref_slice %arg7[%add3A_255, %dma_start3A_303] : memref<80x128xi32, #tpu.memory_space<vmem>> -> memref<1x128xi32, #tpu.memory_space<vmem>>
        %dma_start3A_305 = tpu.memref_squeeze %dma_start3A_304 : memref<1x128xi32, #tpu.memory_space<vmem>> -> memref<128xi32, #tpu.memory_space<vmem>>
        %dma_start3A_306 = arith.constant 0 : i32
        %dma_start3A_307 = arith.constant 0 : i32
        %dma_start3A_308 = tpu.memref_slice %arg2[%dma_start3A_306, %dma_start3A_307] : memref<10000x64xf32, #tpu.memory_space<hbm>> -> memref<10000x64xf32, #tpu.memory_space<hbm>>
        tpu.enqueue_indirect_dma source(%dma_start3A_308 : memref<10000x64xf32, #tpu.memory_space<hbm>>) target(%arg12 : memref<128x64xf32, #tpu.memory_space<vmem>>) offsets(%dma_start3A_305 : memref<128xi32, #tpu.memory_space<vmem>>) semaphore(%arg20 : memref<!tpu.dma_semaphore, #tpu.memory_space<semaphore_mem>>)
      } else {
      }
      %add3A_261 = arith.constant 8 : i32
      %add3A_262 = arith.addi %mul3A_115, %add3A_261 : i32
      %add3A_263 = arith.constant 4 : i32
      %add3A_264 = arith.addi %add3A_262, %add3A_263 : i32
      %lt3A_265 = arith.constant 80 : i32
      %lt3A_266 = arith.cmpi slt, %add3A_264, %lt3A_265 : i32
      %convert_element_type3A_267 = arith.extui %lt3A_266 : i1 to i32
      %cond3A_268 = arith.constant 0 : i32
      %cond3A_269 = arith.cmpi ne, %convert_element_type3A_267, %cond3A_268 : i32
      scf.if %cond3A_269 {
        %dma_wait3A_297 = arith.constant 0 : i32
        %dma_wait3A_298 = arith.constant 0 : i32
        %dma_wait3A_299 = tpu.memref_slice %arg33[%dma_wait3A_297, %dma_wait3A_298] : memref<10240x64xf32, #tpu.memory_space<vmem_shared>> -> memref<128x64xf32, #tpu.memory_space<vmem_shared>>
        %dma_wait3A_300 = arith.constant 0 : i32
        %dma_wait3A_301 = arith.constant 0 : i32
        %dma_wait3A_302 = tpu.memref_slice %arg33[%dma_wait3A_300, %dma_wait3A_301] : memref<10240x64xf32, #tpu.memory_space<vmem_shared>> -> memref<128x64xf32, #tpu.memory_space<vmem_shared>>
        tpu.wait_dma2 semaphore(%arg29 : memref<!tpu.dma_semaphore, #tpu.memory_space<semaphore_mem>>) src(%arg13 : memref<128x64xf32, #tpu.memory_space<vmem>>) dst(%dma_wait3A_302 : memref<128x64xf32, #tpu.memory_space<vmem_shared>>)
        %dma_start3A_303 = arith.constant 0 : i32
        %dma_start3A_304 = tpu.memref_slice %arg7[%add3A_264, %dma_start3A_303] : memref<80x128xi32, #tpu.memory_space<vmem>> -> memref<1x128xi32, #tpu.memory_space<vmem>>
        %dma_start3A_305 = tpu.memref_squeeze %dma_start3A_304 : memref<1x128xi32, #tpu.memory_space<vmem>> -> memref<128xi32, #tpu.memory_space<vmem>>
        %dma_start3A_306 = arith.constant 0 : i32
        %dma_start3A_307 = arith.constant 0 : i32
        %dma_start3A_308 = tpu.memref_slice %arg2[%dma_start3A_306, %dma_start3A_307] : memref<10000x64xf32, #tpu.memory_space<hbm>> -> memref<10000x64xf32, #tpu.memory_space<hbm>>
        tpu.enqueue_indirect_dma source(%dma_start3A_308 : memref<10000x64xf32, #tpu.memory_space<hbm>>) target(%arg13 : memref<128x64xf32, #tpu.memory_space<vmem>>) offsets(%dma_start3A_305 : memref<128xi32, #tpu.memory_space<vmem>>) semaphore(%arg21 : memref<!tpu.dma_semaphore, #tpu.memory_space<semaphore_mem>>)
      } else {
      }
      %add3A_270 = arith.constant 8 : i32
      %add3A_271 = arith.addi %mul3A_115, %add3A_270 : i32
      %add3A_272 = arith.constant 5 : i32
      %add3A_273 = arith.addi %add3A_271, %add3A_272 : i32
      %lt3A_274 = arith.constant 80 : i32
      %lt3A_275 = arith.cmpi slt, %add3A_273, %lt3A_274 : i32
      %convert_element_type3A_276 = arith.extui %lt3A_275 : i1 to i32
      %cond3A_277 = arith.constant 0 : i32
      %cond3A_278 = arith.cmpi ne, %convert_element_type3A_276, %cond3A_277 : i32
      scf.if %cond3A_278 {
        %dma_wait3A_297 = arith.constant 0 : i32
        %dma_wait3A_298 = arith.constant 0 : i32
        %dma_wait3A_299 = tpu.memref_slice %arg33[%dma_wait3A_297, %dma_wait3A_298] : memref<10240x64xf32, #tpu.memory_space<vmem_shared>> -> memref<128x64xf32, #tpu.memory_space<vmem_shared>>
        %dma_wait3A_300 = arith.constant 0 : i32
        %dma_wait3A_301 = arith.constant 0 : i32
        %dma_wait3A_302 = tpu.memref_slice %arg33[%dma_wait3A_300, %dma_wait3A_301] : memref<10240x64xf32, #tpu.memory_space<vmem_shared>> -> memref<128x64xf32, #tpu.memory_space<vmem_shared>>
        tpu.wait_dma2 semaphore(%arg30 : memref<!tpu.dma_semaphore, #tpu.memory_space<semaphore_mem>>) src(%arg14 : memref<128x64xf32, #tpu.memory_space<vmem>>) dst(%dma_wait3A_302 : memref<128x64xf32, #tpu.memory_space<vmem_shared>>)
        %dma_start3A_303 = arith.constant 0 : i32
        %dma_start3A_304 = tpu.memref_slice %arg7[%add3A_273, %dma_start3A_303] : memref<80x128xi32, #tpu.memory_space<vmem>> -> memref<1x128xi32, #tpu.memory_space<vmem>>
        %dma_start3A_305 = tpu.memref_squeeze %dma_start3A_304 : memref<1x128xi32, #tpu.memory_space<vmem>> -> memref<128xi32, #tpu.memory_space<vmem>>
        %dma_start3A_306 = arith.constant 0 : i32
        %dma_start3A_307 = arith.constant 0 : i32
        %dma_start3A_308 = tpu.memref_slice %arg2[%dma_start3A_306, %dma_start3A_307] : memref<10000x64xf32, #tpu.memory_space<hbm>> -> memref<10000x64xf32, #tpu.memory_space<hbm>>
        tpu.enqueue_indirect_dma source(%dma_start3A_308 : memref<10000x64xf32, #tpu.memory_space<hbm>>) target(%arg14 : memref<128x64xf32, #tpu.memory_space<vmem>>) offsets(%dma_start3A_305 : memref<128xi32, #tpu.memory_space<vmem>>) semaphore(%arg22 : memref<!tpu.dma_semaphore, #tpu.memory_space<semaphore_mem>>)
      } else {
      }
      %add3A_279 = arith.constant 8 : i32
      %add3A_280 = arith.addi %mul3A_115, %add3A_279 : i32
      %add3A_281 = arith.constant 6 : i32
      %add3A_282 = arith.addi %add3A_280, %add3A_281 : i32
      %lt3A_283 = arith.constant 80 : i32
      %lt3A_284 = arith.cmpi slt, %add3A_282, %lt3A_283 : i32
      %convert_element_type3A_285 = arith.extui %lt3A_284 : i1 to i32
      %cond3A_286 = arith.constant 0 : i32
      %cond3A_287 = arith.cmpi ne, %convert_element_type3A_285, %cond3A_286 : i32
      scf.if %cond3A_287 {
        %dma_wait3A_297 = arith.constant 0 : i32
        %dma_wait3A_298 = arith.constant 0 : i32
        %dma_wait3A_299 = tpu.memref_slice %arg33[%dma_wait3A_297, %dma_wait3A_298] : memref<10240x64xf32, #tpu.memory_space<vmem_shared>> -> memref<128x64xf32, #tpu.memory_space<vmem_shared>>
        %dma_wait3A_300 = arith.constant 0 : i32
        %dma_wait3A_301 = arith.constant 0 : i32
        %dma_wait3A_302 = tpu.memref_slice %arg33[%dma_wait3A_300, %dma_wait3A_301] : memref<10240x64xf32, #tpu.memory_space<vmem_shared>> -> memref<128x64xf32, #tpu.memory_space<vmem_shared>>
        tpu.wait_dma2 semaphore(%arg31 : memref<!tpu.dma_semaphore, #tpu.memory_space<semaphore_mem>>) src(%arg15 : memref<128x64xf32, #tpu.memory_space<vmem>>) dst(%dma_wait3A_302 : memref<128x64xf32, #tpu.memory_space<vmem_shared>>)
        %dma_start3A_303 = arith.constant 0 : i32
        %dma_start3A_304 = tpu.memref_slice %arg7[%add3A_282, %dma_start3A_303] : memref<80x128xi32, #tpu.memory_space<vmem>> -> memref<1x128xi32, #tpu.memory_space<vmem>>
        %dma_start3A_305 = tpu.memref_squeeze %dma_start3A_304 : memref<1x128xi32, #tpu.memory_space<vmem>> -> memref<128xi32, #tpu.memory_space<vmem>>
        %dma_start3A_306 = arith.constant 0 : i32
        %dma_start3A_307 = arith.constant 0 : i32
        %dma_start3A_308 = tpu.memref_slice %arg2[%dma_start3A_306, %dma_start3A_307] : memref<10000x64xf32, #tpu.memory_space<hbm>> -> memref<10000x64xf32, #tpu.memory_space<hbm>>
        tpu.enqueue_indirect_dma source(%dma_start3A_308 : memref<10000x64xf32, #tpu.memory_space<hbm>>) target(%arg15 : memref<128x64xf32, #tpu.memory_space<vmem>>) offsets(%dma_start3A_305 : memref<128xi32, #tpu.memory_space<vmem>>) semaphore(%arg23 : memref<!tpu.dma_semaphore, #tpu.memory_space<semaphore_mem>>)
      } else {
      }
      %add3A_288 = arith.constant 8 : i32
      %add3A_289 = arith.addi %mul3A_115, %add3A_288 : i32
      %add3A_290 = arith.constant 7 : i32
      %add3A_291 = arith.addi %add3A_289, %add3A_290 : i32
      %lt3A_292 = arith.constant 80 : i32
      %lt3A_293 = arith.cmpi slt, %add3A_291, %lt3A_292 : i32
      %convert_element_type3A_294 = arith.extui %lt3A_293 : i1 to i32
      %cond3A_295 = arith.constant 0 : i32
      %cond3A_296 = arith.cmpi ne, %convert_element_type3A_294, %cond3A_295 : i32
      scf.if %cond3A_296 {
        %dma_wait3A_297 = arith.constant 0 : i32
        %dma_wait3A_298 = arith.constant 0 : i32
        %dma_wait3A_299 = tpu.memref_slice %arg33[%dma_wait3A_297, %dma_wait3A_298] : memref<10240x64xf32, #tpu.memory_space<vmem_shared>> -> memref<128x64xf32, #tpu.memory_space<vmem_shared>>
        %dma_wait3A_300 = arith.constant 0 : i32
        %dma_wait3A_301 = arith.constant 0 : i32
        %dma_wait3A_302 = tpu.memref_slice %arg33[%dma_wait3A_300, %dma_wait3A_301] : memref<10240x64xf32, #tpu.memory_space<vmem_shared>> -> memref<128x64xf32, #tpu.memory_space<vmem_shared>>
        tpu.wait_dma2 semaphore(%arg32 : memref<!tpu.dma_semaphore, #tpu.memory_space<semaphore_mem>>) src(%arg16 : memref<128x64xf32, #tpu.memory_space<vmem>>) dst(%dma_wait3A_302 : memref<128x64xf32, #tpu.memory_space<vmem_shared>>)
        %dma_start3A_303 = arith.constant 0 : i32
        %dma_start3A_304 = tpu.memref_slice %arg7[%add3A_291, %dma_start3A_303] : memref<80x128xi32, #tpu.memory_space<vmem>> -> memref<1x128xi32, #tpu.memory_space<vmem>>
        %dma_start3A_305 = tpu.memref_squeeze %dma_start3A_304 : memref<1x128xi32, #tpu.memory_space<vmem>> -> memref<128xi32, #tpu.memory_space<vmem>>
        %dma_start3A_306 = arith.constant 0 : i32
        %dma_start3A_307 = arith.constant 0 : i32
        %dma_start3A_308 = tpu.memref_slice %arg2[%dma_start3A_306, %dma_start3A_307] : memref<10000x64xf32, #tpu.memory_space<hbm>> -> memref<10000x64xf32, #tpu.memory_space<hbm>>
        tpu.enqueue_indirect_dma source(%dma_start3A_308 : memref<10000x64xf32, #tpu.memory_space<hbm>>) target(%arg16 : memref<128x64xf32, #tpu.memory_space<vmem>>) offsets(%dma_start3A_305 : memref<128xi32, #tpu.memory_space<vmem>>) semaphore(%arg24 : memref<!tpu.dma_semaphore, #tpu.memory_space<semaphore_mem>>)
      } else {
      }
    }
    %scan3A_64 = arith.constant 10 : i32
    %dma_wait3A = arith.constant 0 : i32
    %dma_wait3A_65 = arith.constant 0 : i32
    %dma_wait3A_66 = tpu.memref_slice %arg33[%dma_wait3A, %dma_wait3A_65] : memref<10240x64xf32, #tpu.memory_space<vmem_shared>> -> memref<128x64xf32, #tpu.memory_space<vmem_shared>>
    %dma_wait3A_67 = arith.constant 0 : i32
    %dma_wait3A_68 = arith.constant 0 : i32
    %dma_wait3A_69 = tpu.memref_slice %arg33[%dma_wait3A_67, %dma_wait3A_68] : memref<10240x64xf32, #tpu.memory_space<vmem_shared>> -> memref<128x64xf32, #tpu.memory_space<vmem_shared>>
    tpu.wait_dma2 semaphore(%arg25 : memref<!tpu.dma_semaphore, #tpu.memory_space<semaphore_mem>>) src(%arg9 : memref<128x64xf32, #tpu.memory_space<vmem>>) dst(%dma_wait3A_69 : memref<128x64xf32, #tpu.memory_space<vmem_shared>>)
    %dma_wait3A_70 = arith.constant 0 : i32
    %dma_wait3A_71 = arith.constant 0 : i32
    %dma_wait3A_72 = tpu.memref_slice %arg33[%dma_wait3A_70, %dma_wait3A_71] : memref<10240x64xf32, #tpu.memory_space<vmem_shared>> -> memref<128x64xf32, #tpu.memory_space<vmem_shared>>
    %dma_wait3A_73 = arith.constant 0 : i32
    %dma_wait3A_74 = arith.constant 0 : i32
    %dma_wait3A_75 = tpu.memref_slice %arg33[%dma_wait3A_73, %dma_wait3A_74] : memref<10240x64xf32, #tpu.memory_space<vmem_shared>> -> memref<128x64xf32, #tpu.memory_space<vmem_shared>>
    tpu.wait_dma2 semaphore(%arg26 : memref<!tpu.dma_semaphore, #tpu.memory_space<semaphore_mem>>) src(%arg10 : memref<128x64xf32, #tpu.memory_space<vmem>>) dst(%dma_wait3A_75 : memref<128x64xf32, #tpu.memory_space<vmem_shared>>)
    %dma_wait3A_76 = arith.constant 0 : i32
    %dma_wait3A_77 = arith.constant 0 : i32
    %dma_wait3A_78 = tpu.memref_slice %arg33[%dma_wait3A_76, %dma_wait3A_77] : memref<10240x64xf32, #tpu.memory_space<vmem_shared>> -> memref<128x64xf32, #tpu.memory_space<vmem_shared>>
    %dma_wait3A_79 = arith.constant 0 : i32
    %dma_wait3A_80 = arith.constant 0 : i32
    %dma_wait3A_81 = tpu.memref_slice %arg33[%dma_wait3A_79, %dma_wait3A_80] : memref<10240x64xf32, #tpu.memory_space<vmem_shared>> -> memref<128x64xf32, #tpu.memory_space<vmem_shared>>
    tpu.wait_dma2 semaphore(%arg27 : memref<!tpu.dma_semaphore, #tpu.memory_space<semaphore_mem>>) src(%arg11 : memref<128x64xf32, #tpu.memory_space<vmem>>) dst(%dma_wait3A_81 : memref<128x64xf32, #tpu.memory_space<vmem_shared>>)
    %dma_wait3A_82 = arith.constant 0 : i32
    %dma_wait3A_83 = arith.constant 0 : i32
    %dma_wait3A_84 = tpu.memref_slice %arg33[%dma_wait3A_82, %dma_wait3A_83] : memref<10240x64xf32, #tpu.memory_space<vmem_shared>> -> memref<128x64xf32, #tpu.memory_space<vmem_shared>>
    %dma_wait3A_85 = arith.constant 0 : i32
    %dma_wait3A_86 = arith.constant 0 : i32
    %dma_wait3A_87 = tpu.memref_slice %arg33[%dma_wait3A_85, %dma_wait3A_86] : memref<10240x64xf32, #tpu.memory_space<vmem_shared>> -> memref<128x64xf32, #tpu.memory_space<vmem_shared>>
    tpu.wait_dma2 semaphore(%arg28 : memref<!tpu.dma_semaphore, #tpu.memory_space<semaphore_mem>>) src(%arg12 : memref<128x64xf32, #tpu.memory_space<vmem>>) dst(%dma_wait3A_87 : memref<128x64xf32, #tpu.memory_space<vmem_shared>>)
    %dma_wait3A_88 = arith.constant 0 : i32
    %dma_wait3A_89 = arith.constant 0 : i32
    %dma_wait3A_90 = tpu.memref_slice %arg33[%dma_wait3A_88, %dma_wait3A_89] : memref<10240x64xf32, #tpu.memory_space<vmem_shared>> -> memref<128x64xf32, #tpu.memory_space<vmem_shared>>
    %dma_wait3A_91 = arith.constant 0 : i32
    %dma_wait3A_92 = arith.constant 0 : i32
    %dma_wait3A_93 = tpu.memref_slice %arg33[%dma_wait3A_91, %dma_wait3A_92] : memref<10240x64xf32, #tpu.memory_space<vmem_shared>> -> memref<128x64xf32, #tpu.memory_space<vmem_shared>>
    tpu.wait_dma2 semaphore(%arg29 : memref<!tpu.dma_semaphore, #tpu.memory_space<semaphore_mem>>) src(%arg13 : memref<128x64xf32, #tpu.memory_space<vmem>>) dst(%dma_wait3A_93 : memref<128x64xf32, #tpu.memory_space<vmem_shared>>)
    %dma_wait3A_94 = arith.constant 0 : i32
    %dma_wait3A_95 = arith.constant 0 : i32
    %dma_wait3A_96 = tpu.memref_slice %arg33[%dma_wait3A_94, %dma_wait3A_95] : memref<10240x64xf32, #tpu.memory_space<vmem_shared>> -> memref<128x64xf32, #tpu.memory_space<vmem_shared>>
    %dma_wait3A_97 = arith.constant 0 : i32
    %dma_wait3A_98 = arith.constant 0 : i32
    %dma_wait3A_99 = tpu.memref_slice %arg33[%dma_wait3A_97, %dma_wait3A_98] : memref<10240x64xf32, #tpu.memory_space<vmem_shared>> -> memref<128x64xf32, #tpu.memory_space<vmem_shared>>
    tpu.wait_dma2 semaphore(%arg30 : memref<!tpu.dma_semaphore, #tpu.memory_space<semaphore_mem>>) src(%arg14 : memref<128x64xf32, #tpu.memory_space<vmem>>) dst(%dma_wait3A_99 : memref<128x64xf32, #tpu.memory_space<vmem_shared>>)
    %dma_wait3A_100 = arith.constant 0 : i32
    %dma_wait3A_101 = arith.constant 0 : i32
    %dma_wait3A_102 = tpu.memref_slice %arg33[%dma_wait3A_100, %dma_wait3A_101] : memref<10240x64xf32, #tpu.memory_space<vmem_shared>> -> memref<128x64xf32, #tpu.memory_space<vmem_shared>>
    %dma_wait3A_103 = arith.constant 0 : i32
    %dma_wait3A_104 = arith.constant 0 : i32
    %dma_wait3A_105 = tpu.memref_slice %arg33[%dma_wait3A_103, %dma_wait3A_104] : memref<10240x64xf32, #tpu.memory_space<vmem_shared>> -> memref<128x64xf32, #tpu.memory_space<vmem_shared>>
    tpu.wait_dma2 semaphore(%arg31 : memref<!tpu.dma_semaphore, #tpu.memory_space<semaphore_mem>>) src(%arg15 : memref<128x64xf32, #tpu.memory_space<vmem>>) dst(%dma_wait3A_105 : memref<128x64xf32, #tpu.memory_space<vmem_shared>>)
    %dma_wait3A_106 = arith.constant 0 : i32
    %dma_wait3A_107 = arith.constant 0 : i32
    %dma_wait3A_108 = tpu.memref_slice %arg33[%dma_wait3A_106, %dma_wait3A_107] : memref<10240x64xf32, #tpu.memory_space<vmem_shared>> -> memref<128x64xf32, #tpu.memory_space<vmem_shared>>
    %dma_wait3A_109 = arith.constant 0 : i32
    %dma_wait3A_110 = arith.constant 0 : i32
    %dma_wait3A_111 = tpu.memref_slice %arg33[%dma_wait3A_109, %dma_wait3A_110] : memref<10240x64xf32, #tpu.memory_space<vmem_shared>> -> memref<128x64xf32, #tpu.memory_space<vmem_shared>>
    tpu.wait_dma2 semaphore(%arg32 : memref<!tpu.dma_semaphore, #tpu.memory_space<semaphore_mem>>) src(%arg16 : memref<128x64xf32, #tpu.memory_space<vmem>>) dst(%dma_wait3A_111 : memref<128x64xf32, #tpu.memory_space<vmem_shared>>)
    %barrier3A_112 = arith.constant 0 : index
    tpu.barrier barrier_id(%barrier3A_112)
    "tpu.region"() ({
      %run_scoped3A = tpu.sem_alloc : memref<!tpu.dma_semaphore, #tpu.memory_space<semaphore_mem>>
      %dma_start3A_113 = arith.constant 0 : i32
      %dma_start3A_114 = tpu.memref_slice %arg6[%arg0, %mul3A_2, %dma_start3A_113] : memref<2x10240x64xf32, #tpu.memory_space<hbm>> -> memref<1x640x64xf32, #tpu.memory_space<hbm>>
      %dma_start3A_115 = tpu.memref_squeeze %dma_start3A_114 : memref<1x640x64xf32, #tpu.memory_space<hbm>> -> memref<640x64xf32, #tpu.memory_space<hbm>>
      %dma_start3A_116 = arith.constant 0 : i32
      %dma_start3A_117 = tpu.memref_slice %arg33[%mul3A_2, %dma_start3A_116] : memref<10240x64xf32, #tpu.memory_space<vmem_shared>> -> memref<640x64xf32, #tpu.memory_space<vmem_shared>>
      tpu.enqueue_dma source(%dma_start3A_117 : memref<640x64xf32, #tpu.memory_space<vmem_shared>>) target(%dma_start3A_115 : memref<640x64xf32, #tpu.memory_space<hbm>>) target_semaphore(%run_scoped3A : memref<!tpu.dma_semaphore, #tpu.memory_space<semaphore_mem>>)
      %dma_wait3A_118 = arith.constant 0 : i32
      %dma_wait3A_119 = tpu.memref_slice %arg6[%arg0, %mul3A_2, %dma_wait3A_118] : memref<2x10240x64xf32, #tpu.memory_space<hbm>> -> memref<1x640x64xf32, #tpu.memory_space<hbm>>
      %dma_wait3A_120 = tpu.memref_squeeze %dma_wait3A_119 : memref<1x640x64xf32, #tpu.memory_space<hbm>> -> memref<640x64xf32, #tpu.memory_space<hbm>>
      %dma_wait3A_121 = arith.constant 0 : i32
      %dma_wait3A_122 = tpu.memref_slice %arg33[%mul3A_2, %dma_wait3A_121] : memref<10240x64xf32, #tpu.memory_space<vmem_shared>> -> memref<640x64xf32, #tpu.memory_space<vmem_shared>>
      tpu.wait_dma2 semaphore(%run_scoped3A : memref<!tpu.dma_semaphore, #tpu.memory_space<semaphore_mem>>) src(%dma_wait3A_122 : memref<640x64xf32, #tpu.memory_space<vmem_shared>>) dst(%dma_wait3A_120 : memref<640x64xf32, #tpu.memory_space<hbm>>)
      tpu.yield
    }) : () -> ()
    return
  }
}

#map = affine_map<(d0, d1) -> (0, 0)>
#map1 = affine_map<(d0, d1) -> (0, 0, 0)>
module attributes {stable_mosaic.version = 14 : i64} {
  func.func @_agg_sc(%arg0: i32, %arg1: i32, %arg2: memref<10000x64xf32, #tpu.memory_space<hbm>>, %arg3: memref<2560x128xi32, #tpu.memory_space<hbm>>, %arg4: memref<2560x128xi32, #tpu.memory_space<hbm>>, %arg5: memref<10240x64xf32, #tpu.memory_space<hbm>>, %arg6: memref<2x10240x64xf32, #tpu.memory_space<hbm>>, %arg7: memref<80x128xi32, #tpu.memory_space<vmem>>, %arg8: memref<80x128xi32, #tpu.memory_space<vmem>>, %arg9: memref<128x64xf32, #tpu.memory_space<vmem>>, %arg10: memref<128x64xf32, #tpu.memory_space<vmem>>, %arg11: memref<128x64xf32, #tpu.memory_space<vmem>>, %arg12: memref<128x64xf32, #tpu.memory_space<vmem>>, %arg13: memref<128x64xf32, #tpu.memory_space<vmem>>, %arg14: memref<128x64xf32, #tpu.memory_space<vmem>>, %arg15: memref<128x64xf32, #tpu.memory_space<vmem>>, %arg16: memref<128x64xf32, #tpu.memory_space<vmem>>, %arg17: memref<!tpu.dma_semaphore, #tpu.memory_space<semaphore_mem>>, %arg18: memref<!tpu.dma_semaphore, #tpu.memory_space<semaphore_mem>>, %arg19: memref<!tpu.dma_semaphore, #tpu.memory_space<semaphore_mem>>, %arg20: memref<!tpu.dma_semaphore, #tpu.memory_space<semaphore_mem>>, %arg21: memref<!tpu.dma_semaphore, #tpu.memory_space<semaphore_mem>>, %arg22: memref<!tpu.dma_semaphore, #tpu.memory_space<semaphore_mem>>, %arg23: memref<!tpu.dma_semaphore, #tpu.memory_space<semaphore_mem>>, %arg24: memref<!tpu.dma_semaphore, #tpu.memory_space<semaphore_mem>>, %arg25: memref<!tpu.dma_semaphore, #tpu.memory_space<semaphore_mem>>, %arg26: memref<!tpu.dma_semaphore, #tpu.memory_space<semaphore_mem>>, %arg27: memref<!tpu.dma_semaphore, #tpu.memory_space<semaphore_mem>>, %arg28: memref<!tpu.dma_semaphore, #tpu.memory_space<semaphore_mem>>, %arg29: memref<!tpu.dma_semaphore, #tpu.memory_space<semaphore_mem>>, %arg30: memref<!tpu.dma_semaphore, #tpu.memory_space<semaphore_mem>>, %arg31: memref<!tpu.dma_semaphore, #tpu.memory_space<semaphore_mem>>, %arg32: memref<!tpu.dma_semaphore, #tpu.memory_space<semaphore_mem>>, %arg33: memref<10240x64xf32, #tpu.memory_space<vmem_shared>>) attributes {dimension_semantics = [#tpu.dimension_semantics<core_parallel>, #tpu.dimension_semantics<subcore_parallel>], iteration_bounds = array<i64: 2, 16>, scalar_prefetch = 0 : i64, scratch_operands = 27 : i64, tpu.core_type = #tpu.core_type<sc_vector_subcore>, window_params = [{transform_indices = #map}, {transform_indices = #map}, {transform_indices = #map}, {transform_indices = #map}, {transform_indices = #map1}]} {
    %mul3A = arith.constant 16 : i32
    %mul3A_0 = arith.muli %arg0, %mul3A : i32
    %add3A = arith.addi %mul3A_0, %arg1 : i32
    %mul3A_1 = arith.constant 640 : i32
    %mul3A_2 = arith.muli %arg1, %mul3A_1 : i32
    "tpu.region"() ({
      %run_scoped3A = tpu.sem_alloc : memref<!tpu.dma_semaphore, #tpu.memory_space<semaphore_mem>>
      %dma_start3A_113 = arith.constant 0 : i32
      %dma_start3A_114 = tpu.memref_slice %arg33[%mul3A_2, %dma_start3A_113] : memref<10240x64xf32, #tpu.memory_space<vmem_shared>> -> memref<640x64xf32, #tpu.memory_space<vmem_shared>>
      %dma_start3A_115 = arith.constant 0 : i32
      %dma_start3A_116 = tpu.memref_slice %arg5[%mul3A_2, %dma_start3A_115] : memref<10240x64xf32, #tpu.memory_space<hbm>> -> memref<640x64xf32, #tpu.memory_space<hbm>>
      tpu.enqueue_dma source(%dma_start3A_116 : memref<640x64xf32, #tpu.memory_space<hbm>>) target(%dma_start3A_114 : memref<640x64xf32, #tpu.memory_space<vmem_shared>>) target_semaphore(%run_scoped3A : memref<!tpu.dma_semaphore, #tpu.memory_space<semaphore_mem>>)
      %dma_wait3A_117 = arith.constant 0 : i32
      %dma_wait3A_118 = tpu.memref_slice %arg33[%mul3A_2, %dma_wait3A_117] : memref<10240x64xf32, #tpu.memory_space<vmem_shared>> -> memref<640x64xf32, #tpu.memory_space<vmem_shared>>
      %dma_wait3A_119 = arith.constant 0 : i32
      %dma_wait3A_120 = tpu.memref_slice %arg5[%mul3A_2, %dma_wait3A_119] : memref<10240x64xf32, #tpu.memory_space<hbm>> -> memref<640x64xf32, #tpu.memory_space<hbm>>
      tpu.wait_dma2 semaphore(%run_scoped3A : memref<!tpu.dma_semaphore, #tpu.memory_space<semaphore_mem>>) src(%dma_wait3A_120 : memref<640x64xf32, #tpu.memory_space<hbm>>) dst(%dma_wait3A_118 : memref<640x64xf32, #tpu.memory_space<vmem_shared>>)
      tpu.yield
    }) : () -> ()
    %mul3A_3 = arith.constant 80 : i32
    %mul3A_4 = arith.muli %add3A, %mul3A_3 : i32
    "tpu.region"() ({
      %run_scoped3A = tpu.sem_alloc : memref<!tpu.dma_semaphore, #tpu.memory_space<semaphore_mem>>
      %dma_start3A_113 = arith.constant 0 : i32
      %dma_start3A_114 = tpu.memref_slice %arg3[%mul3A_4, %dma_start3A_113] : memref<2560x128xi32, #tpu.memory_space<hbm>> -> memref<80x128xi32, #tpu.memory_space<hbm>>
      %dma_start3A_115 = arith.constant 0 : i32
      %dma_start3A_116 = tpu.memref_slice %arg3[%mul3A_4, %dma_start3A_115] : memref<2560x128xi32, #tpu.memory_space<hbm>> -> memref<80x128xi32, #tpu.memory_space<hbm>>
      tpu.enqueue_dma source(%dma_start3A_116 : memref<80x128xi32, #tpu.memory_space<hbm>>) target(%arg7 : memref<80x128xi32, #tpu.memory_space<vmem>>) target_semaphore(%run_scoped3A : memref<!tpu.dma_semaphore, #tpu.memory_space<semaphore_mem>>)
      %dma_wait3A_117 = arith.constant 0 : i32
      %dma_wait3A_118 = tpu.memref_slice %arg3[%mul3A_4, %dma_wait3A_117] : memref<2560x128xi32, #tpu.memory_space<hbm>> -> memref<80x128xi32, #tpu.memory_space<hbm>>
      %dma_wait3A_119 = arith.constant 0 : i32
      %dma_wait3A_120 = tpu.memref_slice %arg3[%mul3A_4, %dma_wait3A_119] : memref<2560x128xi32, #tpu.memory_space<hbm>> -> memref<80x128xi32, #tpu.memory_space<hbm>>
      tpu.wait_dma2 semaphore(%run_scoped3A : memref<!tpu.dma_semaphore, #tpu.memory_space<semaphore_mem>>) src(%dma_wait3A_120 : memref<80x128xi32, #tpu.memory_space<hbm>>) dst(%arg7 : memref<80x128xi32, #tpu.memory_space<vmem>>)
      tpu.yield
    }) : () -> ()
    "tpu.region"() ({
      %run_scoped3A = tpu.sem_alloc : memref<!tpu.dma_semaphore, #tpu.memory_space<semaphore_mem>>
      %dma_start3A_113 = arith.constant 0 : i32
      %dma_start3A_114 = tpu.memref_slice %arg4[%mul3A_4, %dma_start3A_113] : memref<2560x128xi32, #tpu.memory_space<hbm>> -> memref<80x128xi32, #tpu.memory_space<hbm>>
      %dma_start3A_115 = arith.constant 0 : i32
      %dma_start3A_116 = tpu.memref_slice %arg4[%mul3A_4, %dma_start3A_115] : memref<2560x128xi32, #tpu.memory_space<hbm>> -> memref<80x128xi32, #tpu.memory_space<hbm>>
      tpu.enqueue_dma source(%dma_start3A_116 : memref<80x128xi32, #tpu.memory_space<hbm>>) target(%arg8 : memref<80x128xi32, #tpu.memory_space<vmem>>) target_semaphore(%run_scoped3A : memref<!tpu.dma_semaphore, #tpu.memory_space<semaphore_mem>>)
      %dma_wait3A_117 = arith.constant 0 : i32
      %dma_wait3A_118 = tpu.memref_slice %arg4[%mul3A_4, %dma_wait3A_117] : memref<2560x128xi32, #tpu.memory_space<hbm>> -> memref<80x128xi32, #tpu.memory_space<hbm>>
      %dma_wait3A_119 = arith.constant 0 : i32
      %dma_wait3A_120 = tpu.memref_slice %arg4[%mul3A_4, %dma_wait3A_119] : memref<2560x128xi32, #tpu.memory_space<hbm>> -> memref<80x128xi32, #tpu.memory_space<hbm>>
      tpu.wait_dma2 semaphore(%run_scoped3A : memref<!tpu.dma_semaphore, #tpu.memory_space<semaphore_mem>>) src(%dma_wait3A_120 : memref<80x128xi32, #tpu.memory_space<hbm>>) dst(%arg8 : memref<80x128xi32, #tpu.memory_space<vmem>>)
      tpu.yield
    }) : () -> ()
    %barrier3A = arith.constant 0 : index
    tpu.barrier barrier_id(%barrier3A)
    %dma_start3A = arith.constant 0 : i32
    %dma_start3A_5 = arith.constant 0 : i32
    %dma_start3A_6 = tpu.memref_slice %arg7[%dma_start3A, %dma_start3A_5] : memref<80x128xi32, #tpu.memory_space<vmem>> -> memref<1x128xi32, #tpu.memory_space<vmem>>
    %dma_start3A_7 = tpu.memref_squeeze %dma_start3A_6 : memref<1x128xi32, #tpu.memory_space<vmem>> -> memref<128xi32, #tpu.memory_space<vmem>>
    %dma_start3A_8 = arith.constant 0 : i32
    %dma_start3A_9 = arith.constant 0 : i32
    %dma_start3A_10 = tpu.memref_slice %arg2[%dma_start3A_8, %dma_start3A_9] : memref<10000x64xf32, #tpu.memory_space<hbm>> -> memref<10000x64xf32, #tpu.memory_space<hbm>>
    tpu.enqueue_indirect_dma source(%dma_start3A_10 : memref<10000x64xf32, #tpu.memory_space<hbm>>) target(%arg9 : memref<128x64xf32, #tpu.memory_space<vmem>>) offsets(%dma_start3A_7 : memref<128xi32, #tpu.memory_space<vmem>>) semaphore(%arg17 : memref<!tpu.dma_semaphore, #tpu.memory_space<semaphore_mem>>)
    %dma_start3A_11 = arith.constant 1 : i32
    %dma_start3A_12 = arith.constant 0 : i32
    %dma_start3A_13 = tpu.memref_slice %arg7[%dma_start3A_11, %dma_start3A_12] : memref<80x128xi32, #tpu.memory_space<vmem>> -> memref<1x128xi32, #tpu.memory_space<vmem>>
    %dma_start3A_14 = tpu.memref_squeeze %dma_start3A_13 : memref<1x128xi32, #tpu.memory_space<vmem>> -> memref<128xi32, #tpu.memory_space<vmem>>
    %dma_start3A_15 = arith.constant 0 : i32
    %dma_start3A_16 = arith.constant 0 : i32
    %dma_start3A_17 = tpu.memref_slice %arg2[%dma_start3A_15, %dma_start3A_16] : memref<10000x64xf32, #tpu.memory_space<hbm>> -> memref<10000x64xf32, #tpu.memory_space<hbm>>
    tpu.enqueue_indirect_dma source(%dma_start3A_17 : memref<10000x64xf32, #tpu.memory_space<hbm>>) target(%arg10 : memref<128x64xf32, #tpu.memory_space<vmem>>) offsets(%dma_start3A_14 : memref<128xi32, #tpu.memory_space<vmem>>) semaphore(%arg18 : memref<!tpu.dma_semaphore, #tpu.memory_space<semaphore_mem>>)
    %dma_start3A_18 = arith.constant 2 : i32
    %dma_start3A_19 = arith.constant 0 : i32
    %dma_start3A_20 = tpu.memref_slice %arg7[%dma_start3A_18, %dma_start3A_19] : memref<80x128xi32, #tpu.memory_space<vmem>> -> memref<1x128xi32, #tpu.memory_space<vmem>>
    %dma_start3A_21 = tpu.memref_squeeze %dma_start3A_20 : memref<1x128xi32, #tpu.memory_space<vmem>> -> memref<128xi32, #tpu.memory_space<vmem>>
    %dma_start3A_22 = arith.constant 0 : i32
    %dma_start3A_23 = arith.constant 0 : i32
    %dma_start3A_24 = tpu.memref_slice %arg2[%dma_start3A_22, %dma_start3A_23] : memref<10000x64xf32, #tpu.memory_space<hbm>> -> memref<10000x64xf32, #tpu.memory_space<hbm>>
    tpu.enqueue_indirect_dma source(%dma_start3A_24 : memref<10000x64xf32, #tpu.memory_space<hbm>>) target(%arg11 : memref<128x64xf32, #tpu.memory_space<vmem>>) offsets(%dma_start3A_21 : memref<128xi32, #tpu.memory_space<vmem>>) semaphore(%arg19 : memref<!tpu.dma_semaphore, #tpu.memory_space<semaphore_mem>>)
    %dma_start3A_25 = arith.constant 3 : i32
    %dma_start3A_26 = arith.constant 0 : i32
    %dma_start3A_27 = tpu.memref_slice %arg7[%dma_start3A_25, %dma_start3A_26] : memref<80x128xi32, #tpu.memory_space<vmem>> -> memref<1x128xi32, #tpu.memory_space<vmem>>
    %dma_start3A_28 = tpu.memref_squeeze %dma_start3A_27 : memref<1x128xi32, #tpu.memory_space<vmem>> -> memref<128xi32, #tpu.memory_space<vmem>>
    %dma_start3A_29 = arith.constant 0 : i32
    %dma_start3A_30 = arith.constant 0 : i32
    %dma_start3A_31 = tpu.memref_slice %arg2[%dma_start3A_29, %dma_start3A_30] : memref<10000x64xf32, #tpu.memory_space<hbm>> -> memref<10000x64xf32, #tpu.memory_space<hbm>>
    tpu.enqueue_indirect_dma source(%dma_start3A_31 : memref<10000x64xf32, #tpu.memory_space<hbm>>) target(%arg12 : memref<128x64xf32, #tpu.memory_space<vmem>>) offsets(%dma_start3A_28 : memref<128xi32, #tpu.memory_space<vmem>>) semaphore(%arg20 : memref<!tpu.dma_semaphore, #tpu.memory_space<semaphore_mem>>)
    %dma_start3A_32 = arith.constant 4 : i32
    %dma_start3A_33 = arith.constant 0 : i32
    %dma_start3A_34 = tpu.memref_slice %arg7[%dma_start3A_32, %dma_start3A_33] : memref<80x128xi32, #tpu.memory_space<vmem>> -> memref<1x128xi32, #tpu.memory_space<vmem>>
    %dma_start3A_35 = tpu.memref_squeeze %dma_start3A_34 : memref<1x128xi32, #tpu.memory_space<vmem>> -> memref<128xi32, #tpu.memory_space<vmem>>
    %dma_start3A_36 = arith.constant 0 : i32
    %dma_start3A_37 = arith.constant 0 : i32
    %dma_start3A_38 = tpu.memref_slice %arg2[%dma_start3A_36, %dma_start3A_37] : memref<10000x64xf32, #tpu.memory_space<hbm>> -> memref<10000x64xf32, #tpu.memory_space<hbm>>
    tpu.enqueue_indirect_dma source(%dma_start3A_38 : memref<10000x64xf32, #tpu.memory_space<hbm>>) target(%arg13 : memref<128x64xf32, #tpu.memory_space<vmem>>) offsets(%dma_start3A_35 : memref<128xi32, #tpu.memory_space<vmem>>) semaphore(%arg21 : memref<!tpu.dma_semaphore, #tpu.memory_space<semaphore_mem>>)
    %dma_start3A_39 = arith.constant 5 : i32
    %dma_start3A_40 = arith.constant 0 : i32
    %dma_start3A_41 = tpu.memref_slice %arg7[%dma_start3A_39, %dma_start3A_40] : memref<80x128xi32, #tpu.memory_space<vmem>> -> memref<1x128xi32, #tpu.memory_space<vmem>>
    %dma_start3A_42 = tpu.memref_squeeze %dma_start3A_41 : memref<1x128xi32, #tpu.memory_space<vmem>> -> memref<128xi32, #tpu.memory_space<vmem>>
    %dma_start3A_43 = arith.constant 0 : i32
    %dma_start3A_44 = arith.constant 0 : i32
    %dma_start3A_45 = tpu.memref_slice %arg2[%dma_start3A_43, %dma_start3A_44] : memref<10000x64xf32, #tpu.memory_space<hbm>> -> memref<10000x64xf32, #tpu.memory_space<hbm>>
    tpu.enqueue_indirect_dma source(%dma_start3A_45 : memref<10000x64xf32, #tpu.memory_space<hbm>>) target(%arg14 : memref<128x64xf32, #tpu.memory_space<vmem>>) offsets(%dma_start3A_42 : memref<128xi32, #tpu.memory_space<vmem>>) semaphore(%arg22 : memref<!tpu.dma_semaphore, #tpu.memory_space<semaphore_mem>>)
    %dma_start3A_46 = arith.constant 6 : i32
    %dma_start3A_47 = arith.constant 0 : i32
    %dma_start3A_48 = tpu.memref_slice %arg7[%dma_start3A_46, %dma_start3A_47] : memref<80x128xi32, #tpu.memory_space<vmem>> -> memref<1x128xi32, #tpu.memory_space<vmem>>
    %dma_start3A_49 = tpu.memref_squeeze %dma_start3A_48 : memref<1x128xi32, #tpu.memory_space<vmem>> -> memref<128xi32, #tpu.memory_space<vmem>>
    %dma_start3A_50 = arith.constant 0 : i32
    %dma_start3A_51 = arith.constant 0 : i32
    %dma_start3A_52 = tpu.memref_slice %arg2[%dma_start3A_50, %dma_start3A_51] : memref<10000x64xf32, #tpu.memory_space<hbm>> -> memref<10000x64xf32, #tpu.memory_space<hbm>>
    tpu.enqueue_indirect_dma source(%dma_start3A_52 : memref<10000x64xf32, #tpu.memory_space<hbm>>) target(%arg15 : memref<128x64xf32, #tpu.memory_space<vmem>>) offsets(%dma_start3A_49 : memref<128xi32, #tpu.memory_space<vmem>>) semaphore(%arg23 : memref<!tpu.dma_semaphore, #tpu.memory_space<semaphore_mem>>)
    %dma_start3A_53 = arith.constant 7 : i32
    %dma_start3A_54 = arith.constant 0 : i32
    %dma_start3A_55 = tpu.memref_slice %arg7[%dma_start3A_53, %dma_start3A_54] : memref<80x128xi32, #tpu.memory_space<vmem>> -> memref<1x128xi32, #tpu.memory_space<vmem>>
    %dma_start3A_56 = tpu.memref_squeeze %dma_start3A_55 : memref<1x128xi32, #tpu.memory_space<vmem>> -> memref<128xi32, #tpu.memory_space<vmem>>
    %dma_start3A_57 = arith.constant 0 : i32
    %dma_start3A_58 = arith.constant 0 : i32
    %dma_start3A_59 = tpu.memref_slice %arg2[%dma_start3A_57, %dma_start3A_58] : memref<10000x64xf32, #tpu.memory_space<hbm>> -> memref<10000x64xf32, #tpu.memory_space<hbm>>
    tpu.enqueue_indirect_dma source(%dma_start3A_59 : memref<10000x64xf32, #tpu.memory_space<hbm>>) target(%arg16 : memref<128x64xf32, #tpu.memory_space<vmem>>) offsets(%dma_start3A_56 : memref<128xi32, #tpu.memory_space<vmem>>) semaphore(%arg24 : memref<!tpu.dma_semaphore, #tpu.memory_space<semaphore_mem>>)
    %scan3A = arith.constant 0 : i32
    %scan3A_60 = arith.constant 0 : i32
    %scan3A_61 = arith.constant 10 : i32
    %scan3A_62 = arith.addi %scan3A_60, %scan3A_61 : i32
    %scan3A_63 = arith.constant 1 : i32
    scf.for %scan3A_113 = %scan3A_60 to %scan3A_62 step %scan3A_63  : i32 {
      %mul3A_114 = arith.constant 8 : i32
      %mul3A_115 = arith.muli %mul3A_114, %scan3A_113 : i32
      %dma_wait3A_116 = arith.constant 0 : i32
      %dma_wait3A_117 = arith.constant 0 : i32
      %dma_wait3A_118 = tpu.memref_slice %arg2[%dma_wait3A_116, %dma_wait3A_117] : memref<10000x64xf32, #tpu.memory_space<hbm>> -> memref<128x64xf32, #tpu.memory_space<hbm>>
      %dma_wait3A_119 = arith.constant 0 : i32
      %dma_wait3A_120 = arith.constant 0 : i32
      %dma_wait3A_121 = tpu.memref_slice %arg2[%dma_wait3A_119, %dma_wait3A_120] : memref<10000x64xf32, #tpu.memory_space<hbm>> -> memref<128x64xf32, #tpu.memory_space<hbm>>
      tpu.wait_dma2 semaphore(%arg17 : memref<!tpu.dma_semaphore, #tpu.memory_space<semaphore_mem>>) src(%dma_wait3A_121 : memref<128x64xf32, #tpu.memory_space<hbm>>) dst(%arg9 : memref<128x64xf32, #tpu.memory_space<vmem>>)
      %add3A_122 = arith.constant 0 : i32
      %add3A_123 = arith.addi %mul3A_115, %add3A_122 : i32
      %dma_start3A_124 = arith.constant 0 : i32
      %dma_start3A_125 = tpu.memref_slice %arg8[%add3A_123, %dma_start3A_124] : memref<80x128xi32, #tpu.memory_space<vmem>> -> memref<1x128xi32, #tpu.memory_space<vmem>>
      %dma_start3A_126 = tpu.memref_squeeze %dma_start3A_125 : memref<1x128xi32, #tpu.memory_space<vmem>> -> memref<128xi32, #tpu.memory_space<vmem>>
      %dma_start3A_127 = arith.constant 0 : i32
      %dma_start3A_128 = arith.constant 0 : i32
      %dma_start3A_129 = tpu.memref_slice %arg33[%dma_start3A_127, %dma_start3A_128] : memref<10240x64xf32, #tpu.memory_space<vmem_shared>> -> memref<10240x64xf32, #tpu.memory_space<vmem_shared>>
      tpu.enqueue_indirect_dma source(%arg9 : memref<128x64xf32, #tpu.memory_space<vmem>>) target(%dma_start3A_129 : memref<10240x64xf32, #tpu.memory_space<vmem_shared>>) offsets(%dma_start3A_126 : memref<128xi32, #tpu.memory_space<vmem>>) semaphore(%arg25 : memref<!tpu.dma_semaphore, #tpu.memory_space<semaphore_mem>>) {add = true}
      %dma_wait3A_130 = arith.constant 0 : i32
      %dma_wait3A_131 = arith.constant 0 : i32
      %dma_wait3A_132 = tpu.memref_slice %arg2[%dma_wait3A_130, %dma_wait3A_131] : memref<10000x64xf32, #tpu.memory_space<hbm>> -> memref<128x64xf32, #tpu.memory_space<hbm>>
      %dma_wait3A_133 = arith.constant 0 : i32
      %dma_wait3A_134 = arith.constant 0 : i32
      %dma_wait3A_135 = tpu.memref_slice %arg2[%dma_wait3A_133, %dma_wait3A_134] : memref<10000x64xf32, #tpu.memory_space<hbm>> -> memref<128x64xf32, #tpu.memory_space<hbm>>
      tpu.wait_dma2 semaphore(%arg18 : memref<!tpu.dma_semaphore, #tpu.memory_space<semaphore_mem>>) src(%dma_wait3A_135 : memref<128x64xf32, #tpu.memory_space<hbm>>) dst(%arg10 : memref<128x64xf32, #tpu.memory_space<vmem>>)
      %add3A_136 = arith.constant 1 : i32
      %add3A_137 = arith.addi %mul3A_115, %add3A_136 : i32
      %dma_start3A_138 = arith.constant 0 : i32
      %dma_start3A_139 = tpu.memref_slice %arg8[%add3A_137, %dma_start3A_138] : memref<80x128xi32, #tpu.memory_space<vmem>> -> memref<1x128xi32, #tpu.memory_space<vmem>>
      %dma_start3A_140 = tpu.memref_squeeze %dma_start3A_139 : memref<1x128xi32, #tpu.memory_space<vmem>> -> memref<128xi32, #tpu.memory_space<vmem>>
      %dma_start3A_141 = arith.constant 0 : i32
      %dma_start3A_142 = arith.constant 0 : i32
      %dma_start3A_143 = tpu.memref_slice %arg33[%dma_start3A_141, %dma_start3A_142] : memref<10240x64xf32, #tpu.memory_space<vmem_shared>> -> memref<10240x64xf32, #tpu.memory_space<vmem_shared>>
      tpu.enqueue_indirect_dma source(%arg10 : memref<128x64xf32, #tpu.memory_space<vmem>>) target(%dma_start3A_143 : memref<10240x64xf32, #tpu.memory_space<vmem_shared>>) offsets(%dma_start3A_140 : memref<128xi32, #tpu.memory_space<vmem>>) semaphore(%arg26 : memref<!tpu.dma_semaphore, #tpu.memory_space<semaphore_mem>>) {add = true}
      %dma_wait3A_144 = arith.constant 0 : i32
      %dma_wait3A_145 = arith.constant 0 : i32
      %dma_wait3A_146 = tpu.memref_slice %arg2[%dma_wait3A_144, %dma_wait3A_145] : memref<10000x64xf32, #tpu.memory_space<hbm>> -> memref<128x64xf32, #tpu.memory_space<hbm>>
      %dma_wait3A_147 = arith.constant 0 : i32
      %dma_wait3A_148 = arith.constant 0 : i32
      %dma_wait3A_149 = tpu.memref_slice %arg2[%dma_wait3A_147, %dma_wait3A_148] : memref<10000x64xf32, #tpu.memory_space<hbm>> -> memref<128x64xf32, #tpu.memory_space<hbm>>
      tpu.wait_dma2 semaphore(%arg19 : memref<!tpu.dma_semaphore, #tpu.memory_space<semaphore_mem>>) src(%dma_wait3A_149 : memref<128x64xf32, #tpu.memory_space<hbm>>) dst(%arg11 : memref<128x64xf32, #tpu.memory_space<vmem>>)
      %add3A_150 = arith.constant 2 : i32
      %add3A_151 = arith.addi %mul3A_115, %add3A_150 : i32
      %dma_start3A_152 = arith.constant 0 : i32
      %dma_start3A_153 = tpu.memref_slice %arg8[%add3A_151, %dma_start3A_152] : memref<80x128xi32, #tpu.memory_space<vmem>> -> memref<1x128xi32, #tpu.memory_space<vmem>>
      %dma_start3A_154 = tpu.memref_squeeze %dma_start3A_153 : memref<1x128xi32, #tpu.memory_space<vmem>> -> memref<128xi32, #tpu.memory_space<vmem>>
      %dma_start3A_155 = arith.constant 0 : i32
      %dma_start3A_156 = arith.constant 0 : i32
      %dma_start3A_157 = tpu.memref_slice %arg33[%dma_start3A_155, %dma_start3A_156] : memref<10240x64xf32, #tpu.memory_space<vmem_shared>> -> memref<10240x64xf32, #tpu.memory_space<vmem_shared>>
      tpu.enqueue_indirect_dma source(%arg11 : memref<128x64xf32, #tpu.memory_space<vmem>>) target(%dma_start3A_157 : memref<10240x64xf32, #tpu.memory_space<vmem_shared>>) offsets(%dma_start3A_154 : memref<128xi32, #tpu.memory_space<vmem>>) semaphore(%arg27 : memref<!tpu.dma_semaphore, #tpu.memory_space<semaphore_mem>>) {add = true}
      %dma_wait3A_158 = arith.constant 0 : i32
      %dma_wait3A_159 = arith.constant 0 : i32
      %dma_wait3A_160 = tpu.memref_slice %arg2[%dma_wait3A_158, %dma_wait3A_159] : memref<10000x64xf32, #tpu.memory_space<hbm>> -> memref<128x64xf32, #tpu.memory_space<hbm>>
      %dma_wait3A_161 = arith.constant 0 : i32
      %dma_wait3A_162 = arith.constant 0 : i32
      %dma_wait3A_163 = tpu.memref_slice %arg2[%dma_wait3A_161, %dma_wait3A_162] : memref<10000x64xf32, #tpu.memory_space<hbm>> -> memref<128x64xf32, #tpu.memory_space<hbm>>
      tpu.wait_dma2 semaphore(%arg20 : memref<!tpu.dma_semaphore, #tpu.memory_space<semaphore_mem>>) src(%dma_wait3A_163 : memref<128x64xf32, #tpu.memory_space<hbm>>) dst(%arg12 : memref<128x64xf32, #tpu.memory_space<vmem>>)
      %add3A_164 = arith.constant 3 : i32
      %add3A_165 = arith.addi %mul3A_115, %add3A_164 : i32
      %dma_start3A_166 = arith.constant 0 : i32
      %dma_start3A_167 = tpu.memref_slice %arg8[%add3A_165, %dma_start3A_166] : memref<80x128xi32, #tpu.memory_space<vmem>> -> memref<1x128xi32, #tpu.memory_space<vmem>>
      %dma_start3A_168 = tpu.memref_squeeze %dma_start3A_167 : memref<1x128xi32, #tpu.memory_space<vmem>> -> memref<128xi32, #tpu.memory_space<vmem>>
      %dma_start3A_169 = arith.constant 0 : i32
      %dma_start3A_170 = arith.constant 0 : i32
      %dma_start3A_171 = tpu.memref_slice %arg33[%dma_start3A_169, %dma_start3A_170] : memref<10240x64xf32, #tpu.memory_space<vmem_shared>> -> memref<10240x64xf32, #tpu.memory_space<vmem_shared>>
      tpu.enqueue_indirect_dma source(%arg12 : memref<128x64xf32, #tpu.memory_space<vmem>>) target(%dma_start3A_171 : memref<10240x64xf32, #tpu.memory_space<vmem_shared>>) offsets(%dma_start3A_168 : memref<128xi32, #tpu.memory_space<vmem>>) semaphore(%arg28 : memref<!tpu.dma_semaphore, #tpu.memory_space<semaphore_mem>>) {add = true}
      %dma_wait3A_172 = arith.constant 0 : i32
      %dma_wait3A_173 = arith.constant 0 : i32
      %dma_wait3A_174 = tpu.memref_slice %arg2[%dma_wait3A_172, %dma_wait3A_173] : memref<10000x64xf32, #tpu.memory_space<hbm>> -> memref<128x64xf32, #tpu.memory_space<hbm>>
      %dma_wait3A_175 = arith.constant 0 : i32
      %dma_wait3A_176 = arith.constant 0 : i32
      %dma_wait3A_177 = tpu.memref_slice %arg2[%dma_wait3A_175, %dma_wait3A_176] : memref<10000x64xf32, #tpu.memory_space<hbm>> -> memref<128x64xf32, #tpu.memory_space<hbm>>
      tpu.wait_dma2 semaphore(%arg21 : memref<!tpu.dma_semaphore, #tpu.memory_space<semaphore_mem>>) src(%dma_wait3A_177 : memref<128x64xf32, #tpu.memory_space<hbm>>) dst(%arg13 : memref<128x64xf32, #tpu.memory_space<vmem>>)
      %add3A_178 = arith.constant 4 : i32
      %add3A_179 = arith.addi %mul3A_115, %add3A_178 : i32
      %dma_start3A_180 = arith.constant 0 : i32
      %dma_start3A_181 = tpu.memref_slice %arg8[%add3A_179, %dma_start3A_180] : memref<80x128xi32, #tpu.memory_space<vmem>> -> memref<1x128xi32, #tpu.memory_space<vmem>>
      %dma_start3A_182 = tpu.memref_squeeze %dma_start3A_181 : memref<1x128xi32, #tpu.memory_space<vmem>> -> memref<128xi32, #tpu.memory_space<vmem>>
      %dma_start3A_183 = arith.constant 0 : i32
      %dma_start3A_184 = arith.constant 0 : i32
      %dma_start3A_185 = tpu.memref_slice %arg33[%dma_start3A_183, %dma_start3A_184] : memref<10240x64xf32, #tpu.memory_space<vmem_shared>> -> memref<10240x64xf32, #tpu.memory_space<vmem_shared>>
      tpu.enqueue_indirect_dma source(%arg13 : memref<128x64xf32, #tpu.memory_space<vmem>>) target(%dma_start3A_185 : memref<10240x64xf32, #tpu.memory_space<vmem_shared>>) offsets(%dma_start3A_182 : memref<128xi32, #tpu.memory_space<vmem>>) semaphore(%arg29 : memref<!tpu.dma_semaphore, #tpu.memory_space<semaphore_mem>>) {add = true}
      %dma_wait3A_186 = arith.constant 0 : i32
      %dma_wait3A_187 = arith.constant 0 : i32
      %dma_wait3A_188 = tpu.memref_slice %arg2[%dma_wait3A_186, %dma_wait3A_187] : memref<10000x64xf32, #tpu.memory_space<hbm>> -> memref<128x64xf32, #tpu.memory_space<hbm>>
      %dma_wait3A_189 = arith.constant 0 : i32
      %dma_wait3A_190 = arith.constant 0 : i32
      %dma_wait3A_191 = tpu.memref_slice %arg2[%dma_wait3A_189, %dma_wait3A_190] : memref<10000x64xf32, #tpu.memory_space<hbm>> -> memref<128x64xf32, #tpu.memory_space<hbm>>
      tpu.wait_dma2 semaphore(%arg22 : memref<!tpu.dma_semaphore, #tpu.memory_space<semaphore_mem>>) src(%dma_wait3A_191 : memref<128x64xf32, #tpu.memory_space<hbm>>) dst(%arg14 : memref<128x64xf32, #tpu.memory_space<vmem>>)
      %add3A_192 = arith.constant 5 : i32
      %add3A_193 = arith.addi %mul3A_115, %add3A_192 : i32
      %dma_start3A_194 = arith.constant 0 : i32
      %dma_start3A_195 = tpu.memref_slice %arg8[%add3A_193, %dma_start3A_194] : memref<80x128xi32, #tpu.memory_space<vmem>> -> memref<1x128xi32, #tpu.memory_space<vmem>>
      %dma_start3A_196 = tpu.memref_squeeze %dma_start3A_195 : memref<1x128xi32, #tpu.memory_space<vmem>> -> memref<128xi32, #tpu.memory_space<vmem>>
      %dma_start3A_197 = arith.constant 0 : i32
      %dma_start3A_198 = arith.constant 0 : i32
      %dma_start3A_199 = tpu.memref_slice %arg33[%dma_start3A_197, %dma_start3A_198] : memref<10240x64xf32, #tpu.memory_space<vmem_shared>> -> memref<10240x64xf32, #tpu.memory_space<vmem_shared>>
      tpu.enqueue_indirect_dma source(%arg14 : memref<128x64xf32, #tpu.memory_space<vmem>>) target(%dma_start3A_199 : memref<10240x64xf32, #tpu.memory_space<vmem_shared>>) offsets(%dma_start3A_196 : memref<128xi32, #tpu.memory_space<vmem>>) semaphore(%arg30 : memref<!tpu.dma_semaphore, #tpu.memory_space<semaphore_mem>>) {add = true}
      %dma_wait3A_200 = arith.constant 0 : i32
      %dma_wait3A_201 = arith.constant 0 : i32
      %dma_wait3A_202 = tpu.memref_slice %arg2[%dma_wait3A_200, %dma_wait3A_201] : memref<10000x64xf32, #tpu.memory_space<hbm>> -> memref<128x64xf32, #tpu.memory_space<hbm>>
      %dma_wait3A_203 = arith.constant 0 : i32
      %dma_wait3A_204 = arith.constant 0 : i32
      %dma_wait3A_205 = tpu.memref_slice %arg2[%dma_wait3A_203, %dma_wait3A_204] : memref<10000x64xf32, #tpu.memory_space<hbm>> -> memref<128x64xf32, #tpu.memory_space<hbm>>
      tpu.wait_dma2 semaphore(%arg23 : memref<!tpu.dma_semaphore, #tpu.memory_space<semaphore_mem>>) src(%dma_wait3A_205 : memref<128x64xf32, #tpu.memory_space<hbm>>) dst(%arg15 : memref<128x64xf32, #tpu.memory_space<vmem>>)
      %add3A_206 = arith.constant 6 : i32
      %add3A_207 = arith.addi %mul3A_115, %add3A_206 : i32
      %dma_start3A_208 = arith.constant 0 : i32
      %dma_start3A_209 = tpu.memref_slice %arg8[%add3A_207, %dma_start3A_208] : memref<80x128xi32, #tpu.memory_space<vmem>> -> memref<1x128xi32, #tpu.memory_space<vmem>>
      %dma_start3A_210 = tpu.memref_squeeze %dma_start3A_209 : memref<1x128xi32, #tpu.memory_space<vmem>> -> memref<128xi32, #tpu.memory_space<vmem>>
      %dma_start3A_211 = arith.constant 0 : i32
      %dma_start3A_212 = arith.constant 0 : i32
      %dma_start3A_213 = tpu.memref_slice %arg33[%dma_start3A_211, %dma_start3A_212] : memref<10240x64xf32, #tpu.memory_space<vmem_shared>> -> memref<10240x64xf32, #tpu.memory_space<vmem_shared>>
      tpu.enqueue_indirect_dma source(%arg15 : memref<128x64xf32, #tpu.memory_space<vmem>>) target(%dma_start3A_213 : memref<10240x64xf32, #tpu.memory_space<vmem_shared>>) offsets(%dma_start3A_210 : memref<128xi32, #tpu.memory_space<vmem>>) semaphore(%arg31 : memref<!tpu.dma_semaphore, #tpu.memory_space<semaphore_mem>>) {add = true}
      %dma_wait3A_214 = arith.constant 0 : i32
      %dma_wait3A_215 = arith.constant 0 : i32
      %dma_wait3A_216 = tpu.memref_slice %arg2[%dma_wait3A_214, %dma_wait3A_215] : memref<10000x64xf32, #tpu.memory_space<hbm>> -> memref<128x64xf32, #tpu.memory_space<hbm>>
      %dma_wait3A_217 = arith.constant 0 : i32
      %dma_wait3A_218 = arith.constant 0 : i32
      %dma_wait3A_219 = tpu.memref_slice %arg2[%dma_wait3A_217, %dma_wait3A_218] : memref<10000x64xf32, #tpu.memory_space<hbm>> -> memref<128x64xf32, #tpu.memory_space<hbm>>
      tpu.wait_dma2 semaphore(%arg24 : memref<!tpu.dma_semaphore, #tpu.memory_space<semaphore_mem>>) src(%dma_wait3A_219 : memref<128x64xf32, #tpu.memory_space<hbm>>) dst(%arg16 : memref<128x64xf32, #tpu.memory_space<vmem>>)
      %add3A_220 = arith.constant 7 : i32
      %add3A_221 = arith.addi %mul3A_115, %add3A_220 : i32
      %dma_start3A_222 = arith.constant 0 : i32
      %dma_start3A_223 = tpu.memref_slice %arg8[%add3A_221, %dma_start3A_222] : memref<80x128xi32, #tpu.memory_space<vmem>> -> memref<1x128xi32, #tpu.memory_space<vmem>>
      %dma_start3A_224 = tpu.memref_squeeze %dma_start3A_223 : memref<1x128xi32, #tpu.memory_space<vmem>> -> memref<128xi32, #tpu.memory_space<vmem>>
      %dma_start3A_225 = arith.constant 0 : i32
      %dma_start3A_226 = arith.constant 0 : i32
      %dma_start3A_227 = tpu.memref_slice %arg33[%dma_start3A_225, %dma_start3A_226] : memref<10240x64xf32, #tpu.memory_space<vmem_shared>> -> memref<10240x64xf32, #tpu.memory_space<vmem_shared>>
      tpu.enqueue_indirect_dma source(%arg16 : memref<128x64xf32, #tpu.memory_space<vmem>>) target(%dma_start3A_227 : memref<10240x64xf32, #tpu.memory_space<vmem_shared>>) offsets(%dma_start3A_224 : memref<128xi32, #tpu.memory_space<vmem>>) semaphore(%arg32 : memref<!tpu.dma_semaphore, #tpu.memory_space<semaphore_mem>>) {add = true}
      %add3A_228 = arith.constant 8 : i32
      %add3A_229 = arith.addi %mul3A_115, %add3A_228 : i32
      %add3A_230 = arith.constant 0 : i32
      %add3A_231 = arith.addi %add3A_229, %add3A_230 : i32
      %lt3A = arith.constant 80 : i32
      %lt3A_232 = arith.cmpi slt, %add3A_231, %lt3A : i32
      %convert_element_type3A = arith.extui %lt3A_232 : i1 to i32
      %cond3A = arith.constant 0 : i32
      %cond3A_233 = arith.cmpi ne, %convert_element_type3A, %cond3A : i32
      scf.if %cond3A_233 {
        %dma_wait3A_297 = arith.constant 0 : i32
        %dma_wait3A_298 = arith.constant 0 : i32
        %dma_wait3A_299 = tpu.memref_slice %arg33[%dma_wait3A_297, %dma_wait3A_298] : memref<10240x64xf32, #tpu.memory_space<vmem_shared>> -> memref<128x64xf32, #tpu.memory_space<vmem_shared>>
        %dma_wait3A_300 = arith.constant 0 : i32
        %dma_wait3A_301 = arith.constant 0 : i32
        %dma_wait3A_302 = tpu.memref_slice %arg33[%dma_wait3A_300, %dma_wait3A_301] : memref<10240x64xf32, #tpu.memory_space<vmem_shared>> -> memref<128x64xf32, #tpu.memory_space<vmem_shared>>
        tpu.wait_dma2 semaphore(%arg25 : memref<!tpu.dma_semaphore, #tpu.memory_space<semaphore_mem>>) src(%arg9 : memref<128x64xf32, #tpu.memory_space<vmem>>) dst(%dma_wait3A_302 : memref<128x64xf32, #tpu.memory_space<vmem_shared>>)
        %dma_start3A_303 = arith.constant 0 : i32
        %dma_start3A_304 = tpu.memref_slice %arg7[%add3A_231, %dma_start3A_303] : memref<80x128xi32, #tpu.memory_space<vmem>> -> memref<1x128xi32, #tpu.memory_space<vmem>>
        %dma_start3A_305 = tpu.memref_squeeze %dma_start3A_304 : memref<1x128xi32, #tpu.memory_space<vmem>> -> memref<128xi32, #tpu.memory_space<vmem>>
        %dma_start3A_306 = arith.constant 0 : i32
        %dma_start3A_307 = arith.constant 0 : i32
        %dma_start3A_308 = tpu.memref_slice %arg2[%dma_start3A_306, %dma_start3A_307] : memref<10000x64xf32, #tpu.memory_space<hbm>> -> memref<10000x64xf32, #tpu.memory_space<hbm>>
        tpu.enqueue_indirect_dma source(%dma_start3A_308 : memref<10000x64xf32, #tpu.memory_space<hbm>>) target(%arg9 : memref<128x64xf32, #tpu.memory_space<vmem>>) offsets(%dma_start3A_305 : memref<128xi32, #tpu.memory_space<vmem>>) semaphore(%arg17 : memref<!tpu.dma_semaphore, #tpu.memory_space<semaphore_mem>>)
      } else {
      }
      %add3A_234 = arith.constant 8 : i32
      %add3A_235 = arith.addi %mul3A_115, %add3A_234 : i32
      %add3A_236 = arith.constant 1 : i32
      %add3A_237 = arith.addi %add3A_235, %add3A_236 : i32
      %lt3A_238 = arith.constant 80 : i32
      %lt3A_239 = arith.cmpi slt, %add3A_237, %lt3A_238 : i32
      %convert_element_type3A_240 = arith.extui %lt3A_239 : i1 to i32
      %cond3A_241 = arith.constant 0 : i32
      %cond3A_242 = arith.cmpi ne, %convert_element_type3A_240, %cond3A_241 : i32
      scf.if %cond3A_242 {
        %dma_wait3A_297 = arith.constant 0 : i32
        %dma_wait3A_298 = arith.constant 0 : i32
        %dma_wait3A_299 = tpu.memref_slice %arg33[%dma_wait3A_297, %dma_wait3A_298] : memref<10240x64xf32, #tpu.memory_space<vmem_shared>> -> memref<128x64xf32, #tpu.memory_space<vmem_shared>>
        %dma_wait3A_300 = arith.constant 0 : i32
        %dma_wait3A_301 = arith.constant 0 : i32
        %dma_wait3A_302 = tpu.memref_slice %arg33[%dma_wait3A_300, %dma_wait3A_301] : memref<10240x64xf32, #tpu.memory_space<vmem_shared>> -> memref<128x64xf32, #tpu.memory_space<vmem_shared>>
        tpu.wait_dma2 semaphore(%arg26 : memref<!tpu.dma_semaphore, #tpu.memory_space<semaphore_mem>>) src(%arg10 : memref<128x64xf32, #tpu.memory_space<vmem>>) dst(%dma_wait3A_302 : memref<128x64xf32, #tpu.memory_space<vmem_shared>>)
        %dma_start3A_303 = arith.constant 0 : i32
        %dma_start3A_304 = tpu.memref_slice %arg7[%add3A_237, %dma_start3A_303] : memref<80x128xi32, #tpu.memory_space<vmem>> -> memref<1x128xi32, #tpu.memory_space<vmem>>
        %dma_start3A_305 = tpu.memref_squeeze %dma_start3A_304 : memref<1x128xi32, #tpu.memory_space<vmem>> -> memref<128xi32, #tpu.memory_space<vmem>>
        %dma_start3A_306 = arith.constant 0 : i32
        %dma_start3A_307 = arith.constant 0 : i32
        %dma_start3A_308 = tpu.memref_slice %arg2[%dma_start3A_306, %dma_start3A_307] : memref<10000x64xf32, #tpu.memory_space<hbm>> -> memref<10000x64xf32, #tpu.memory_space<hbm>>
        tpu.enqueue_indirect_dma source(%dma_start3A_308 : memref<10000x64xf32, #tpu.memory_space<hbm>>) target(%arg10 : memref<128x64xf32, #tpu.memory_space<vmem>>) offsets(%dma_start3A_305 : memref<128xi32, #tpu.memory_space<vmem>>) semaphore(%arg18 : memref<!tpu.dma_semaphore, #tpu.memory_space<semaphore_mem>>)
      } else {
      }
      %add3A_243 = arith.constant 8 : i32
      %add3A_244 = arith.addi %mul3A_115, %add3A_243 : i32
      %add3A_245 = arith.constant 2 : i32
      %add3A_246 = arith.addi %add3A_244, %add3A_245 : i32
      %lt3A_247 = arith.constant 80 : i32
      %lt3A_248 = arith.cmpi slt, %add3A_246, %lt3A_247 : i32
      %convert_element_type3A_249 = arith.extui %lt3A_248 : i1 to i32
      %cond3A_250 = arith.constant 0 : i32
      %cond3A_251 = arith.cmpi ne, %convert_element_type3A_249, %cond3A_250 : i32
      scf.if %cond3A_251 {
        %dma_wait3A_297 = arith.constant 0 : i32
        %dma_wait3A_298 = arith.constant 0 : i32
        %dma_wait3A_299 = tpu.memref_slice %arg33[%dma_wait3A_297, %dma_wait3A_298] : memref<10240x64xf32, #tpu.memory_space<vmem_shared>> -> memref<128x64xf32, #tpu.memory_space<vmem_shared>>
        %dma_wait3A_300 = arith.constant 0 : i32
        %dma_wait3A_301 = arith.constant 0 : i32
        %dma_wait3A_302 = tpu.memref_slice %arg33[%dma_wait3A_300, %dma_wait3A_301] : memref<10240x64xf32, #tpu.memory_space<vmem_shared>> -> memref<128x64xf32, #tpu.memory_space<vmem_shared>>
        tpu.wait_dma2 semaphore(%arg27 : memref<!tpu.dma_semaphore, #tpu.memory_space<semaphore_mem>>) src(%arg11 : memref<128x64xf32, #tpu.memory_space<vmem>>) dst(%dma_wait3A_302 : memref<128x64xf32, #tpu.memory_space<vmem_shared>>)
        %dma_start3A_303 = arith.constant 0 : i32
        %dma_start3A_304 = tpu.memref_slice %arg7[%add3A_246, %dma_start3A_303] : memref<80x128xi32, #tpu.memory_space<vmem>> -> memref<1x128xi32, #tpu.memory_space<vmem>>
        %dma_start3A_305 = tpu.memref_squeeze %dma_start3A_304 : memref<1x128xi32, #tpu.memory_space<vmem>> -> memref<128xi32, #tpu.memory_space<vmem>>
        %dma_start3A_306 = arith.constant 0 : i32
        %dma_start3A_307 = arith.constant 0 : i32
        %dma_start3A_308 = tpu.memref_slice %arg2[%dma_start3A_306, %dma_start3A_307] : memref<10000x64xf32, #tpu.memory_space<hbm>> -> memref<10000x64xf32, #tpu.memory_space<hbm>>
        tpu.enqueue_indirect_dma source(%dma_start3A_308 : memref<10000x64xf32, #tpu.memory_space<hbm>>) target(%arg11 : memref<128x64xf32, #tpu.memory_space<vmem>>) offsets(%dma_start3A_305 : memref<128xi32, #tpu.memory_space<vmem>>) semaphore(%arg19 : memref<!tpu.dma_semaphore, #tpu.memory_space<semaphore_mem>>)
      } else {
      }
      %add3A_252 = arith.constant 8 : i32
      %add3A_253 = arith.addi %mul3A_115, %add3A_252 : i32
      %add3A_254 = arith.constant 3 : i32
      %add3A_255 = arith.addi %add3A_253, %add3A_254 : i32
      %lt3A_256 = arith.constant 80 : i32
      %lt3A_257 = arith.cmpi slt, %add3A_255, %lt3A_256 : i32
      %convert_element_type3A_258 = arith.extui %lt3A_257 : i1 to i32
      %cond3A_259 = arith.constant 0 : i32
      %cond3A_260 = arith.cmpi ne, %convert_element_type3A_258, %cond3A_259 : i32
      scf.if %cond3A_260 {
        %dma_wait3A_297 = arith.constant 0 : i32
        %dma_wait3A_298 = arith.constant 0 : i32
        %dma_wait3A_299 = tpu.memref_slice %arg33[%dma_wait3A_297, %dma_wait3A_298] : memref<10240x64xf32, #tpu.memory_space<vmem_shared>> -> memref<128x64xf32, #tpu.memory_space<vmem_shared>>
        %dma_wait3A_300 = arith.constant 0 : i32
        %dma_wait3A_301 = arith.constant 0 : i32
        %dma_wait3A_302 = tpu.memref_slice %arg33[%dma_wait3A_300, %dma_wait3A_301] : memref<10240x64xf32, #tpu.memory_space<vmem_shared>> -> memref<128x64xf32, #tpu.memory_space<vmem_shared>>
        tpu.wait_dma2 semaphore(%arg28 : memref<!tpu.dma_semaphore, #tpu.memory_space<semaphore_mem>>) src(%arg12 : memref<128x64xf32, #tpu.memory_space<vmem>>) dst(%dma_wait3A_302 : memref<128x64xf32, #tpu.memory_space<vmem_shared>>)
        %dma_start3A_303 = arith.constant 0 : i32
        %dma_start3A_304 = tpu.memref_slice %arg7[%add3A_255, %dma_start3A_303] : memref<80x128xi32, #tpu.memory_space<vmem>> -> memref<1x128xi32, #tpu.memory_space<vmem>>
        %dma_start3A_305 = tpu.memref_squeeze %dma_start3A_304 : memref<1x128xi32, #tpu.memory_space<vmem>> -> memref<128xi32, #tpu.memory_space<vmem>>
        %dma_start3A_306 = arith.constant 0 : i32
        %dma_start3A_307 = arith.constant 0 : i32
        %dma_start3A_308 = tpu.memref_slice %arg2[%dma_start3A_306, %dma_start3A_307] : memref<10000x64xf32, #tpu.memory_space<hbm>> -> memref<10000x64xf32, #tpu.memory_space<hbm>>
        tpu.enqueue_indirect_dma source(%dma_start3A_308 : memref<10000x64xf32, #tpu.memory_space<hbm>>) target(%arg12 : memref<128x64xf32, #tpu.memory_space<vmem>>) offsets(%dma_start3A_305 : memref<128xi32, #tpu.memory_space<vmem>>) semaphore(%arg20 : memref<!tpu.dma_semaphore, #tpu.memory_space<semaphore_mem>>)
      } else {
      }
      %add3A_261 = arith.constant 8 : i32
      %add3A_262 = arith.addi %mul3A_115, %add3A_261 : i32
      %add3A_263 = arith.constant 4 : i32
      %add3A_264 = arith.addi %add3A_262, %add3A_263 : i32
      %lt3A_265 = arith.constant 80 : i32
      %lt3A_266 = arith.cmpi slt, %add3A_264, %lt3A_265 : i32
      %convert_element_type3A_267 = arith.extui %lt3A_266 : i1 to i32
      %cond3A_268 = arith.constant 0 : i32
      %cond3A_269 = arith.cmpi ne, %convert_element_type3A_267, %cond3A_268 : i32
      scf.if %cond3A_269 {
        %dma_wait3A_297 = arith.constant 0 : i32
        %dma_wait3A_298 = arith.constant 0 : i32
        %dma_wait3A_299 = tpu.memref_slice %arg33[%dma_wait3A_297, %dma_wait3A_298] : memref<10240x64xf32, #tpu.memory_space<vmem_shared>> -> memref<128x64xf32, #tpu.memory_space<vmem_shared>>
        %dma_wait3A_300 = arith.constant 0 : i32
        %dma_wait3A_301 = arith.constant 0 : i32
        %dma_wait3A_302 = tpu.memref_slice %arg33[%dma_wait3A_300, %dma_wait3A_301] : memref<10240x64xf32, #tpu.memory_space<vmem_shared>> -> memref<128x64xf32, #tpu.memory_space<vmem_shared>>
        tpu.wait_dma2 semaphore(%arg29 : memref<!tpu.dma_semaphore, #tpu.memory_space<semaphore_mem>>) src(%arg13 : memref<128x64xf32, #tpu.memory_space<vmem>>) dst(%dma_wait3A_302 : memref<128x64xf32, #tpu.memory_space<vmem_shared>>)
        %dma_start3A_303 = arith.constant 0 : i32
        %dma_start3A_304 = tpu.memref_slice %arg7[%add3A_264, %dma_start3A_303] : memref<80x128xi32, #tpu.memory_space<vmem>> -> memref<1x128xi32, #tpu.memory_space<vmem>>
        %dma_start3A_305 = tpu.memref_squeeze %dma_start3A_304 : memref<1x128xi32, #tpu.memory_space<vmem>> -> memref<128xi32, #tpu.memory_space<vmem>>
        %dma_start3A_306 = arith.constant 0 : i32
        %dma_start3A_307 = arith.constant 0 : i32
        %dma_start3A_308 = tpu.memref_slice %arg2[%dma_start3A_306, %dma_start3A_307] : memref<10000x64xf32, #tpu.memory_space<hbm>> -> memref<10000x64xf32, #tpu.memory_space<hbm>>
        tpu.enqueue_indirect_dma source(%dma_start3A_308 : memref<10000x64xf32, #tpu.memory_space<hbm>>) target(%arg13 : memref<128x64xf32, #tpu.memory_space<vmem>>) offsets(%dma_start3A_305 : memref<128xi32, #tpu.memory_space<vmem>>) semaphore(%arg21 : memref<!tpu.dma_semaphore, #tpu.memory_space<semaphore_mem>>)
      } else {
      }
      %add3A_270 = arith.constant 8 : i32
      %add3A_271 = arith.addi %mul3A_115, %add3A_270 : i32
      %add3A_272 = arith.constant 5 : i32
      %add3A_273 = arith.addi %add3A_271, %add3A_272 : i32
      %lt3A_274 = arith.constant 80 : i32
      %lt3A_275 = arith.cmpi slt, %add3A_273, %lt3A_274 : i32
      %convert_element_type3A_276 = arith.extui %lt3A_275 : i1 to i32
      %cond3A_277 = arith.constant 0 : i32
      %cond3A_278 = arith.cmpi ne, %convert_element_type3A_276, %cond3A_277 : i32
      scf.if %cond3A_278 {
        %dma_wait3A_297 = arith.constant 0 : i32
        %dma_wait3A_298 = arith.constant 0 : i32
        %dma_wait3A_299 = tpu.memref_slice %arg33[%dma_wait3A_297, %dma_wait3A_298] : memref<10240x64xf32, #tpu.memory_space<vmem_shared>> -> memref<128x64xf32, #tpu.memory_space<vmem_shared>>
        %dma_wait3A_300 = arith.constant 0 : i32
        %dma_wait3A_301 = arith.constant 0 : i32
        %dma_wait3A_302 = tpu.memref_slice %arg33[%dma_wait3A_300, %dma_wait3A_301] : memref<10240x64xf32, #tpu.memory_space<vmem_shared>> -> memref<128x64xf32, #tpu.memory_space<vmem_shared>>
        tpu.wait_dma2 semaphore(%arg30 : memref<!tpu.dma_semaphore, #tpu.memory_space<semaphore_mem>>) src(%arg14 : memref<128x64xf32, #tpu.memory_space<vmem>>) dst(%dma_wait3A_302 : memref<128x64xf32, #tpu.memory_space<vmem_shared>>)
        %dma_start3A_303 = arith.constant 0 : i32
        %dma_start3A_304 = tpu.memref_slice %arg7[%add3A_273, %dma_start3A_303] : memref<80x128xi32, #tpu.memory_space<vmem>> -> memref<1x128xi32, #tpu.memory_space<vmem>>
        %dma_start3A_305 = tpu.memref_squeeze %dma_start3A_304 : memref<1x128xi32, #tpu.memory_space<vmem>> -> memref<128xi32, #tpu.memory_space<vmem>>
        %dma_start3A_306 = arith.constant 0 : i32
        %dma_start3A_307 = arith.constant 0 : i32
        %dma_start3A_308 = tpu.memref_slice %arg2[%dma_start3A_306, %dma_start3A_307] : memref<10000x64xf32, #tpu.memory_space<hbm>> -> memref<10000x64xf32, #tpu.memory_space<hbm>>
        tpu.enqueue_indirect_dma source(%dma_start3A_308 : memref<10000x64xf32, #tpu.memory_space<hbm>>) target(%arg14 : memref<128x64xf32, #tpu.memory_space<vmem>>) offsets(%dma_start3A_305 : memref<128xi32, #tpu.memory_space<vmem>>) semaphore(%arg22 : memref<!tpu.dma_semaphore, #tpu.memory_space<semaphore_mem>>)
      } else {
      }
      %add3A_279 = arith.constant 8 : i32
      %add3A_280 = arith.addi %mul3A_115, %add3A_279 : i32
      %add3A_281 = arith.constant 6 : i32
      %add3A_282 = arith.addi %add3A_280, %add3A_281 : i32
      %lt3A_283 = arith.constant 80 : i32
      %lt3A_284 = arith.cmpi slt, %add3A_282, %lt3A_283 : i32
      %convert_element_type3A_285 = arith.extui %lt3A_284 : i1 to i32
      %cond3A_286 = arith.constant 0 : i32
      %cond3A_287 = arith.cmpi ne, %convert_element_type3A_285, %cond3A_286 : i32
      scf.if %cond3A_287 {
        %dma_wait3A_297 = arith.constant 0 : i32
        %dma_wait3A_298 = arith.constant 0 : i32
        %dma_wait3A_299 = tpu.memref_slice %arg33[%dma_wait3A_297, %dma_wait3A_298] : memref<10240x64xf32, #tpu.memory_space<vmem_shared>> -> memref<128x64xf32, #tpu.memory_space<vmem_shared>>
        %dma_wait3A_300 = arith.constant 0 : i32
        %dma_wait3A_301 = arith.constant 0 : i32
        %dma_wait3A_302 = tpu.memref_slice %arg33[%dma_wait3A_300, %dma_wait3A_301] : memref<10240x64xf32, #tpu.memory_space<vmem_shared>> -> memref<128x64xf32, #tpu.memory_space<vmem_shared>>
        tpu.wait_dma2 semaphore(%arg31 : memref<!tpu.dma_semaphore, #tpu.memory_space<semaphore_mem>>) src(%arg15 : memref<128x64xf32, #tpu.memory_space<vmem>>) dst(%dma_wait3A_302 : memref<128x64xf32, #tpu.memory_space<vmem_shared>>)
        %dma_start3A_303 = arith.constant 0 : i32
        %dma_start3A_304 = tpu.memref_slice %arg7[%add3A_282, %dma_start3A_303] : memref<80x128xi32, #tpu.memory_space<vmem>> -> memref<1x128xi32, #tpu.memory_space<vmem>>
        %dma_start3A_305 = tpu.memref_squeeze %dma_start3A_304 : memref<1x128xi32, #tpu.memory_space<vmem>> -> memref<128xi32, #tpu.memory_space<vmem>>
        %dma_start3A_306 = arith.constant 0 : i32
        %dma_start3A_307 = arith.constant 0 : i32
        %dma_start3A_308 = tpu.memref_slice %arg2[%dma_start3A_306, %dma_start3A_307] : memref<10000x64xf32, #tpu.memory_space<hbm>> -> memref<10000x64xf32, #tpu.memory_space<hbm>>
        tpu.enqueue_indirect_dma source(%dma_start3A_308 : memref<10000x64xf32, #tpu.memory_space<hbm>>) target(%arg15 : memref<128x64xf32, #tpu.memory_space<vmem>>) offsets(%dma_start3A_305 : memref<128xi32, #tpu.memory_space<vmem>>) semaphore(%arg23 : memref<!tpu.dma_semaphore, #tpu.memory_space<semaphore_mem>>)
      } else {
      }
      %add3A_288 = arith.constant 8 : i32
      %add3A_289 = arith.addi %mul3A_115, %add3A_288 : i32
      %add3A_290 = arith.constant 7 : i32
      %add3A_291 = arith.addi %add3A_289, %add3A_290 : i32
      %lt3A_292 = arith.constant 80 : i32
      %lt3A_293 = arith.cmpi slt, %add3A_291, %lt3A_292 : i32
      %convert_element_type3A_294 = arith.extui %lt3A_293 : i1 to i32
      %cond3A_295 = arith.constant 0 : i32
      %cond3A_296 = arith.cmpi ne, %convert_element_type3A_294, %cond3A_295 : i32
      scf.if %cond3A_296 {
        %dma_wait3A_297 = arith.constant 0 : i32
        %dma_wait3A_298 = arith.constant 0 : i32
        %dma_wait3A_299 = tpu.memref_slice %arg33[%dma_wait3A_297, %dma_wait3A_298] : memref<10240x64xf32, #tpu.memory_space<vmem_shared>> -> memref<128x64xf32, #tpu.memory_space<vmem_shared>>
        %dma_wait3A_300 = arith.constant 0 : i32
        %dma_wait3A_301 = arith.constant 0 : i32
        %dma_wait3A_302 = tpu.memref_slice %arg33[%dma_wait3A_300, %dma_wait3A_301] : memref<10240x64xf32, #tpu.memory_space<vmem_shared>> -> memref<128x64xf32, #tpu.memory_space<vmem_shared>>
        tpu.wait_dma2 semaphore(%arg32 : memref<!tpu.dma_semaphore, #tpu.memory_space<semaphore_mem>>) src(%arg16 : memref<128x64xf32, #tpu.memory_space<vmem>>) dst(%dma_wait3A_302 : memref<128x64xf32, #tpu.memory_space<vmem_shared>>)
        %dma_start3A_303 = arith.constant 0 : i32
        %dma_start3A_304 = tpu.memref_slice %arg7[%add3A_291, %dma_start3A_303] : memref<80x128xi32, #tpu.memory_space<vmem>> -> memref<1x128xi32, #tpu.memory_space<vmem>>
        %dma_start3A_305 = tpu.memref_squeeze %dma_start3A_304 : memref<1x128xi32, #tpu.memory_space<vmem>> -> memref<128xi32, #tpu.memory_space<vmem>>
        %dma_start3A_306 = arith.constant 0 : i32
        %dma_start3A_307 = arith.constant 0 : i32
        %dma_start3A_308 = tpu.memref_slice %arg2[%dma_start3A_306, %dma_start3A_307] : memref<10000x64xf32, #tpu.memory_space<hbm>> -> memref<10000x64xf32, #tpu.memory_space<hbm>>
        tpu.enqueue_indirect_dma source(%dma_start3A_308 : memref<10000x64xf32, #tpu.memory_space<hbm>>) target(%arg16 : memref<128x64xf32, #tpu.memory_space<vmem>>) offsets(%dma_start3A_305 : memref<128xi32, #tpu.memory_space<vmem>>) semaphore(%arg24 : memref<!tpu.dma_semaphore, #tpu.memory_space<semaphore_mem>>)
      } else {
      }
    }
    %scan3A_64 = arith.constant 10 : i32
    %dma_wait3A = arith.constant 0 : i32
    %dma_wait3A_65 = arith.constant 0 : i32
    %dma_wait3A_66 = tpu.memref_slice %arg33[%dma_wait3A, %dma_wait3A_65] : memref<10240x64xf32, #tpu.memory_space<vmem_shared>> -> memref<128x64xf32, #tpu.memory_space<vmem_shared>>
    %dma_wait3A_67 = arith.constant 0 : i32
    %dma_wait3A_68 = arith.constant 0 : i32
    %dma_wait3A_69 = tpu.memref_slice %arg33[%dma_wait3A_67, %dma_wait3A_68] : memref<10240x64xf32, #tpu.memory_space<vmem_shared>> -> memref<128x64xf32, #tpu.memory_space<vmem_shared>>
    tpu.wait_dma2 semaphore(%arg25 : memref<!tpu.dma_semaphore, #tpu.memory_space<semaphore_mem>>) src(%arg9 : memref<128x64xf32, #tpu.memory_space<vmem>>) dst(%dma_wait3A_69 : memref<128x64xf32, #tpu.memory_space<vmem_shared>>)
    %dma_wait3A_70 = arith.constant 0 : i32
    %dma_wait3A_71 = arith.constant 0 : i32
    %dma_wait3A_72 = tpu.memref_slice %arg33[%dma_wait3A_70, %dma_wait3A_71] : memref<10240x64xf32, #tpu.memory_space<vmem_shared>> -> memref<128x64xf32, #tpu.memory_space<vmem_shared>>
    %dma_wait3A_73 = arith.constant 0 : i32
    %dma_wait3A_74 = arith.constant 0 : i32
    %dma_wait3A_75 = tpu.memref_slice %arg33[%dma_wait3A_73, %dma_wait3A_74] : memref<10240x64xf32, #tpu.memory_space<vmem_shared>> -> memref<128x64xf32, #tpu.memory_space<vmem_shared>>
    tpu.wait_dma2 semaphore(%arg26 : memref<!tpu.dma_semaphore, #tpu.memory_space<semaphore_mem>>) src(%arg10 : memref<128x64xf32, #tpu.memory_space<vmem>>) dst(%dma_wait3A_75 : memref<128x64xf32, #tpu.memory_space<vmem_shared>>)
    %dma_wait3A_76 = arith.constant 0 : i32
    %dma_wait3A_77 = arith.constant 0 : i32
    %dma_wait3A_78 = tpu.memref_slice %arg33[%dma_wait3A_76, %dma_wait3A_77] : memref<10240x64xf32, #tpu.memory_space<vmem_shared>> -> memref<128x64xf32, #tpu.memory_space<vmem_shared>>
    %dma_wait3A_79 = arith.constant 0 : i32
    %dma_wait3A_80 = arith.constant 0 : i32
    %dma_wait3A_81 = tpu.memref_slice %arg33[%dma_wait3A_79, %dma_wait3A_80] : memref<10240x64xf32, #tpu.memory_space<vmem_shared>> -> memref<128x64xf32, #tpu.memory_space<vmem_shared>>
    tpu.wait_dma2 semaphore(%arg27 : memref<!tpu.dma_semaphore, #tpu.memory_space<semaphore_mem>>) src(%arg11 : memref<128x64xf32, #tpu.memory_space<vmem>>) dst(%dma_wait3A_81 : memref<128x64xf32, #tpu.memory_space<vmem_shared>>)
    %dma_wait3A_82 = arith.constant 0 : i32
    %dma_wait3A_83 = arith.constant 0 : i32
    %dma_wait3A_84 = tpu.memref_slice %arg33[%dma_wait3A_82, %dma_wait3A_83] : memref<10240x64xf32, #tpu.memory_space<vmem_shared>> -> memref<128x64xf32, #tpu.memory_space<vmem_shared>>
    %dma_wait3A_85 = arith.constant 0 : i32
    %dma_wait3A_86 = arith.constant 0 : i32
    %dma_wait3A_87 = tpu.memref_slice %arg33[%dma_wait3A_85, %dma_wait3A_86] : memref<10240x64xf32, #tpu.memory_space<vmem_shared>> -> memref<128x64xf32, #tpu.memory_space<vmem_shared>>
    tpu.wait_dma2 semaphore(%arg28 : memref<!tpu.dma_semaphore, #tpu.memory_space<semaphore_mem>>) src(%arg12 : memref<128x64xf32, #tpu.memory_space<vmem>>) dst(%dma_wait3A_87 : memref<128x64xf32, #tpu.memory_space<vmem_shared>>)
    %dma_wait3A_88 = arith.constant 0 : i32
    %dma_wait3A_89 = arith.constant 0 : i32
    %dma_wait3A_90 = tpu.memref_slice %arg33[%dma_wait3A_88, %dma_wait3A_89] : memref<10240x64xf32, #tpu.memory_space<vmem_shared>> -> memref<128x64xf32, #tpu.memory_space<vmem_shared>>
    %dma_wait3A_91 = arith.constant 0 : i32
    %dma_wait3A_92 = arith.constant 0 : i32
    %dma_wait3A_93 = tpu.memref_slice %arg33[%dma_wait3A_91, %dma_wait3A_92] : memref<10240x64xf32, #tpu.memory_space<vmem_shared>> -> memref<128x64xf32, #tpu.memory_space<vmem_shared>>
    tpu.wait_dma2 semaphore(%arg29 : memref<!tpu.dma_semaphore, #tpu.memory_space<semaphore_mem>>) src(%arg13 : memref<128x64xf32, #tpu.memory_space<vmem>>) dst(%dma_wait3A_93 : memref<128x64xf32, #tpu.memory_space<vmem_shared>>)
    %dma_wait3A_94 = arith.constant 0 : i32
    %dma_wait3A_95 = arith.constant 0 : i32
    %dma_wait3A_96 = tpu.memref_slice %arg33[%dma_wait3A_94, %dma_wait3A_95] : memref<10240x64xf32, #tpu.memory_space<vmem_shared>> -> memref<128x64xf32, #tpu.memory_space<vmem_shared>>
    %dma_wait3A_97 = arith.constant 0 : i32
    %dma_wait3A_98 = arith.constant 0 : i32
    %dma_wait3A_99 = tpu.memref_slice %arg33[%dma_wait3A_97, %dma_wait3A_98] : memref<10240x64xf32, #tpu.memory_space<vmem_shared>> -> memref<128x64xf32, #tpu.memory_space<vmem_shared>>
    tpu.wait_dma2 semaphore(%arg30 : memref<!tpu.dma_semaphore, #tpu.memory_space<semaphore_mem>>) src(%arg14 : memref<128x64xf32, #tpu.memory_space<vmem>>) dst(%dma_wait3A_99 : memref<128x64xf32, #tpu.memory_space<vmem_shared>>)
    %dma_wait3A_100 = arith.constant 0 : i32
    %dma_wait3A_101 = arith.constant 0 : i32
    %dma_wait3A_102 = tpu.memref_slice %arg33[%dma_wait3A_100, %dma_wait3A_101] : memref<10240x64xf32, #tpu.memory_space<vmem_shared>> -> memref<128x64xf32, #tpu.memory_space<vmem_shared>>
    %dma_wait3A_103 = arith.constant 0 : i32
    %dma_wait3A_104 = arith.constant 0 : i32
    %dma_wait3A_105 = tpu.memref_slice %arg33[%dma_wait3A_103, %dma_wait3A_104] : memref<10240x64xf32, #tpu.memory_space<vmem_shared>> -> memref<128x64xf32, #tpu.memory_space<vmem_shared>>
    tpu.wait_dma2 semaphore(%arg31 : memref<!tpu.dma_semaphore, #tpu.memory_space<semaphore_mem>>) src(%arg15 : memref<128x64xf32, #tpu.memory_space<vmem>>) dst(%dma_wait3A_105 : memref<128x64xf32, #tpu.memory_space<vmem_shared>>)
    %dma_wait3A_106 = arith.constant 0 : i32
    %dma_wait3A_107 = arith.constant 0 : i32
    %dma_wait3A_108 = tpu.memref_slice %arg33[%dma_wait3A_106, %dma_wait3A_107] : memref<10240x64xf32, #tpu.memory_space<vmem_shared>> -> memref<128x64xf32, #tpu.memory_space<vmem_shared>>
    %dma_wait3A_109 = arith.constant 0 : i32
    %dma_wait3A_110 = arith.constant 0 : i32
    %dma_wait3A_111 = tpu.memref_slice %arg33[%dma_wait3A_109, %dma_wait3A_110] : memref<10240x64xf32, #tpu.memory_space<vmem_shared>> -> memref<128x64xf32, #tpu.memory_space<vmem_shared>>
    tpu.wait_dma2 semaphore(%arg32 : memref<!tpu.dma_semaphore, #tpu.memory_space<semaphore_mem>>) src(%arg16 : memref<128x64xf32, #tpu.memory_space<vmem>>) dst(%dma_wait3A_111 : memref<128x64xf32, #tpu.memory_space<vmem_shared>>)
    %barrier3A_112 = arith.constant 0 : index
    tpu.barrier barrier_id(%barrier3A_112)
    "tpu.region"() ({
      %run_scoped3A = tpu.sem_alloc : memref<!tpu.dma_semaphore, #tpu.memory_space<semaphore_mem>>
      %dma_start3A_113 = arith.constant 0 : i32
      %dma_start3A_114 = tpu.memref_slice %arg6[%arg0, %mul3A_2, %dma_start3A_113] : memref<2x10240x64xf32, #tpu.memory_space<hbm>> -> memref<1x640x64xf32, #tpu.memory_space<hbm>>
      %dma_start3A_115 = tpu.memref_squeeze %dma_start3A_114 : memref<1x640x64xf32, #tpu.memory_space<hbm>> -> memref<640x64xf32, #tpu.memory_space<hbm>>
      %dma_start3A_116 = arith.constant 0 : i32
      %dma_start3A_117 = tpu.memref_slice %arg33[%mul3A_2, %dma_start3A_116] : memref<10240x64xf32, #tpu.memory_space<vmem_shared>> -> memref<640x64xf32, #tpu.memory_space<vmem_shared>>
      tpu.enqueue_dma source(%dma_start3A_117 : memref<640x64xf32, #tpu.memory_space<vmem_shared>>) target(%dma_start3A_115 : memref<640x64xf32, #tpu.memory_space<hbm>>) target_semaphore(%run_scoped3A : memref<!tpu.dma_semaphore, #tpu.memory_space<semaphore_mem>>)
      %dma_wait3A_118 = arith.constant 0 : i32
      %dma_wait3A_119 = tpu.memref_slice %arg6[%arg0, %mul3A_2, %dma_wait3A_118] : memref<2x10240x64xf32, #tpu.memory_space<hbm>> -> memref<1x640x64xf32, #tpu.memory_space<hbm>>
      %dma_wait3A_120 = tpu.memref_squeeze %dma_wait3A_119 : memref<1x640x64xf32, #tpu.memory_space<hbm>> -> memref<640x64xf32, #tpu.memory_space<hbm>>
      %dma_wait3A_121 = arith.constant 0 : i32
      %dma_wait3A_122 = tpu.memref_slice %arg33[%mul3A_2, %dma_wait3A_121] : memref<10240x64xf32, #tpu.memory_space<vmem_shared>> -> memref<640x64xf32, #tpu.memory_space<vmem_shared>>
      tpu.wait_dma2 semaphore(%run_scoped3A : memref<!tpu.dma_semaphore, #tpu.memory_space<semaphore_mem>>) src(%dma_wait3A_122 : memref<640x64xf32, #tpu.memory_space<vmem_shared>>) dst(%dma_wait3A_120 : memref<640x64xf32, #tpu.memory_space<hbm>>)
      tpu.yield
    }) : () -> ()
    return
  }
}

#map = affine_map<(d0, d1) -> (0, 0)>
#map1 = affine_map<(d0, d1) -> (0, 0, 0)>
module attributes {stable_mosaic.version = 14 : i64} {
  func.func @_agg_sc(%arg0: i32, %arg1: i32, %arg2: memref<10000x64xf32, #tpu.memory_space<hbm>>, %arg3: memref<2560x128xi32, #tpu.memory_space<hbm>>, %arg4: memref<2560x128xi32, #tpu.memory_space<hbm>>, %arg5: memref<10240x64xf32, #tpu.memory_space<hbm>>, %arg6: memref<2x10240x64xf32, #tpu.memory_space<hbm>>, %arg7: memref<80x128xi32, #tpu.memory_space<vmem>>, %arg8: memref<80x128xi32, #tpu.memory_space<vmem>>, %arg9: memref<128x64xf32, #tpu.memory_space<vmem>>, %arg10: memref<128x64xf32, #tpu.memory_space<vmem>>, %arg11: memref<128x64xf32, #tpu.memory_space<vmem>>, %arg12: memref<128x64xf32, #tpu.memory_space<vmem>>, %arg13: memref<128x64xf32, #tpu.memory_space<vmem>>, %arg14: memref<128x64xf32, #tpu.memory_space<vmem>>, %arg15: memref<128x64xf32, #tpu.memory_space<vmem>>, %arg16: memref<128x64xf32, #tpu.memory_space<vmem>>, %arg17: memref<!tpu.dma_semaphore, #tpu.memory_space<semaphore_mem>>, %arg18: memref<!tpu.dma_semaphore, #tpu.memory_space<semaphore_mem>>, %arg19: memref<!tpu.dma_semaphore, #tpu.memory_space<semaphore_mem>>, %arg20: memref<!tpu.dma_semaphore, #tpu.memory_space<semaphore_mem>>, %arg21: memref<!tpu.dma_semaphore, #tpu.memory_space<semaphore_mem>>, %arg22: memref<!tpu.dma_semaphore, #tpu.memory_space<semaphore_mem>>, %arg23: memref<!tpu.dma_semaphore, #tpu.memory_space<semaphore_mem>>, %arg24: memref<!tpu.dma_semaphore, #tpu.memory_space<semaphore_mem>>, %arg25: memref<!tpu.dma_semaphore, #tpu.memory_space<semaphore_mem>>, %arg26: memref<!tpu.dma_semaphore, #tpu.memory_space<semaphore_mem>>, %arg27: memref<!tpu.dma_semaphore, #tpu.memory_space<semaphore_mem>>, %arg28: memref<!tpu.dma_semaphore, #tpu.memory_space<semaphore_mem>>, %arg29: memref<!tpu.dma_semaphore, #tpu.memory_space<semaphore_mem>>, %arg30: memref<!tpu.dma_semaphore, #tpu.memory_space<semaphore_mem>>, %arg31: memref<!tpu.dma_semaphore, #tpu.memory_space<semaphore_mem>>, %arg32: memref<!tpu.dma_semaphore, #tpu.memory_space<semaphore_mem>>, %arg33: memref<10240x64xf32, #tpu.memory_space<vmem_shared>>) attributes {dimension_semantics = [#tpu.dimension_semantics<core_parallel>, #tpu.dimension_semantics<subcore_parallel>], iteration_bounds = array<i64: 2, 16>, scalar_prefetch = 0 : i64, scratch_operands = 27 : i64, tpu.core_type = #tpu.core_type<sc_vector_subcore>, window_params = [{transform_indices = #map}, {transform_indices = #map}, {transform_indices = #map}, {transform_indices = #map}, {transform_indices = #map1}]} {
    %mul3A = arith.constant 16 : i32
    %mul3A_0 = arith.muli %arg0, %mul3A : i32
    %add3A = arith.addi %mul3A_0, %arg1 : i32
    %mul3A_1 = arith.constant 640 : i32
    %mul3A_2 = arith.muli %arg1, %mul3A_1 : i32
    "tpu.region"() ({
      %run_scoped3A = tpu.sem_alloc : memref<!tpu.dma_semaphore, #tpu.memory_space<semaphore_mem>>
      %dma_start3A_113 = arith.constant 0 : i32
      %dma_start3A_114 = tpu.memref_slice %arg33[%mul3A_2, %dma_start3A_113] : memref<10240x64xf32, #tpu.memory_space<vmem_shared>> -> memref<640x64xf32, #tpu.memory_space<vmem_shared>>
      %dma_start3A_115 = arith.constant 0 : i32
      %dma_start3A_116 = tpu.memref_slice %arg5[%mul3A_2, %dma_start3A_115] : memref<10240x64xf32, #tpu.memory_space<hbm>> -> memref<640x64xf32, #tpu.memory_space<hbm>>
      tpu.enqueue_dma source(%dma_start3A_116 : memref<640x64xf32, #tpu.memory_space<hbm>>) target(%dma_start3A_114 : memref<640x64xf32, #tpu.memory_space<vmem_shared>>) target_semaphore(%run_scoped3A : memref<!tpu.dma_semaphore, #tpu.memory_space<semaphore_mem>>)
      %dma_wait3A_117 = arith.constant 0 : i32
      %dma_wait3A_118 = tpu.memref_slice %arg33[%mul3A_2, %dma_wait3A_117] : memref<10240x64xf32, #tpu.memory_space<vmem_shared>> -> memref<640x64xf32, #tpu.memory_space<vmem_shared>>
      %dma_wait3A_119 = arith.constant 0 : i32
      %dma_wait3A_120 = tpu.memref_slice %arg5[%mul3A_2, %dma_wait3A_119] : memref<10240x64xf32, #tpu.memory_space<hbm>> -> memref<640x64xf32, #tpu.memory_space<hbm>>
      tpu.wait_dma2 semaphore(%run_scoped3A : memref<!tpu.dma_semaphore, #tpu.memory_space<semaphore_mem>>) src(%dma_wait3A_120 : memref<640x64xf32, #tpu.memory_space<hbm>>) dst(%dma_wait3A_118 : memref<640x64xf32, #tpu.memory_space<vmem_shared>>)
      tpu.yield
    }) : () -> ()
    %mul3A_3 = arith.constant 80 : i32
    %mul3A_4 = arith.muli %add3A, %mul3A_3 : i32
    "tpu.region"() ({
      %run_scoped3A = tpu.sem_alloc : memref<!tpu.dma_semaphore, #tpu.memory_space<semaphore_mem>>
      %dma_start3A_113 = arith.constant 0 : i32
      %dma_start3A_114 = tpu.memref_slice %arg3[%mul3A_4, %dma_start3A_113] : memref<2560x128xi32, #tpu.memory_space<hbm>> -> memref<80x128xi32, #tpu.memory_space<hbm>>
      %dma_start3A_115 = arith.constant 0 : i32
      %dma_start3A_116 = tpu.memref_slice %arg3[%mul3A_4, %dma_start3A_115] : memref<2560x128xi32, #tpu.memory_space<hbm>> -> memref<80x128xi32, #tpu.memory_space<hbm>>
      tpu.enqueue_dma source(%dma_start3A_116 : memref<80x128xi32, #tpu.memory_space<hbm>>) target(%arg7 : memref<80x128xi32, #tpu.memory_space<vmem>>) target_semaphore(%run_scoped3A : memref<!tpu.dma_semaphore, #tpu.memory_space<semaphore_mem>>)
      %dma_wait3A_117 = arith.constant 0 : i32
      %dma_wait3A_118 = tpu.memref_slice %arg3[%mul3A_4, %dma_wait3A_117] : memref<2560x128xi32, #tpu.memory_space<hbm>> -> memref<80x128xi32, #tpu.memory_space<hbm>>
      %dma_wait3A_119 = arith.constant 0 : i32
      %dma_wait3A_120 = tpu.memref_slice %arg3[%mul3A_4, %dma_wait3A_119] : memref<2560x128xi32, #tpu.memory_space<hbm>> -> memref<80x128xi32, #tpu.memory_space<hbm>>
      tpu.wait_dma2 semaphore(%run_scoped3A : memref<!tpu.dma_semaphore, #tpu.memory_space<semaphore_mem>>) src(%dma_wait3A_120 : memref<80x128xi32, #tpu.memory_space<hbm>>) dst(%arg7 : memref<80x128xi32, #tpu.memory_space<vmem>>)
      tpu.yield
    }) : () -> ()
    "tpu.region"() ({
      %run_scoped3A = tpu.sem_alloc : memref<!tpu.dma_semaphore, #tpu.memory_space<semaphore_mem>>
      %dma_start3A_113 = arith.constant 0 : i32
      %dma_start3A_114 = tpu.memref_slice %arg4[%mul3A_4, %dma_start3A_113] : memref<2560x128xi32, #tpu.memory_space<hbm>> -> memref<80x128xi32, #tpu.memory_space<hbm>>
      %dma_start3A_115 = arith.constant 0 : i32
      %dma_start3A_116 = tpu.memref_slice %arg4[%mul3A_4, %dma_start3A_115] : memref<2560x128xi32, #tpu.memory_space<hbm>> -> memref<80x128xi32, #tpu.memory_space<hbm>>
      tpu.enqueue_dma source(%dma_start3A_116 : memref<80x128xi32, #tpu.memory_space<hbm>>) target(%arg8 : memref<80x128xi32, #tpu.memory_space<vmem>>) target_semaphore(%run_scoped3A : memref<!tpu.dma_semaphore, #tpu.memory_space<semaphore_mem>>)
      %dma_wait3A_117 = arith.constant 0 : i32
      %dma_wait3A_118 = tpu.memref_slice %arg4[%mul3A_4, %dma_wait3A_117] : memref<2560x128xi32, #tpu.memory_space<hbm>> -> memref<80x128xi32, #tpu.memory_space<hbm>>
      %dma_wait3A_119 = arith.constant 0 : i32
      %dma_wait3A_120 = tpu.memref_slice %arg4[%mul3A_4, %dma_wait3A_119] : memref<2560x128xi32, #tpu.memory_space<hbm>> -> memref<80x128xi32, #tpu.memory_space<hbm>>
      tpu.wait_dma2 semaphore(%run_scoped3A : memref<!tpu.dma_semaphore, #tpu.memory_space<semaphore_mem>>) src(%dma_wait3A_120 : memref<80x128xi32, #tpu.memory_space<hbm>>) dst(%arg8 : memref<80x128xi32, #tpu.memory_space<vmem>>)
      tpu.yield
    }) : () -> ()
    %barrier3A = arith.constant 0 : index
    tpu.barrier barrier_id(%barrier3A)
    %dma_start3A = arith.constant 0 : i32
    %dma_start3A_5 = arith.constant 0 : i32
    %dma_start3A_6 = tpu.memref_slice %arg7[%dma_start3A, %dma_start3A_5] : memref<80x128xi32, #tpu.memory_space<vmem>> -> memref<1x128xi32, #tpu.memory_space<vmem>>
    %dma_start3A_7 = tpu.memref_squeeze %dma_start3A_6 : memref<1x128xi32, #tpu.memory_space<vmem>> -> memref<128xi32, #tpu.memory_space<vmem>>
    %dma_start3A_8 = arith.constant 0 : i32
    %dma_start3A_9 = arith.constant 0 : i32
    %dma_start3A_10 = tpu.memref_slice %arg2[%dma_start3A_8, %dma_start3A_9] : memref<10000x64xf32, #tpu.memory_space<hbm>> -> memref<10000x64xf32, #tpu.memory_space<hbm>>
    tpu.enqueue_indirect_dma source(%dma_start3A_10 : memref<10000x64xf32, #tpu.memory_space<hbm>>) target(%arg9 : memref<128x64xf32, #tpu.memory_space<vmem>>) offsets(%dma_start3A_7 : memref<128xi32, #tpu.memory_space<vmem>>) semaphore(%arg17 : memref<!tpu.dma_semaphore, #tpu.memory_space<semaphore_mem>>)
    %dma_start3A_11 = arith.constant 1 : i32
    %dma_start3A_12 = arith.constant 0 : i32
    %dma_start3A_13 = tpu.memref_slice %arg7[%dma_start3A_11, %dma_start3A_12] : memref<80x128xi32, #tpu.memory_space<vmem>> -> memref<1x128xi32, #tpu.memory_space<vmem>>
    %dma_start3A_14 = tpu.memref_squeeze %dma_start3A_13 : memref<1x128xi32, #tpu.memory_space<vmem>> -> memref<128xi32, #tpu.memory_space<vmem>>
    %dma_start3A_15 = arith.constant 0 : i32
    %dma_start3A_16 = arith.constant 0 : i32
    %dma_start3A_17 = tpu.memref_slice %arg2[%dma_start3A_15, %dma_start3A_16] : memref<10000x64xf32, #tpu.memory_space<hbm>> -> memref<10000x64xf32, #tpu.memory_space<hbm>>
    tpu.enqueue_indirect_dma source(%dma_start3A_17 : memref<10000x64xf32, #tpu.memory_space<hbm>>) target(%arg10 : memref<128x64xf32, #tpu.memory_space<vmem>>) offsets(%dma_start3A_14 : memref<128xi32, #tpu.memory_space<vmem>>) semaphore(%arg18 : memref<!tpu.dma_semaphore, #tpu.memory_space<semaphore_mem>>)
    %dma_start3A_18 = arith.constant 2 : i32
    %dma_start3A_19 = arith.constant 0 : i32
    %dma_start3A_20 = tpu.memref_slice %arg7[%dma_start3A_18, %dma_start3A_19] : memref<80x128xi32, #tpu.memory_space<vmem>> -> memref<1x128xi32, #tpu.memory_space<vmem>>
    %dma_start3A_21 = tpu.memref_squeeze %dma_start3A_20 : memref<1x128xi32, #tpu.memory_space<vmem>> -> memref<128xi32, #tpu.memory_space<vmem>>
    %dma_start3A_22 = arith.constant 0 : i32
    %dma_start3A_23 = arith.constant 0 : i32
    %dma_start3A_24 = tpu.memref_slice %arg2[%dma_start3A_22, %dma_start3A_23] : memref<10000x64xf32, #tpu.memory_space<hbm>> -> memref<10000x64xf32, #tpu.memory_space<hbm>>
    tpu.enqueue_indirect_dma source(%dma_start3A_24 : memref<10000x64xf32, #tpu.memory_space<hbm>>) target(%arg11 : memref<128x64xf32, #tpu.memory_space<vmem>>) offsets(%dma_start3A_21 : memref<128xi32, #tpu.memory_space<vmem>>) semaphore(%arg19 : memref<!tpu.dma_semaphore, #tpu.memory_space<semaphore_mem>>)
    %dma_start3A_25 = arith.constant 3 : i32
    %dma_start3A_26 = arith.constant 0 : i32
    %dma_start3A_27 = tpu.memref_slice %arg7[%dma_start3A_25, %dma_start3A_26] : memref<80x128xi32, #tpu.memory_space<vmem>> -> memref<1x128xi32, #tpu.memory_space<vmem>>
    %dma_start3A_28 = tpu.memref_squeeze %dma_start3A_27 : memref<1x128xi32, #tpu.memory_space<vmem>> -> memref<128xi32, #tpu.memory_space<vmem>>
    %dma_start3A_29 = arith.constant 0 : i32
    %dma_start3A_30 = arith.constant 0 : i32
    %dma_start3A_31 = tpu.memref_slice %arg2[%dma_start3A_29, %dma_start3A_30] : memref<10000x64xf32, #tpu.memory_space<hbm>> -> memref<10000x64xf32, #tpu.memory_space<hbm>>
    tpu.enqueue_indirect_dma source(%dma_start3A_31 : memref<10000x64xf32, #tpu.memory_space<hbm>>) target(%arg12 : memref<128x64xf32, #tpu.memory_space<vmem>>) offsets(%dma_start3A_28 : memref<128xi32, #tpu.memory_space<vmem>>) semaphore(%arg20 : memref<!tpu.dma_semaphore, #tpu.memory_space<semaphore_mem>>)
    %dma_start3A_32 = arith.constant 4 : i32
    %dma_start3A_33 = arith.constant 0 : i32
    %dma_start3A_34 = tpu.memref_slice %arg7[%dma_start3A_32, %dma_start3A_33] : memref<80x128xi32, #tpu.memory_space<vmem>> -> memref<1x128xi32, #tpu.memory_space<vmem>>
    %dma_start3A_35 = tpu.memref_squeeze %dma_start3A_34 : memref<1x128xi32, #tpu.memory_space<vmem>> -> memref<128xi32, #tpu.memory_space<vmem>>
    %dma_start3A_36 = arith.constant 0 : i32
    %dma_start3A_37 = arith.constant 0 : i32
    %dma_start3A_38 = tpu.memref_slice %arg2[%dma_start3A_36, %dma_start3A_37] : memref<10000x64xf32, #tpu.memory_space<hbm>> -> memref<10000x64xf32, #tpu.memory_space<hbm>>
    tpu.enqueue_indirect_dma source(%dma_start3A_38 : memref<10000x64xf32, #tpu.memory_space<hbm>>) target(%arg13 : memref<128x64xf32, #tpu.memory_space<vmem>>) offsets(%dma_start3A_35 : memref<128xi32, #tpu.memory_space<vmem>>) semaphore(%arg21 : memref<!tpu.dma_semaphore, #tpu.memory_space<semaphore_mem>>)
    %dma_start3A_39 = arith.constant 5 : i32
    %dma_start3A_40 = arith.constant 0 : i32
    %dma_start3A_41 = tpu.memref_slice %arg7[%dma_start3A_39, %dma_start3A_40] : memref<80x128xi32, #tpu.memory_space<vmem>> -> memref<1x128xi32, #tpu.memory_space<vmem>>
    %dma_start3A_42 = tpu.memref_squeeze %dma_start3A_41 : memref<1x128xi32, #tpu.memory_space<vmem>> -> memref<128xi32, #tpu.memory_space<vmem>>
    %dma_start3A_43 = arith.constant 0 : i32
    %dma_start3A_44 = arith.constant 0 : i32
    %dma_start3A_45 = tpu.memref_slice %arg2[%dma_start3A_43, %dma_start3A_44] : memref<10000x64xf32, #tpu.memory_space<hbm>> -> memref<10000x64xf32, #tpu.memory_space<hbm>>
    tpu.enqueue_indirect_dma source(%dma_start3A_45 : memref<10000x64xf32, #tpu.memory_space<hbm>>) target(%arg14 : memref<128x64xf32, #tpu.memory_space<vmem>>) offsets(%dma_start3A_42 : memref<128xi32, #tpu.memory_space<vmem>>) semaphore(%arg22 : memref<!tpu.dma_semaphore, #tpu.memory_space<semaphore_mem>>)
    %dma_start3A_46 = arith.constant 6 : i32
    %dma_start3A_47 = arith.constant 0 : i32
    %dma_start3A_48 = tpu.memref_slice %arg7[%dma_start3A_46, %dma_start3A_47] : memref<80x128xi32, #tpu.memory_space<vmem>> -> memref<1x128xi32, #tpu.memory_space<vmem>>
    %dma_start3A_49 = tpu.memref_squeeze %dma_start3A_48 : memref<1x128xi32, #tpu.memory_space<vmem>> -> memref<128xi32, #tpu.memory_space<vmem>>
    %dma_start3A_50 = arith.constant 0 : i32
    %dma_start3A_51 = arith.constant 0 : i32
    %dma_start3A_52 = tpu.memref_slice %arg2[%dma_start3A_50, %dma_start3A_51] : memref<10000x64xf32, #tpu.memory_space<hbm>> -> memref<10000x64xf32, #tpu.memory_space<hbm>>
    tpu.enqueue_indirect_dma source(%dma_start3A_52 : memref<10000x64xf32, #tpu.memory_space<hbm>>) target(%arg15 : memref<128x64xf32, #tpu.memory_space<vmem>>) offsets(%dma_start3A_49 : memref<128xi32, #tpu.memory_space<vmem>>) semaphore(%arg23 : memref<!tpu.dma_semaphore, #tpu.memory_space<semaphore_mem>>)
    %dma_start3A_53 = arith.constant 7 : i32
    %dma_start3A_54 = arith.constant 0 : i32
    %dma_start3A_55 = tpu.memref_slice %arg7[%dma_start3A_53, %dma_start3A_54] : memref<80x128xi32, #tpu.memory_space<vmem>> -> memref<1x128xi32, #tpu.memory_space<vmem>>
    %dma_start3A_56 = tpu.memref_squeeze %dma_start3A_55 : memref<1x128xi32, #tpu.memory_space<vmem>> -> memref<128xi32, #tpu.memory_space<vmem>>
    %dma_start3A_57 = arith.constant 0 : i32
    %dma_start3A_58 = arith.constant 0 : i32
    %dma_start3A_59 = tpu.memref_slice %arg2[%dma_start3A_57, %dma_start3A_58] : memref<10000x64xf32, #tpu.memory_space<hbm>> -> memref<10000x64xf32, #tpu.memory_space<hbm>>
    tpu.enqueue_indirect_dma source(%dma_start3A_59 : memref<10000x64xf32, #tpu.memory_space<hbm>>) target(%arg16 : memref<128x64xf32, #tpu.memory_space<vmem>>) offsets(%dma_start3A_56 : memref<128xi32, #tpu.memory_space<vmem>>) semaphore(%arg24 : memref<!tpu.dma_semaphore, #tpu.memory_space<semaphore_mem>>)
    %scan3A = arith.constant 0 : i32
    %scan3A_60 = arith.constant 0 : i32
    %scan3A_61 = arith.constant 10 : i32
    %scan3A_62 = arith.addi %scan3A_60, %scan3A_61 : i32
    %scan3A_63 = arith.constant 1 : i32
    scf.for %scan3A_113 = %scan3A_60 to %scan3A_62 step %scan3A_63  : i32 {
      %mul3A_114 = arith.constant 8 : i32
      %mul3A_115 = arith.muli %mul3A_114, %scan3A_113 : i32
      %dma_wait3A_116 = arith.constant 0 : i32
      %dma_wait3A_117 = arith.constant 0 : i32
      %dma_wait3A_118 = tpu.memref_slice %arg2[%dma_wait3A_116, %dma_wait3A_117] : memref<10000x64xf32, #tpu.memory_space<hbm>> -> memref<128x64xf32, #tpu.memory_space<hbm>>
      %dma_wait3A_119 = arith.constant 0 : i32
      %dma_wait3A_120 = arith.constant 0 : i32
      %dma_wait3A_121 = tpu.memref_slice %arg2[%dma_wait3A_119, %dma_wait3A_120] : memref<10000x64xf32, #tpu.memory_space<hbm>> -> memref<128x64xf32, #tpu.memory_space<hbm>>
      tpu.wait_dma2 semaphore(%arg17 : memref<!tpu.dma_semaphore, #tpu.memory_space<semaphore_mem>>) src(%dma_wait3A_121 : memref<128x64xf32, #tpu.memory_space<hbm>>) dst(%arg9 : memref<128x64xf32, #tpu.memory_space<vmem>>)
      %add3A_122 = arith.constant 0 : i32
      %add3A_123 = arith.addi %mul3A_115, %add3A_122 : i32
      %dma_start3A_124 = arith.constant 0 : i32
      %dma_start3A_125 = tpu.memref_slice %arg8[%add3A_123, %dma_start3A_124] : memref<80x128xi32, #tpu.memory_space<vmem>> -> memref<1x128xi32, #tpu.memory_space<vmem>>
      %dma_start3A_126 = tpu.memref_squeeze %dma_start3A_125 : memref<1x128xi32, #tpu.memory_space<vmem>> -> memref<128xi32, #tpu.memory_space<vmem>>
      %dma_start3A_127 = arith.constant 0 : i32
      %dma_start3A_128 = arith.constant 0 : i32
      %dma_start3A_129 = tpu.memref_slice %arg33[%dma_start3A_127, %dma_start3A_128] : memref<10240x64xf32, #tpu.memory_space<vmem_shared>> -> memref<10240x64xf32, #tpu.memory_space<vmem_shared>>
      tpu.enqueue_indirect_dma source(%arg9 : memref<128x64xf32, #tpu.memory_space<vmem>>) target(%dma_start3A_129 : memref<10240x64xf32, #tpu.memory_space<vmem_shared>>) offsets(%dma_start3A_126 : memref<128xi32, #tpu.memory_space<vmem>>) semaphore(%arg25 : memref<!tpu.dma_semaphore, #tpu.memory_space<semaphore_mem>>) {add = true}
      %dma_wait3A_130 = arith.constant 0 : i32
      %dma_wait3A_131 = arith.constant 0 : i32
      %dma_wait3A_132 = tpu.memref_slice %arg2[%dma_wait3A_130, %dma_wait3A_131] : memref<10000x64xf32, #tpu.memory_space<hbm>> -> memref<128x64xf32, #tpu.memory_space<hbm>>
      %dma_wait3A_133 = arith.constant 0 : i32
      %dma_wait3A_134 = arith.constant 0 : i32
      %dma_wait3A_135 = tpu.memref_slice %arg2[%dma_wait3A_133, %dma_wait3A_134] : memref<10000x64xf32, #tpu.memory_space<hbm>> -> memref<128x64xf32, #tpu.memory_space<hbm>>
      tpu.wait_dma2 semaphore(%arg18 : memref<!tpu.dma_semaphore, #tpu.memory_space<semaphore_mem>>) src(%dma_wait3A_135 : memref<128x64xf32, #tpu.memory_space<hbm>>) dst(%arg10 : memref<128x64xf32, #tpu.memory_space<vmem>>)
      %add3A_136 = arith.constant 1 : i32
      %add3A_137 = arith.addi %mul3A_115, %add3A_136 : i32
      %dma_start3A_138 = arith.constant 0 : i32
      %dma_start3A_139 = tpu.memref_slice %arg8[%add3A_137, %dma_start3A_138] : memref<80x128xi32, #tpu.memory_space<vmem>> -> memref<1x128xi32, #tpu.memory_space<vmem>>
      %dma_start3A_140 = tpu.memref_squeeze %dma_start3A_139 : memref<1x128xi32, #tpu.memory_space<vmem>> -> memref<128xi32, #tpu.memory_space<vmem>>
      %dma_start3A_141 = arith.constant 0 : i32
      %dma_start3A_142 = arith.constant 0 : i32
      %dma_start3A_143 = tpu.memref_slice %arg33[%dma_start3A_141, %dma_start3A_142] : memref<10240x64xf32, #tpu.memory_space<vmem_shared>> -> memref<10240x64xf32, #tpu.memory_space<vmem_shared>>
      tpu.enqueue_indirect_dma source(%arg10 : memref<128x64xf32, #tpu.memory_space<vmem>>) target(%dma_start3A_143 : memref<10240x64xf32, #tpu.memory_space<vmem_shared>>) offsets(%dma_start3A_140 : memref<128xi32, #tpu.memory_space<vmem>>) semaphore(%arg26 : memref<!tpu.dma_semaphore, #tpu.memory_space<semaphore_mem>>) {add = true}
      %dma_wait3A_144 = arith.constant 0 : i32
      %dma_wait3A_145 = arith.constant 0 : i32
      %dma_wait3A_146 = tpu.memref_slice %arg2[%dma_wait3A_144, %dma_wait3A_145] : memref<10000x64xf32, #tpu.memory_space<hbm>> -> memref<128x64xf32, #tpu.memory_space<hbm>>
      %dma_wait3A_147 = arith.constant 0 : i32
      %dma_wait3A_148 = arith.constant 0 : i32
      %dma_wait3A_149 = tpu.memref_slice %arg2[%dma_wait3A_147, %dma_wait3A_148] : memref<10000x64xf32, #tpu.memory_space<hbm>> -> memref<128x64xf32, #tpu.memory_space<hbm>>
      tpu.wait_dma2 semaphore(%arg19 : memref<!tpu.dma_semaphore, #tpu.memory_space<semaphore_mem>>) src(%dma_wait3A_149 : memref<128x64xf32, #tpu.memory_space<hbm>>) dst(%arg11 : memref<128x64xf32, #tpu.memory_space<vmem>>)
      %add3A_150 = arith.constant 2 : i32
      %add3A_151 = arith.addi %mul3A_115, %add3A_150 : i32
      %dma_start3A_152 = arith.constant 0 : i32
      %dma_start3A_153 = tpu.memref_slice %arg8[%add3A_151, %dma_start3A_152] : memref<80x128xi32, #tpu.memory_space<vmem>> -> memref<1x128xi32, #tpu.memory_space<vmem>>
      %dma_start3A_154 = tpu.memref_squeeze %dma_start3A_153 : memref<1x128xi32, #tpu.memory_space<vmem>> -> memref<128xi32, #tpu.memory_space<vmem>>
      %dma_start3A_155 = arith.constant 0 : i32
      %dma_start3A_156 = arith.constant 0 : i32
      %dma_start3A_157 = tpu.memref_slice %arg33[%dma_start3A_155, %dma_start3A_156] : memref<10240x64xf32, #tpu.memory_space<vmem_shared>> -> memref<10240x64xf32, #tpu.memory_space<vmem_shared>>
      tpu.enqueue_indirect_dma source(%arg11 : memref<128x64xf32, #tpu.memory_space<vmem>>) target(%dma_start3A_157 : memref<10240x64xf32, #tpu.memory_space<vmem_shared>>) offsets(%dma_start3A_154 : memref<128xi32, #tpu.memory_space<vmem>>) semaphore(%arg27 : memref<!tpu.dma_semaphore, #tpu.memory_space<semaphore_mem>>) {add = true}
      %dma_wait3A_158 = arith.constant 0 : i32
      %dma_wait3A_159 = arith.constant 0 : i32
      %dma_wait3A_160 = tpu.memref_slice %arg2[%dma_wait3A_158, %dma_wait3A_159] : memref<10000x64xf32, #tpu.memory_space<hbm>> -> memref<128x64xf32, #tpu.memory_space<hbm>>
      %dma_wait3A_161 = arith.constant 0 : i32
      %dma_wait3A_162 = arith.constant 0 : i32
      %dma_wait3A_163 = tpu.memref_slice %arg2[%dma_wait3A_161, %dma_wait3A_162] : memref<10000x64xf32, #tpu.memory_space<hbm>> -> memref<128x64xf32, #tpu.memory_space<hbm>>
      tpu.wait_dma2 semaphore(%arg20 : memref<!tpu.dma_semaphore, #tpu.memory_space<semaphore_mem>>) src(%dma_wait3A_163 : memref<128x64xf32, #tpu.memory_space<hbm>>) dst(%arg12 : memref<128x64xf32, #tpu.memory_space<vmem>>)
      %add3A_164 = arith.constant 3 : i32
      %add3A_165 = arith.addi %mul3A_115, %add3A_164 : i32
      %dma_start3A_166 = arith.constant 0 : i32
      %dma_start3A_167 = tpu.memref_slice %arg8[%add3A_165, %dma_start3A_166] : memref<80x128xi32, #tpu.memory_space<vmem>> -> memref<1x128xi32, #tpu.memory_space<vmem>>
      %dma_start3A_168 = tpu.memref_squeeze %dma_start3A_167 : memref<1x128xi32, #tpu.memory_space<vmem>> -> memref<128xi32, #tpu.memory_space<vmem>>
      %dma_start3A_169 = arith.constant 0 : i32
      %dma_start3A_170 = arith.constant 0 : i32
      %dma_start3A_171 = tpu.memref_slice %arg33[%dma_start3A_169, %dma_start3A_170] : memref<10240x64xf32, #tpu.memory_space<vmem_shared>> -> memref<10240x64xf32, #tpu.memory_space<vmem_shared>>
      tpu.enqueue_indirect_dma source(%arg12 : memref<128x64xf32, #tpu.memory_space<vmem>>) target(%dma_start3A_171 : memref<10240x64xf32, #tpu.memory_space<vmem_shared>>) offsets(%dma_start3A_168 : memref<128xi32, #tpu.memory_space<vmem>>) semaphore(%arg28 : memref<!tpu.dma_semaphore, #tpu.memory_space<semaphore_mem>>) {add = true}
      %dma_wait3A_172 = arith.constant 0 : i32
      %dma_wait3A_173 = arith.constant 0 : i32
      %dma_wait3A_174 = tpu.memref_slice %arg2[%dma_wait3A_172, %dma_wait3A_173] : memref<10000x64xf32, #tpu.memory_space<hbm>> -> memref<128x64xf32, #tpu.memory_space<hbm>>
      %dma_wait3A_175 = arith.constant 0 : i32
      %dma_wait3A_176 = arith.constant 0 : i32
      %dma_wait3A_177 = tpu.memref_slice %arg2[%dma_wait3A_175, %dma_wait3A_176] : memref<10000x64xf32, #tpu.memory_space<hbm>> -> memref<128x64xf32, #tpu.memory_space<hbm>>
      tpu.wait_dma2 semaphore(%arg21 : memref<!tpu.dma_semaphore, #tpu.memory_space<semaphore_mem>>) src(%dma_wait3A_177 : memref<128x64xf32, #tpu.memory_space<hbm>>) dst(%arg13 : memref<128x64xf32, #tpu.memory_space<vmem>>)
      %add3A_178 = arith.constant 4 : i32
      %add3A_179 = arith.addi %mul3A_115, %add3A_178 : i32
      %dma_start3A_180 = arith.constant 0 : i32
      %dma_start3A_181 = tpu.memref_slice %arg8[%add3A_179, %dma_start3A_180] : memref<80x128xi32, #tpu.memory_space<vmem>> -> memref<1x128xi32, #tpu.memory_space<vmem>>
      %dma_start3A_182 = tpu.memref_squeeze %dma_start3A_181 : memref<1x128xi32, #tpu.memory_space<vmem>> -> memref<128xi32, #tpu.memory_space<vmem>>
      %dma_start3A_183 = arith.constant 0 : i32
      %dma_start3A_184 = arith.constant 0 : i32
      %dma_start3A_185 = tpu.memref_slice %arg33[%dma_start3A_183, %dma_start3A_184] : memref<10240x64xf32, #tpu.memory_space<vmem_shared>> -> memref<10240x64xf32, #tpu.memory_space<vmem_shared>>
      tpu.enqueue_indirect_dma source(%arg13 : memref<128x64xf32, #tpu.memory_space<vmem>>) target(%dma_start3A_185 : memref<10240x64xf32, #tpu.memory_space<vmem_shared>>) offsets(%dma_start3A_182 : memref<128xi32, #tpu.memory_space<vmem>>) semaphore(%arg29 : memref<!tpu.dma_semaphore, #tpu.memory_space<semaphore_mem>>) {add = true}
      %dma_wait3A_186 = arith.constant 0 : i32
      %dma_wait3A_187 = arith.constant 0 : i32
      %dma_wait3A_188 = tpu.memref_slice %arg2[%dma_wait3A_186, %dma_wait3A_187] : memref<10000x64xf32, #tpu.memory_space<hbm>> -> memref<128x64xf32, #tpu.memory_space<hbm>>
      %dma_wait3A_189 = arith.constant 0 : i32
      %dma_wait3A_190 = arith.constant 0 : i32
      %dma_wait3A_191 = tpu.memref_slice %arg2[%dma_wait3A_189, %dma_wait3A_190] : memref<10000x64xf32, #tpu.memory_space<hbm>> -> memref<128x64xf32, #tpu.memory_space<hbm>>
      tpu.wait_dma2 semaphore(%arg22 : memref<!tpu.dma_semaphore, #tpu.memory_space<semaphore_mem>>) src(%dma_wait3A_191 : memref<128x64xf32, #tpu.memory_space<hbm>>) dst(%arg14 : memref<128x64xf32, #tpu.memory_space<vmem>>)
      %add3A_192 = arith.constant 5 : i32
      %add3A_193 = arith.addi %mul3A_115, %add3A_192 : i32
      %dma_start3A_194 = arith.constant 0 : i32
      %dma_start3A_195 = tpu.memref_slice %arg8[%add3A_193, %dma_start3A_194] : memref<80x128xi32, #tpu.memory_space<vmem>> -> memref<1x128xi32, #tpu.memory_space<vmem>>
      %dma_start3A_196 = tpu.memref_squeeze %dma_start3A_195 : memref<1x128xi32, #tpu.memory_space<vmem>> -> memref<128xi32, #tpu.memory_space<vmem>>
      %dma_start3A_197 = arith.constant 0 : i32
      %dma_start3A_198 = arith.constant 0 : i32
      %dma_start3A_199 = tpu.memref_slice %arg33[%dma_start3A_197, %dma_start3A_198] : memref<10240x64xf32, #tpu.memory_space<vmem_shared>> -> memref<10240x64xf32, #tpu.memory_space<vmem_shared>>
      tpu.enqueue_indirect_dma source(%arg14 : memref<128x64xf32, #tpu.memory_space<vmem>>) target(%dma_start3A_199 : memref<10240x64xf32, #tpu.memory_space<vmem_shared>>) offsets(%dma_start3A_196 : memref<128xi32, #tpu.memory_space<vmem>>) semaphore(%arg30 : memref<!tpu.dma_semaphore, #tpu.memory_space<semaphore_mem>>) {add = true}
      %dma_wait3A_200 = arith.constant 0 : i32
      %dma_wait3A_201 = arith.constant 0 : i32
      %dma_wait3A_202 = tpu.memref_slice %arg2[%dma_wait3A_200, %dma_wait3A_201] : memref<10000x64xf32, #tpu.memory_space<hbm>> -> memref<128x64xf32, #tpu.memory_space<hbm>>
      %dma_wait3A_203 = arith.constant 0 : i32
      %dma_wait3A_204 = arith.constant 0 : i32
      %dma_wait3A_205 = tpu.memref_slice %arg2[%dma_wait3A_203, %dma_wait3A_204] : memref<10000x64xf32, #tpu.memory_space<hbm>> -> memref<128x64xf32, #tpu.memory_space<hbm>>
      tpu.wait_dma2 semaphore(%arg23 : memref<!tpu.dma_semaphore, #tpu.memory_space<semaphore_mem>>) src(%dma_wait3A_205 : memref<128x64xf32, #tpu.memory_space<hbm>>) dst(%arg15 : memref<128x64xf32, #tpu.memory_space<vmem>>)
      %add3A_206 = arith.constant 6 : i32
      %add3A_207 = arith.addi %mul3A_115, %add3A_206 : i32
      %dma_start3A_208 = arith.constant 0 : i32
      %dma_start3A_209 = tpu.memref_slice %arg8[%add3A_207, %dma_start3A_208] : memref<80x128xi32, #tpu.memory_space<vmem>> -> memref<1x128xi32, #tpu.memory_space<vmem>>
      %dma_start3A_210 = tpu.memref_squeeze %dma_start3A_209 : memref<1x128xi32, #tpu.memory_space<vmem>> -> memref<128xi32, #tpu.memory_space<vmem>>
      %dma_start3A_211 = arith.constant 0 : i32
      %dma_start3A_212 = arith.constant 0 : i32
      %dma_start3A_213 = tpu.memref_slice %arg33[%dma_start3A_211, %dma_start3A_212] : memref<10240x64xf32, #tpu.memory_space<vmem_shared>> -> memref<10240x64xf32, #tpu.memory_space<vmem_shared>>
      tpu.enqueue_indirect_dma source(%arg15 : memref<128x64xf32, #tpu.memory_space<vmem>>) target(%dma_start3A_213 : memref<10240x64xf32, #tpu.memory_space<vmem_shared>>) offsets(%dma_start3A_210 : memref<128xi32, #tpu.memory_space<vmem>>) semaphore(%arg31 : memref<!tpu.dma_semaphore, #tpu.memory_space<semaphore_mem>>) {add = true}
      %dma_wait3A_214 = arith.constant 0 : i32
      %dma_wait3A_215 = arith.constant 0 : i32
      %dma_wait3A_216 = tpu.memref_slice %arg2[%dma_wait3A_214, %dma_wait3A_215] : memref<10000x64xf32, #tpu.memory_space<hbm>> -> memref<128x64xf32, #tpu.memory_space<hbm>>
      %dma_wait3A_217 = arith.constant 0 : i32
      %dma_wait3A_218 = arith.constant 0 : i32
      %dma_wait3A_219 = tpu.memref_slice %arg2[%dma_wait3A_217, %dma_wait3A_218] : memref<10000x64xf32, #tpu.memory_space<hbm>> -> memref<128x64xf32, #tpu.memory_space<hbm>>
      tpu.wait_dma2 semaphore(%arg24 : memref<!tpu.dma_semaphore, #tpu.memory_space<semaphore_mem>>) src(%dma_wait3A_219 : memref<128x64xf32, #tpu.memory_space<hbm>>) dst(%arg16 : memref<128x64xf32, #tpu.memory_space<vmem>>)
      %add3A_220 = arith.constant 7 : i32
      %add3A_221 = arith.addi %mul3A_115, %add3A_220 : i32
      %dma_start3A_222 = arith.constant 0 : i32
      %dma_start3A_223 = tpu.memref_slice %arg8[%add3A_221, %dma_start3A_222] : memref<80x128xi32, #tpu.memory_space<vmem>> -> memref<1x128xi32, #tpu.memory_space<vmem>>
      %dma_start3A_224 = tpu.memref_squeeze %dma_start3A_223 : memref<1x128xi32, #tpu.memory_space<vmem>> -> memref<128xi32, #tpu.memory_space<vmem>>
      %dma_start3A_225 = arith.constant 0 : i32
      %dma_start3A_226 = arith.constant 0 : i32
      %dma_start3A_227 = tpu.memref_slice %arg33[%dma_start3A_225, %dma_start3A_226] : memref<10240x64xf32, #tpu.memory_space<vmem_shared>> -> memref<10240x64xf32, #tpu.memory_space<vmem_shared>>
      tpu.enqueue_indirect_dma source(%arg16 : memref<128x64xf32, #tpu.memory_space<vmem>>) target(%dma_start3A_227 : memref<10240x64xf32, #tpu.memory_space<vmem_shared>>) offsets(%dma_start3A_224 : memref<128xi32, #tpu.memory_space<vmem>>) semaphore(%arg32 : memref<!tpu.dma_semaphore, #tpu.memory_space<semaphore_mem>>) {add = true}
      %add3A_228 = arith.constant 8 : i32
      %add3A_229 = arith.addi %mul3A_115, %add3A_228 : i32
      %add3A_230 = arith.constant 0 : i32
      %add3A_231 = arith.addi %add3A_229, %add3A_230 : i32
      %lt3A = arith.constant 80 : i32
      %lt3A_232 = arith.cmpi slt, %add3A_231, %lt3A : i32
      %convert_element_type3A = arith.extui %lt3A_232 : i1 to i32
      %cond3A = arith.constant 0 : i32
      %cond3A_233 = arith.cmpi ne, %convert_element_type3A, %cond3A : i32
      scf.if %cond3A_233 {
        %dma_wait3A_297 = arith.constant 0 : i32
        %dma_wait3A_298 = arith.constant 0 : i32
        %dma_wait3A_299 = tpu.memref_slice %arg33[%dma_wait3A_297, %dma_wait3A_298] : memref<10240x64xf32, #tpu.memory_space<vmem_shared>> -> memref<128x64xf32, #tpu.memory_space<vmem_shared>>
        %dma_wait3A_300 = arith.constant 0 : i32
        %dma_wait3A_301 = arith.constant 0 : i32
        %dma_wait3A_302 = tpu.memref_slice %arg33[%dma_wait3A_300, %dma_wait3A_301] : memref<10240x64xf32, #tpu.memory_space<vmem_shared>> -> memref<128x64xf32, #tpu.memory_space<vmem_shared>>
        tpu.wait_dma2 semaphore(%arg25 : memref<!tpu.dma_semaphore, #tpu.memory_space<semaphore_mem>>) src(%arg9 : memref<128x64xf32, #tpu.memory_space<vmem>>) dst(%dma_wait3A_302 : memref<128x64xf32, #tpu.memory_space<vmem_shared>>)
        %dma_start3A_303 = arith.constant 0 : i32
        %dma_start3A_304 = tpu.memref_slice %arg7[%add3A_231, %dma_start3A_303] : memref<80x128xi32, #tpu.memory_space<vmem>> -> memref<1x128xi32, #tpu.memory_space<vmem>>
        %dma_start3A_305 = tpu.memref_squeeze %dma_start3A_304 : memref<1x128xi32, #tpu.memory_space<vmem>> -> memref<128xi32, #tpu.memory_space<vmem>>
        %dma_start3A_306 = arith.constant 0 : i32
        %dma_start3A_307 = arith.constant 0 : i32
        %dma_start3A_308 = tpu.memref_slice %arg2[%dma_start3A_306, %dma_start3A_307] : memref<10000x64xf32, #tpu.memory_space<hbm>> -> memref<10000x64xf32, #tpu.memory_space<hbm>>
        tpu.enqueue_indirect_dma source(%dma_start3A_308 : memref<10000x64xf32, #tpu.memory_space<hbm>>) target(%arg9 : memref<128x64xf32, #tpu.memory_space<vmem>>) offsets(%dma_start3A_305 : memref<128xi32, #tpu.memory_space<vmem>>) semaphore(%arg17 : memref<!tpu.dma_semaphore, #tpu.memory_space<semaphore_mem>>)
      } else {
      }
      %add3A_234 = arith.constant 8 : i32
      %add3A_235 = arith.addi %mul3A_115, %add3A_234 : i32
      %add3A_236 = arith.constant 1 : i32
      %add3A_237 = arith.addi %add3A_235, %add3A_236 : i32
      %lt3A_238 = arith.constant 80 : i32
      %lt3A_239 = arith.cmpi slt, %add3A_237, %lt3A_238 : i32
      %convert_element_type3A_240 = arith.extui %lt3A_239 : i1 to i32
      %cond3A_241 = arith.constant 0 : i32
      %cond3A_242 = arith.cmpi ne, %convert_element_type3A_240, %cond3A_241 : i32
      scf.if %cond3A_242 {
        %dma_wait3A_297 = arith.constant 0 : i32
        %dma_wait3A_298 = arith.constant 0 : i32
        %dma_wait3A_299 = tpu.memref_slice %arg33[%dma_wait3A_297, %dma_wait3A_298] : memref<10240x64xf32, #tpu.memory_space<vmem_shared>> -> memref<128x64xf32, #tpu.memory_space<vmem_shared>>
        %dma_wait3A_300 = arith.constant 0 : i32
        %dma_wait3A_301 = arith.constant 0 : i32
        %dma_wait3A_302 = tpu.memref_slice %arg33[%dma_wait3A_300, %dma_wait3A_301] : memref<10240x64xf32, #tpu.memory_space<vmem_shared>> -> memref<128x64xf32, #tpu.memory_space<vmem_shared>>
        tpu.wait_dma2 semaphore(%arg26 : memref<!tpu.dma_semaphore, #tpu.memory_space<semaphore_mem>>) src(%arg10 : memref<128x64xf32, #tpu.memory_space<vmem>>) dst(%dma_wait3A_302 : memref<128x64xf32, #tpu.memory_space<vmem_shared>>)
        %dma_start3A_303 = arith.constant 0 : i32
        %dma_start3A_304 = tpu.memref_slice %arg7[%add3A_237, %dma_start3A_303] : memref<80x128xi32, #tpu.memory_space<vmem>> -> memref<1x128xi32, #tpu.memory_space<vmem>>
        %dma_start3A_305 = tpu.memref_squeeze %dma_start3A_304 : memref<1x128xi32, #tpu.memory_space<vmem>> -> memref<128xi32, #tpu.memory_space<vmem>>
        %dma_start3A_306 = arith.constant 0 : i32
        %dma_start3A_307 = arith.constant 0 : i32
        %dma_start3A_308 = tpu.memref_slice %arg2[%dma_start3A_306, %dma_start3A_307] : memref<10000x64xf32, #tpu.memory_space<hbm>> -> memref<10000x64xf32, #tpu.memory_space<hbm>>
        tpu.enqueue_indirect_dma source(%dma_start3A_308 : memref<10000x64xf32, #tpu.memory_space<hbm>>) target(%arg10 : memref<128x64xf32, #tpu.memory_space<vmem>>) offsets(%dma_start3A_305 : memref<128xi32, #tpu.memory_space<vmem>>) semaphore(%arg18 : memref<!tpu.dma_semaphore, #tpu.memory_space<semaphore_mem>>)
      } else {
      }
      %add3A_243 = arith.constant 8 : i32
      %add3A_244 = arith.addi %mul3A_115, %add3A_243 : i32
      %add3A_245 = arith.constant 2 : i32
      %add3A_246 = arith.addi %add3A_244, %add3A_245 : i32
      %lt3A_247 = arith.constant 80 : i32
      %lt3A_248 = arith.cmpi slt, %add3A_246, %lt3A_247 : i32
      %convert_element_type3A_249 = arith.extui %lt3A_248 : i1 to i32
      %cond3A_250 = arith.constant 0 : i32
      %cond3A_251 = arith.cmpi ne, %convert_element_type3A_249, %cond3A_250 : i32
      scf.if %cond3A_251 {
        %dma_wait3A_297 = arith.constant 0 : i32
        %dma_wait3A_298 = arith.constant 0 : i32
        %dma_wait3A_299 = tpu.memref_slice %arg33[%dma_wait3A_297, %dma_wait3A_298] : memref<10240x64xf32, #tpu.memory_space<vmem_shared>> -> memref<128x64xf32, #tpu.memory_space<vmem_shared>>
        %dma_wait3A_300 = arith.constant 0 : i32
        %dma_wait3A_301 = arith.constant 0 : i32
        %dma_wait3A_302 = tpu.memref_slice %arg33[%dma_wait3A_300, %dma_wait3A_301] : memref<10240x64xf32, #tpu.memory_space<vmem_shared>> -> memref<128x64xf32, #tpu.memory_space<vmem_shared>>
        tpu.wait_dma2 semaphore(%arg27 : memref<!tpu.dma_semaphore, #tpu.memory_space<semaphore_mem>>) src(%arg11 : memref<128x64xf32, #tpu.memory_space<vmem>>) dst(%dma_wait3A_302 : memref<128x64xf32, #tpu.memory_space<vmem_shared>>)
        %dma_start3A_303 = arith.constant 0 : i32
        %dma_start3A_304 = tpu.memref_slice %arg7[%add3A_246, %dma_start3A_303] : memref<80x128xi32, #tpu.memory_space<vmem>> -> memref<1x128xi32, #tpu.memory_space<vmem>>
        %dma_start3A_305 = tpu.memref_squeeze %dma_start3A_304 : memref<1x128xi32, #tpu.memory_space<vmem>> -> memref<128xi32, #tpu.memory_space<vmem>>
        %dma_start3A_306 = arith.constant 0 : i32
        %dma_start3A_307 = arith.constant 0 : i32
        %dma_start3A_308 = tpu.memref_slice %arg2[%dma_start3A_306, %dma_start3A_307] : memref<10000x64xf32, #tpu.memory_space<hbm>> -> memref<10000x64xf32, #tpu.memory_space<hbm>>
        tpu.enqueue_indirect_dma source(%dma_start3A_308 : memref<10000x64xf32, #tpu.memory_space<hbm>>) target(%arg11 : memref<128x64xf32, #tpu.memory_space<vmem>>) offsets(%dma_start3A_305 : memref<128xi32, #tpu.memory_space<vmem>>) semaphore(%arg19 : memref<!tpu.dma_semaphore, #tpu.memory_space<semaphore_mem>>)
      } else {
      }
      %add3A_252 = arith.constant 8 : i32
      %add3A_253 = arith.addi %mul3A_115, %add3A_252 : i32
      %add3A_254 = arith.constant 3 : i32
      %add3A_255 = arith.addi %add3A_253, %add3A_254 : i32
      %lt3A_256 = arith.constant 80 : i32
      %lt3A_257 = arith.cmpi slt, %add3A_255, %lt3A_256 : i32
      %convert_element_type3A_258 = arith.extui %lt3A_257 : i1 to i32
      %cond3A_259 = arith.constant 0 : i32
      %cond3A_260 = arith.cmpi ne, %convert_element_type3A_258, %cond3A_259 : i32
      scf.if %cond3A_260 {
        %dma_wait3A_297 = arith.constant 0 : i32
        %dma_wait3A_298 = arith.constant 0 : i32
        %dma_wait3A_299 = tpu.memref_slice %arg33[%dma_wait3A_297, %dma_wait3A_298] : memref<10240x64xf32, #tpu.memory_space<vmem_shared>> -> memref<128x64xf32, #tpu.memory_space<vmem_shared>>
        %dma_wait3A_300 = arith.constant 0 : i32
        %dma_wait3A_301 = arith.constant 0 : i32
        %dma_wait3A_302 = tpu.memref_slice %arg33[%dma_wait3A_300, %dma_wait3A_301] : memref<10240x64xf32, #tpu.memory_space<vmem_shared>> -> memref<128x64xf32, #tpu.memory_space<vmem_shared>>
        tpu.wait_dma2 semaphore(%arg28 : memref<!tpu.dma_semaphore, #tpu.memory_space<semaphore_mem>>) src(%arg12 : memref<128x64xf32, #tpu.memory_space<vmem>>) dst(%dma_wait3A_302 : memref<128x64xf32, #tpu.memory_space<vmem_shared>>)
        %dma_start3A_303 = arith.constant 0 : i32
        %dma_start3A_304 = tpu.memref_slice %arg7[%add3A_255, %dma_start3A_303] : memref<80x128xi32, #tpu.memory_space<vmem>> -> memref<1x128xi32, #tpu.memory_space<vmem>>
        %dma_start3A_305 = tpu.memref_squeeze %dma_start3A_304 : memref<1x128xi32, #tpu.memory_space<vmem>> -> memref<128xi32, #tpu.memory_space<vmem>>
        %dma_start3A_306 = arith.constant 0 : i32
        %dma_start3A_307 = arith.constant 0 : i32
        %dma_start3A_308 = tpu.memref_slice %arg2[%dma_start3A_306, %dma_start3A_307] : memref<10000x64xf32, #tpu.memory_space<hbm>> -> memref<10000x64xf32, #tpu.memory_space<hbm>>
        tpu.enqueue_indirect_dma source(%dma_start3A_308 : memref<10000x64xf32, #tpu.memory_space<hbm>>) target(%arg12 : memref<128x64xf32, #tpu.memory_space<vmem>>) offsets(%dma_start3A_305 : memref<128xi32, #tpu.memory_space<vmem>>) semaphore(%arg20 : memref<!tpu.dma_semaphore, #tpu.memory_space<semaphore_mem>>)
      } else {
      }
      %add3A_261 = arith.constant 8 : i32
      %add3A_262 = arith.addi %mul3A_115, %add3A_261 : i32
      %add3A_263 = arith.constant 4 : i32
      %add3A_264 = arith.addi %add3A_262, %add3A_263 : i32
      %lt3A_265 = arith.constant 80 : i32
      %lt3A_266 = arith.cmpi slt, %add3A_264, %lt3A_265 : i32
      %convert_element_type3A_267 = arith.extui %lt3A_266 : i1 to i32
      %cond3A_268 = arith.constant 0 : i32
      %cond3A_269 = arith.cmpi ne, %convert_element_type3A_267, %cond3A_268 : i32
      scf.if %cond3A_269 {
        %dma_wait3A_297 = arith.constant 0 : i32
        %dma_wait3A_298 = arith.constant 0 : i32
        %dma_wait3A_299 = tpu.memref_slice %arg33[%dma_wait3A_297, %dma_wait3A_298] : memref<10240x64xf32, #tpu.memory_space<vmem_shared>> -> memref<128x64xf32, #tpu.memory_space<vmem_shared>>
        %dma_wait3A_300 = arith.constant 0 : i32
        %dma_wait3A_301 = arith.constant 0 : i32
        %dma_wait3A_302 = tpu.memref_slice %arg33[%dma_wait3A_300, %dma_wait3A_301] : memref<10240x64xf32, #tpu.memory_space<vmem_shared>> -> memref<128x64xf32, #tpu.memory_space<vmem_shared>>
        tpu.wait_dma2 semaphore(%arg29 : memref<!tpu.dma_semaphore, #tpu.memory_space<semaphore_mem>>) src(%arg13 : memref<128x64xf32, #tpu.memory_space<vmem>>) dst(%dma_wait3A_302 : memref<128x64xf32, #tpu.memory_space<vmem_shared>>)
        %dma_start3A_303 = arith.constant 0 : i32
        %dma_start3A_304 = tpu.memref_slice %arg7[%add3A_264, %dma_start3A_303] : memref<80x128xi32, #tpu.memory_space<vmem>> -> memref<1x128xi32, #tpu.memory_space<vmem>>
        %dma_start3A_305 = tpu.memref_squeeze %dma_start3A_304 : memref<1x128xi32, #tpu.memory_space<vmem>> -> memref<128xi32, #tpu.memory_space<vmem>>
        %dma_start3A_306 = arith.constant 0 : i32
        %dma_start3A_307 = arith.constant 0 : i32
        %dma_start3A_308 = tpu.memref_slice %arg2[%dma_start3A_306, %dma_start3A_307] : memref<10000x64xf32, #tpu.memory_space<hbm>> -> memref<10000x64xf32, #tpu.memory_space<hbm>>
        tpu.enqueue_indirect_dma source(%dma_start3A_308 : memref<10000x64xf32, #tpu.memory_space<hbm>>) target(%arg13 : memref<128x64xf32, #tpu.memory_space<vmem>>) offsets(%dma_start3A_305 : memref<128xi32, #tpu.memory_space<vmem>>) semaphore(%arg21 : memref<!tpu.dma_semaphore, #tpu.memory_space<semaphore_mem>>)
      } else {
      }
      %add3A_270 = arith.constant 8 : i32
      %add3A_271 = arith.addi %mul3A_115, %add3A_270 : i32
      %add3A_272 = arith.constant 5 : i32
      %add3A_273 = arith.addi %add3A_271, %add3A_272 : i32
      %lt3A_274 = arith.constant 80 : i32
      %lt3A_275 = arith.cmpi slt, %add3A_273, %lt3A_274 : i32
      %convert_element_type3A_276 = arith.extui %lt3A_275 : i1 to i32
      %cond3A_277 = arith.constant 0 : i32
      %cond3A_278 = arith.cmpi ne, %convert_element_type3A_276, %cond3A_277 : i32
      scf.if %cond3A_278 {
        %dma_wait3A_297 = arith.constant 0 : i32
        %dma_wait3A_298 = arith.constant 0 : i32
        %dma_wait3A_299 = tpu.memref_slice %arg33[%dma_wait3A_297, %dma_wait3A_298] : memref<10240x64xf32, #tpu.memory_space<vmem_shared>> -> memref<128x64xf32, #tpu.memory_space<vmem_shared>>
        %dma_wait3A_300 = arith.constant 0 : i32
        %dma_wait3A_301 = arith.constant 0 : i32
        %dma_wait3A_302 = tpu.memref_slice %arg33[%dma_wait3A_300, %dma_wait3A_301] : memref<10240x64xf32, #tpu.memory_space<vmem_shared>> -> memref<128x64xf32, #tpu.memory_space<vmem_shared>>
        tpu.wait_dma2 semaphore(%arg30 : memref<!tpu.dma_semaphore, #tpu.memory_space<semaphore_mem>>) src(%arg14 : memref<128x64xf32, #tpu.memory_space<vmem>>) dst(%dma_wait3A_302 : memref<128x64xf32, #tpu.memory_space<vmem_shared>>)
        %dma_start3A_303 = arith.constant 0 : i32
        %dma_start3A_304 = tpu.memref_slice %arg7[%add3A_273, %dma_start3A_303] : memref<80x128xi32, #tpu.memory_space<vmem>> -> memref<1x128xi32, #tpu.memory_space<vmem>>
        %dma_start3A_305 = tpu.memref_squeeze %dma_start3A_304 : memref<1x128xi32, #tpu.memory_space<vmem>> -> memref<128xi32, #tpu.memory_space<vmem>>
        %dma_start3A_306 = arith.constant 0 : i32
        %dma_start3A_307 = arith.constant 0 : i32
        %dma_start3A_308 = tpu.memref_slice %arg2[%dma_start3A_306, %dma_start3A_307] : memref<10000x64xf32, #tpu.memory_space<hbm>> -> memref<10000x64xf32, #tpu.memory_space<hbm>>
        tpu.enqueue_indirect_dma source(%dma_start3A_308 : memref<10000x64xf32, #tpu.memory_space<hbm>>) target(%arg14 : memref<128x64xf32, #tpu.memory_space<vmem>>) offsets(%dma_start3A_305 : memref<128xi32, #tpu.memory_space<vmem>>) semaphore(%arg22 : memref<!tpu.dma_semaphore, #tpu.memory_space<semaphore_mem>>)
      } else {
      }
      %add3A_279 = arith.constant 8 : i32
      %add3A_280 = arith.addi %mul3A_115, %add3A_279 : i32
      %add3A_281 = arith.constant 6 : i32
      %add3A_282 = arith.addi %add3A_280, %add3A_281 : i32
      %lt3A_283 = arith.constant 80 : i32
      %lt3A_284 = arith.cmpi slt, %add3A_282, %lt3A_283 : i32
      %convert_element_type3A_285 = arith.extui %lt3A_284 : i1 to i32
      %cond3A_286 = arith.constant 0 : i32
      %cond3A_287 = arith.cmpi ne, %convert_element_type3A_285, %cond3A_286 : i32
      scf.if %cond3A_287 {
        %dma_wait3A_297 = arith.constant 0 : i32
        %dma_wait3A_298 = arith.constant 0 : i32
        %dma_wait3A_299 = tpu.memref_slice %arg33[%dma_wait3A_297, %dma_wait3A_298] : memref<10240x64xf32, #tpu.memory_space<vmem_shared>> -> memref<128x64xf32, #tpu.memory_space<vmem_shared>>
        %dma_wait3A_300 = arith.constant 0 : i32
        %dma_wait3A_301 = arith.constant 0 : i32
        %dma_wait3A_302 = tpu.memref_slice %arg33[%dma_wait3A_300, %dma_wait3A_301] : memref<10240x64xf32, #tpu.memory_space<vmem_shared>> -> memref<128x64xf32, #tpu.memory_space<vmem_shared>>
        tpu.wait_dma2 semaphore(%arg31 : memref<!tpu.dma_semaphore, #tpu.memory_space<semaphore_mem>>) src(%arg15 : memref<128x64xf32, #tpu.memory_space<vmem>>) dst(%dma_wait3A_302 : memref<128x64xf32, #tpu.memory_space<vmem_shared>>)
        %dma_start3A_303 = arith.constant 0 : i32
        %dma_start3A_304 = tpu.memref_slice %arg7[%add3A_282, %dma_start3A_303] : memref<80x128xi32, #tpu.memory_space<vmem>> -> memref<1x128xi32, #tpu.memory_space<vmem>>
        %dma_start3A_305 = tpu.memref_squeeze %dma_start3A_304 : memref<1x128xi32, #tpu.memory_space<vmem>> -> memref<128xi32, #tpu.memory_space<vmem>>
        %dma_start3A_306 = arith.constant 0 : i32
        %dma_start3A_307 = arith.constant 0 : i32
        %dma_start3A_308 = tpu.memref_slice %arg2[%dma_start3A_306, %dma_start3A_307] : memref<10000x64xf32, #tpu.memory_space<hbm>> -> memref<10000x64xf32, #tpu.memory_space<hbm>>
        tpu.enqueue_indirect_dma source(%dma_start3A_308 : memref<10000x64xf32, #tpu.memory_space<hbm>>) target(%arg15 : memref<128x64xf32, #tpu.memory_space<vmem>>) offsets(%dma_start3A_305 : memref<128xi32, #tpu.memory_space<vmem>>) semaphore(%arg23 : memref<!tpu.dma_semaphore, #tpu.memory_space<semaphore_mem>>)
      } else {
      }
      %add3A_288 = arith.constant 8 : i32
      %add3A_289 = arith.addi %mul3A_115, %add3A_288 : i32
      %add3A_290 = arith.constant 7 : i32
      %add3A_291 = arith.addi %add3A_289, %add3A_290 : i32
      %lt3A_292 = arith.constant 80 : i32
      %lt3A_293 = arith.cmpi slt, %add3A_291, %lt3A_292 : i32
      %convert_element_type3A_294 = arith.extui %lt3A_293 : i1 to i32
      %cond3A_295 = arith.constant 0 : i32
      %cond3A_296 = arith.cmpi ne, %convert_element_type3A_294, %cond3A_295 : i32
      scf.if %cond3A_296 {
        %dma_wait3A_297 = arith.constant 0 : i32
        %dma_wait3A_298 = arith.constant 0 : i32
        %dma_wait3A_299 = tpu.memref_slice %arg33[%dma_wait3A_297, %dma_wait3A_298] : memref<10240x64xf32, #tpu.memory_space<vmem_shared>> -> memref<128x64xf32, #tpu.memory_space<vmem_shared>>
        %dma_wait3A_300 = arith.constant 0 : i32
        %dma_wait3A_301 = arith.constant 0 : i32
        %dma_wait3A_302 = tpu.memref_slice %arg33[%dma_wait3A_300, %dma_wait3A_301] : memref<10240x64xf32, #tpu.memory_space<vmem_shared>> -> memref<128x64xf32, #tpu.memory_space<vmem_shared>>
        tpu.wait_dma2 semaphore(%arg32 : memref<!tpu.dma_semaphore, #tpu.memory_space<semaphore_mem>>) src(%arg16 : memref<128x64xf32, #tpu.memory_space<vmem>>) dst(%dma_wait3A_302 : memref<128x64xf32, #tpu.memory_space<vmem_shared>>)
        %dma_start3A_303 = arith.constant 0 : i32
        %dma_start3A_304 = tpu.memref_slice %arg7[%add3A_291, %dma_start3A_303] : memref<80x128xi32, #tpu.memory_space<vmem>> -> memref<1x128xi32, #tpu.memory_space<vmem>>
        %dma_start3A_305 = tpu.memref_squeeze %dma_start3A_304 : memref<1x128xi32, #tpu.memory_space<vmem>> -> memref<128xi32, #tpu.memory_space<vmem>>
        %dma_start3A_306 = arith.constant 0 : i32
        %dma_start3A_307 = arith.constant 0 : i32
        %dma_start3A_308 = tpu.memref_slice %arg2[%dma_start3A_306, %dma_start3A_307] : memref<10000x64xf32, #tpu.memory_space<hbm>> -> memref<10000x64xf32, #tpu.memory_space<hbm>>
        tpu.enqueue_indirect_dma source(%dma_start3A_308 : memref<10000x64xf32, #tpu.memory_space<hbm>>) target(%arg16 : memref<128x64xf32, #tpu.memory_space<vmem>>) offsets(%dma_start3A_305 : memref<128xi32, #tpu.memory_space<vmem>>) semaphore(%arg24 : memref<!tpu.dma_semaphore, #tpu.memory_space<semaphore_mem>>)
      } else {
      }
    }
    %scan3A_64 = arith.constant 10 : i32
    %dma_wait3A = arith.constant 0 : i32
    %dma_wait3A_65 = arith.constant 0 : i32
    %dma_wait3A_66 = tpu.memref_slice %arg33[%dma_wait3A, %dma_wait3A_65] : memref<10240x64xf32, #tpu.memory_space<vmem_shared>> -> memref<128x64xf32, #tpu.memory_space<vmem_shared>>
    %dma_wait3A_67 = arith.constant 0 : i32
    %dma_wait3A_68 = arith.constant 0 : i32
    %dma_wait3A_69 = tpu.memref_slice %arg33[%dma_wait3A_67, %dma_wait3A_68] : memref<10240x64xf32, #tpu.memory_space<vmem_shared>> -> memref<128x64xf32, #tpu.memory_space<vmem_shared>>
    tpu.wait_dma2 semaphore(%arg25 : memref<!tpu.dma_semaphore, #tpu.memory_space<semaphore_mem>>) src(%arg9 : memref<128x64xf32, #tpu.memory_space<vmem>>) dst(%dma_wait3A_69 : memref<128x64xf32, #tpu.memory_space<vmem_shared>>)
    %dma_wait3A_70 = arith.constant 0 : i32
    %dma_wait3A_71 = arith.constant 0 : i32
    %dma_wait3A_72 = tpu.memref_slice %arg33[%dma_wait3A_70, %dma_wait3A_71] : memref<10240x64xf32, #tpu.memory_space<vmem_shared>> -> memref<128x64xf32, #tpu.memory_space<vmem_shared>>
    %dma_wait3A_73 = arith.constant 0 : i32
    %dma_wait3A_74 = arith.constant 0 : i32
    %dma_wait3A_75 = tpu.memref_slice %arg33[%dma_wait3A_73, %dma_wait3A_74] : memref<10240x64xf32, #tpu.memory_space<vmem_shared>> -> memref<128x64xf32, #tpu.memory_space<vmem_shared>>
    tpu.wait_dma2 semaphore(%arg26 : memref<!tpu.dma_semaphore, #tpu.memory_space<semaphore_mem>>) src(%arg10 : memref<128x64xf32, #tpu.memory_space<vmem>>) dst(%dma_wait3A_75 : memref<128x64xf32, #tpu.memory_space<vmem_shared>>)
    %dma_wait3A_76 = arith.constant 0 : i32
    %dma_wait3A_77 = arith.constant 0 : i32
    %dma_wait3A_78 = tpu.memref_slice %arg33[%dma_wait3A_76, %dma_wait3A_77] : memref<10240x64xf32, #tpu.memory_space<vmem_shared>> -> memref<128x64xf32, #tpu.memory_space<vmem_shared>>
    %dma_wait3A_79 = arith.constant 0 : i32
    %dma_wait3A_80 = arith.constant 0 : i32
    %dma_wait3A_81 = tpu.memref_slice %arg33[%dma_wait3A_79, %dma_wait3A_80] : memref<10240x64xf32, #tpu.memory_space<vmem_shared>> -> memref<128x64xf32, #tpu.memory_space<vmem_shared>>
    tpu.wait_dma2 semaphore(%arg27 : memref<!tpu.dma_semaphore, #tpu.memory_space<semaphore_mem>>) src(%arg11 : memref<128x64xf32, #tpu.memory_space<vmem>>) dst(%dma_wait3A_81 : memref<128x64xf32, #tpu.memory_space<vmem_shared>>)
    %dma_wait3A_82 = arith.constant 0 : i32
    %dma_wait3A_83 = arith.constant 0 : i32
    %dma_wait3A_84 = tpu.memref_slice %arg33[%dma_wait3A_82, %dma_wait3A_83] : memref<10240x64xf32, #tpu.memory_space<vmem_shared>> -> memref<128x64xf32, #tpu.memory_space<vmem_shared>>
    %dma_wait3A_85 = arith.constant 0 : i32
    %dma_wait3A_86 = arith.constant 0 : i32
    %dma_wait3A_87 = tpu.memref_slice %arg33[%dma_wait3A_85, %dma_wait3A_86] : memref<10240x64xf32, #tpu.memory_space<vmem_shared>> -> memref<128x64xf32, #tpu.memory_space<vmem_shared>>
    tpu.wait_dma2 semaphore(%arg28 : memref<!tpu.dma_semaphore, #tpu.memory_space<semaphore_mem>>) src(%arg12 : memref<128x64xf32, #tpu.memory_space<vmem>>) dst(%dma_wait3A_87 : memref<128x64xf32, #tpu.memory_space<vmem_shared>>)
    %dma_wait3A_88 = arith.constant 0 : i32
    %dma_wait3A_89 = arith.constant 0 : i32
    %dma_wait3A_90 = tpu.memref_slice %arg33[%dma_wait3A_88, %dma_wait3A_89] : memref<10240x64xf32, #tpu.memory_space<vmem_shared>> -> memref<128x64xf32, #tpu.memory_space<vmem_shared>>
    %dma_wait3A_91 = arith.constant 0 : i32
    %dma_wait3A_92 = arith.constant 0 : i32
    %dma_wait3A_93 = tpu.memref_slice %arg33[%dma_wait3A_91, %dma_wait3A_92] : memref<10240x64xf32, #tpu.memory_space<vmem_shared>> -> memref<128x64xf32, #tpu.memory_space<vmem_shared>>
    tpu.wait_dma2 semaphore(%arg29 : memref<!tpu.dma_semaphore, #tpu.memory_space<semaphore_mem>>) src(%arg13 : memref<128x64xf32, #tpu.memory_space<vmem>>) dst(%dma_wait3A_93 : memref<128x64xf32, #tpu.memory_space<vmem_shared>>)
    %dma_wait3A_94 = arith.constant 0 : i32
    %dma_wait3A_95 = arith.constant 0 : i32
    %dma_wait3A_96 = tpu.memref_slice %arg33[%dma_wait3A_94, %dma_wait3A_95] : memref<10240x64xf32, #tpu.memory_space<vmem_shared>> -> memref<128x64xf32, #tpu.memory_space<vmem_shared>>
    %dma_wait3A_97 = arith.constant 0 : i32
    %dma_wait3A_98 = arith.constant 0 : i32
    %dma_wait3A_99 = tpu.memref_slice %arg33[%dma_wait3A_97, %dma_wait3A_98] : memref<10240x64xf32, #tpu.memory_space<vmem_shared>> -> memref<128x64xf32, #tpu.memory_space<vmem_shared>>
    tpu.wait_dma2 semaphore(%arg30 : memref<!tpu.dma_semaphore, #tpu.memory_space<semaphore_mem>>) src(%arg14 : memref<128x64xf32, #tpu.memory_space<vmem>>) dst(%dma_wait3A_99 : memref<128x64xf32, #tpu.memory_space<vmem_shared>>)
    %dma_wait3A_100 = arith.constant 0 : i32
    %dma_wait3A_101 = arith.constant 0 : i32
    %dma_wait3A_102 = tpu.memref_slice %arg33[%dma_wait3A_100, %dma_wait3A_101] : memref<10240x64xf32, #tpu.memory_space<vmem_shared>> -> memref<128x64xf32, #tpu.memory_space<vmem_shared>>
    %dma_wait3A_103 = arith.constant 0 : i32
    %dma_wait3A_104 = arith.constant 0 : i32
    %dma_wait3A_105 = tpu.memref_slice %arg33[%dma_wait3A_103, %dma_wait3A_104] : memref<10240x64xf32, #tpu.memory_space<vmem_shared>> -> memref<128x64xf32, #tpu.memory_space<vmem_shared>>
    tpu.wait_dma2 semaphore(%arg31 : memref<!tpu.dma_semaphore, #tpu.memory_space<semaphore_mem>>) src(%arg15 : memref<128x64xf32, #tpu.memory_space<vmem>>) dst(%dma_wait3A_105 : memref<128x64xf32, #tpu.memory_space<vmem_shared>>)
    %dma_wait3A_106 = arith.constant 0 : i32
    %dma_wait3A_107 = arith.constant 0 : i32
    %dma_wait3A_108 = tpu.memref_slice %arg33[%dma_wait3A_106, %dma_wait3A_107] : memref<10240x64xf32, #tpu.memory_space<vmem_shared>> -> memref<128x64xf32, #tpu.memory_space<vmem_shared>>
    %dma_wait3A_109 = arith.constant 0 : i32
    %dma_wait3A_110 = arith.constant 0 : i32
    %dma_wait3A_111 = tpu.memref_slice %arg33[%dma_wait3A_109, %dma_wait3A_110] : memref<10240x64xf32, #tpu.memory_space<vmem_shared>> -> memref<128x64xf32, #tpu.memory_space<vmem_shared>>
    tpu.wait_dma2 semaphore(%arg32 : memref<!tpu.dma_semaphore, #tpu.memory_space<semaphore_mem>>) src(%arg16 : memref<128x64xf32, #tpu.memory_space<vmem>>) dst(%dma_wait3A_111 : memref<128x64xf32, #tpu.memory_space<vmem_shared>>)
    %barrier3A_112 = arith.constant 0 : index
    tpu.barrier barrier_id(%barrier3A_112)
    "tpu.region"() ({
      %run_scoped3A = tpu.sem_alloc : memref<!tpu.dma_semaphore, #tpu.memory_space<semaphore_mem>>
      %dma_start3A_113 = arith.constant 0 : i32
      %dma_start3A_114 = tpu.memref_slice %arg6[%arg0, %mul3A_2, %dma_start3A_113] : memref<2x10240x64xf32, #tpu.memory_space<hbm>> -> memref<1x640x64xf32, #tpu.memory_space<hbm>>
      %dma_start3A_115 = tpu.memref_squeeze %dma_start3A_114 : memref<1x640x64xf32, #tpu.memory_space<hbm>> -> memref<640x64xf32, #tpu.memory_space<hbm>>
      %dma_start3A_116 = arith.constant 0 : i32
      %dma_start3A_117 = tpu.memref_slice %arg33[%mul3A_2, %dma_start3A_116] : memref<10240x64xf32, #tpu.memory_space<vmem_shared>> -> memref<640x64xf32, #tpu.memory_space<vmem_shared>>
      tpu.enqueue_dma source(%dma_start3A_117 : memref<640x64xf32, #tpu.memory_space<vmem_shared>>) target(%dma_start3A_115 : memref<640x64xf32, #tpu.memory_space<hbm>>) target_semaphore(%run_scoped3A : memref<!tpu.dma_semaphore, #tpu.memory_space<semaphore_mem>>)
      %dma_wait3A_118 = arith.constant 0 : i32
      %dma_wait3A_119 = tpu.memref_slice %arg6[%arg0, %mul3A_2, %dma_wait3A_118] : memref<2x10240x64xf32, #tpu.memory_space<hbm>> -> memref<1x640x64xf32, #tpu.memory_space<hbm>>
      %dma_wait3A_120 = tpu.memref_squeeze %dma_wait3A_119 : memref<1x640x64xf32, #tpu.memory_space<hbm>> -> memref<640x64xf32, #tpu.memory_space<hbm>>
      %dma_wait3A_121 = arith.constant 0 : i32
      %dma_wait3A_122 = tpu.memref_slice %arg33[%mul3A_2, %dma_wait3A_121] : memref<10240x64xf32, #tpu.memory_space<vmem_shared>> -> memref<640x64xf32, #tpu.memory_space<vmem_shared>>
      tpu.wait_dma2 semaphore(%run_scoped3A : memref<!tpu.dma_semaphore, #tpu.memory_space<semaphore_mem>>) src(%dma_wait3A_122 : memref<640x64xf32, #tpu.memory_space<vmem_shared>>) dst(%dma_wait3A_120 : memref<640x64xf32, #tpu.memory_space<hbm>>)
      tpu.yield
    }) : () -> ()
    return
  }
}

module attributes {stable_mosaic.version = 14 : i64} {
  func.func @_embed_body(%arg0: memref<10000x128xf32, #tpu.memory_space<vmem>>, %arg1: memref<128x64xf32, #tpu.memory_space<vmem>>, %arg2: memref<1x64xf32, #tpu.memory_space<vmem>>, %arg3: memref<1x64xf32, #tpu.memory_space<vmem>>, %arg4: memref<1x64xf32, #tpu.memory_space<vmem>>, %arg5: memref<10000x64xf32, #tpu.memory_space<vmem>>) attributes {dimension_semantics = [], scalar_prefetch = 0 : i64, scratch_operands = 0 : i64, tpu.core_type = #tpu.core_type<tc>} {
    %get3A = arith.constant 0 : index
    %get3A_0 = arith.constant 0 : index
    %get3A_1 = vector.load %arg0[%get3A, %get3A_0] : memref<10000x128xf32, #tpu.memory_space<vmem>>, vector<10000x128xf32>
    %get3A_2 = arith.constant 0 : index
    %get3A_3 = arith.constant 0 : index
    %get3A_4 = vector.load %arg1[%get3A_2, %get3A_3] : memref<128x64xf32, #tpu.memory_space<vmem>>, vector<128x64xf32>
    %dot_general3A = arith.constant dense<0.000000e+00> : vector<10000x64xf32>
    %dot_general3A_5 = tpu.matmul %get3A_1, %get3A_4, %dot_general3A {dimension_numbers = #tpu.dot_dimension_numbers<[1], [0], [0], [1], [0, 0, 1, 1], [], []>, transpose_lhs_hint = false} : vector<10000x128xf32>, vector<128x64xf32>, vector<10000x64xf32> -> vector<10000x64xf32>
    %get3A_6 = arith.constant 0 : index
    %get3A_7 = arith.constant 0 : index
    %get3A_8 = vector.load %arg2[%get3A_6, %get3A_7] : memref<1x64xf32, #tpu.memory_space<vmem>>, vector<1x64xf32>
    %add3A = vector.broadcast %get3A_8 : vector<1x64xf32> to vector<10000x64xf32>
    %add3A_9 = arith.addf %dot_general3A_5, %add3A : vector<10000x64xf32>
    %get3A_10 = arith.constant 0 : index
    %get3A_11 = arith.constant 0 : index
    %get3A_12 = vector.load %arg3[%get3A_10, %get3A_11] : memref<1x64xf32, #tpu.memory_space<vmem>>, vector<1x64xf32>
    %get3A_13 = arith.constant 0 : index
    %get3A_14 = arith.constant 0 : index
    %get3A_15 = vector.load %arg4[%get3A_13, %get3A_14] : memref<1x64xf32, #tpu.memory_space<vmem>>, vector<1x64xf32>
    %reduce_sum3A = arith.constant dense<0.000000e+00> : vector<64xf32>
    %reduce_sum3A_16 = vector.multi_reduction <add>, %add3A_9, %reduce_sum3A [0] : vector<10000x64xf32> to vector<64xf32>
    %broadcast_in_dim3A = vector.shape_cast %reduce_sum3A_16 : vector<64xf32> to vector<1x64xf32>
    %div3A = arith.constant 1.000000e+04 : f32
    %div3A_17 = vector.broadcast %div3A : f32 to vector<1x64xf32>
    %div3A_18 = arith.divf %broadcast_in_dim3A, %div3A_17 : vector<1x64xf32>
    %sub3A = vector.broadcast %div3A_18 : vector<1x64xf32> to vector<10000x64xf32>
    %sub3A_19 = arith.subf %add3A_9, %sub3A : vector<10000x64xf32>
    %sub3A_20 = vector.broadcast %div3A_18 : vector<1x64xf32> to vector<10000x64xf32>
    %sub3A_21 = arith.subf %add3A_9, %sub3A_20 : vector<10000x64xf32>
    %mul3A = arith.mulf %sub3A_19, %sub3A_21 : vector<10000x64xf32>
    %reduce_sum3A_22 = arith.constant dense<0.000000e+00> : vector<64xf32>
    %reduce_sum3A_23 = vector.multi_reduction <add>, %mul3A, %reduce_sum3A_22 [0] : vector<10000x64xf32> to vector<64xf32>
    %broadcast_in_dim3A_24 = vector.shape_cast %reduce_sum3A_23 : vector<64xf32> to vector<1x64xf32>
    %div3A_25 = arith.constant 1.000000e+04 : f32
    %div3A_26 = vector.broadcast %div3A_25 : f32 to vector<1x64xf32>
    %div3A_27 = arith.divf %broadcast_in_dim3A_24, %div3A_26 : vector<1x64xf32>
    %sub3A_28 = vector.broadcast %div3A_18 : vector<1x64xf32> to vector<10000x64xf32>
    %sub3A_29 = arith.subf %add3A_9, %sub3A_28 : vector<10000x64xf32>
    %add3A_30 = arith.constant 9.99999974E-6 : f32
    %add3A_31 = vector.broadcast %add3A_30 : f32 to vector<1x64xf32>
    %add3A_32 = arith.addf %div3A_27, %add3A_31 : vector<1x64xf32>
    %rsqrt3A = math.rsqrt %add3A_32 : vector<1x64xf32>
    %mul3A_33 = vector.broadcast %rsqrt3A : vector<1x64xf32> to vector<10000x64xf32>
    %mul3A_34 = arith.mulf %sub3A_29, %mul3A_33 : vector<10000x64xf32>
    %mul3A_35 = vector.broadcast %get3A_12 : vector<1x64xf32> to vector<10000x64xf32>
    %mul3A_36 = arith.mulf %mul3A_34, %mul3A_35 : vector<10000x64xf32>
    %add3A_37 = vector.broadcast %get3A_15 : vector<1x64xf32> to vector<10000x64xf32>
    %add3A_38 = arith.addf %mul3A_36, %add3A_37 : vector<10000x64xf32>
    %max3A = arith.constant 0.000000e+00 : f32
    %max3A_39 = vector.broadcast %max3A : f32 to vector<10000x64xf32>
    %max3A_40 = arith.maximumf %add3A_38, %max3A_39 : vector<10000x64xf32>
    %swap3A = arith.constant 0 : index
    %swap3A_41 = arith.constant 0 : index
    %swap3A_42 = vector.load %arg5[%swap3A, %swap3A_41] : memref<10000x64xf32, #tpu.memory_space<vmem>>, vector<10000x64xf32>
    tpu.vector_store %arg5[%swap3A, %swap3A_41], %max3A_40 {strides = array<i32>} : memref<10000x64xf32, #tpu.memory_space<vmem>>, vector<10000x64xf32>,
    return
  }
}

module attributes {stable_mosaic.version = 14 : i64} {
  func.func @_mlp_body(%arg0: memref<10000x64xf32, #tpu.memory_space<vmem>>, %arg1: memref<10240x64xf32, #tpu.memory_space<vmem>>, %arg2: memref<10240x64xf32, #tpu.memory_space<vmem>>, %arg3: memref<64x64xf32, #tpu.memory_space<vmem>>, %arg4: memref<1x64xf32, #tpu.memory_space<vmem>>, %arg5: memref<1x64xf32, #tpu.memory_space<vmem>>, %arg6: memref<1x64xf32, #tpu.memory_space<vmem>>, %arg7: memref<64x64xf32, #tpu.memory_space<vmem>>, %arg8: memref<1x64xf32, #tpu.memory_space<vmem>>, %arg9: memref<1x64xf32, #tpu.memory_space<vmem>>, %arg10: memref<1x64xf32, #tpu.memory_space<vmem>>, %arg11: memref<10000x64xf32, #tpu.memory_space<vmem>>) attributes {dimension_semantics = [], scalar_prefetch = 0 : i64, scratch_operands = 0 : i64, tpu.core_type = #tpu.core_type<tc>} {
    %get3A = arith.constant 0 : index
    %get3A_0 = arith.constant 0 : index
    %get3A_1 = vector.load %arg0[%get3A, %get3A_0] : memref<10000x64xf32, #tpu.memory_space<vmem>>, vector<10000x64xf32>
    %get3A_2 = arith.constant 0 : index
    %get3A_3 = arith.constant 0 : index
    %get3A_4 = vector.load %arg1[%get3A_2, %get3A_3] : memref<10240x64xf32, #tpu.memory_space<vmem>>, vector<10240x64xf32>
    %get3A_5 = arith.constant 0 : index
    %get3A_6 = arith.constant 0 : index
    %get3A_7 = vector.load %arg2[%get3A_5, %get3A_6] : memref<10240x64xf32, #tpu.memory_space<vmem>>, vector<10240x64xf32>
    %get3A_8 = arith.constant 0 : index
    %get3A_9 = arith.constant 0 : index
    %get3A_10 = vector.load %arg3[%get3A_8, %get3A_9] : memref<64x64xf32, #tpu.memory_space<vmem>>, vector<64x64xf32>
    %get3A_11 = arith.constant 0 : index
    %get3A_12 = arith.constant 0 : index
    %get3A_13 = vector.load %arg4[%get3A_11, %get3A_12] : memref<1x64xf32, #tpu.memory_space<vmem>>, vector<1x64xf32>
    %get3A_14 = arith.constant 0 : index
    %get3A_15 = arith.constant 0 : index
    %get3A_16 = vector.load %arg5[%get3A_14, %get3A_15] : memref<1x64xf32, #tpu.memory_space<vmem>>, vector<1x64xf32>
    %get3A_17 = arith.constant 0 : index
    %get3A_18 = arith.constant 0 : index
    %get3A_19 = vector.load %arg6[%get3A_17, %get3A_18] : memref<1x64xf32, #tpu.memory_space<vmem>>, vector<1x64xf32>
    %get3A_20 = arith.constant 0 : index
    %get3A_21 = arith.constant 0 : index
    %get3A_22 = vector.load %arg7[%get3A_20, %get3A_21] : memref<64x64xf32, #tpu.memory_space<vmem>>, vector<64x64xf32>
    %get3A_23 = arith.constant 0 : index
    %get3A_24 = arith.constant 0 : index
    %get3A_25 = vector.load %arg8[%get3A_23, %get3A_24] : memref<1x64xf32, #tpu.memory_space<vmem>>, vector<1x64xf32>
    %get3A_26 = arith.constant 0 : index
    %get3A_27 = arith.constant 0 : index
    %get3A_28 = vector.load %arg9[%get3A_26, %get3A_27] : memref<1x64xf32, #tpu.memory_space<vmem>>, vector<1x64xf32>
    %get3A_29 = arith.constant 0 : index
    %get3A_30 = arith.constant 0 : index
    %get3A_31 = vector.load %arg10[%get3A_29, %get3A_30] : memref<1x64xf32, #tpu.memory_space<vmem>>, vector<1x64xf32>
    %slice3A = vector.extract_strided_slice %get3A_4 {offsets = [0, 0], sizes = [10000, 64], strides = [1, 1]} : vector<10240x64xf32> to vector<10000x64xf32>
    %slice3A_32 = vector.extract_strided_slice %get3A_7 {offsets = [0, 0], sizes = [10000, 64], strides = [1, 1]} : vector<10240x64xf32> to vector<10000x64xf32>
    %add3A = arith.addf %slice3A, %slice3A_32 : vector<10000x64xf32>
    %add3A_33 = arith.addf %get3A_1, %add3A : vector<10000x64xf32>
    %dot_general3A = arith.constant dense<0.000000e+00> : vector<10000x64xf32>
    %dot_general3A_34 = tpu.matmul %add3A_33, %get3A_10, %dot_general3A {dimension_numbers = #tpu.dot_dimension_numbers<[1], [0], [0], [1], [0, 0, 1, 1], [], []>, transpose_lhs_hint = false} : vector<10000x64xf32>, vector<64x64xf32>, vector<10000x64xf32> -> vector<10000x64xf32>
    %add3A_35 = vector.broadcast %get3A_13 : vector<1x64xf32> to vector<10000x64xf32>
    %add3A_36 = arith.addf %dot_general3A_34, %add3A_35 : vector<10000x64xf32>
    %reduce_sum3A = arith.constant dense<0.000000e+00> : vector<64xf32>
    %reduce_sum3A_37 = vector.multi_reduction <add>, %add3A_36, %reduce_sum3A [0] : vector<10000x64xf32> to vector<64xf32>
    %broadcast_in_dim3A = vector.shape_cast %reduce_sum3A_37 : vector<64xf32> to vector<1x64xf32>
    %div3A = arith.constant 1.000000e+04 : f32
    %div3A_38 = vector.broadcast %div3A : f32 to vector<1x64xf32>
    %div3A_39 = arith.divf %broadcast_in_dim3A, %div3A_38 : vector<1x64xf32>
    %sub3A = vector.broadcast %div3A_39 : vector<1x64xf32> to vector<10000x64xf32>
    %sub3A_40 = arith.subf %add3A_36, %sub3A : vector<10000x64xf32>
    %sub3A_41 = vector.broadcast %div3A_39 : vector<1x64xf32> to vector<10000x64xf32>
    %sub3A_42 = arith.subf %add3A_36, %sub3A_41 : vector<10000x64xf32>
    %mul3A = arith.mulf %sub3A_40, %sub3A_42 : vector<10000x64xf32>
    %reduce_sum3A_43 = arith.constant dense<0.000000e+00> : vector<64xf32>
    %reduce_sum3A_44 = vector.multi_reduction <add>, %mul3A, %reduce_sum3A_43 [0] : vector<10000x64xf32> to vector<64xf32>
    %broadcast_in_dim3A_45 = vector.shape_cast %reduce_sum3A_44 : vector<64xf32> to vector<1x64xf32>
    %div3A_46 = arith.constant 1.000000e+04 : f32
    %div3A_47 = vector.broadcast %div3A_46 : f32 to vector<1x64xf32>
    %div3A_48 = arith.divf %broadcast_in_dim3A_45, %div3A_47 : vector<1x64xf32>
    %sub3A_49 = vector.broadcast %div3A_39 : vector<1x64xf32> to vector<10000x64xf32>
    %sub3A_50 = arith.subf %add3A_36, %sub3A_49 : vector<10000x64xf32>
    %add3A_51 = arith.constant 9.99999974E-6 : f32
    %add3A_52 = vector.broadcast %add3A_51 : f32 to vector<1x64xf32>
    %add3A_53 = arith.addf %div3A_48, %add3A_52 : vector<1x64xf32>
    %rsqrt3A = math.rsqrt %add3A_53 : vector<1x64xf32>
    %mul3A_54 = vector.broadcast %rsqrt3A : vector<1x64xf32> to vector<10000x64xf32>
    %mul3A_55 = arith.mulf %sub3A_50, %mul3A_54 : vector<10000x64xf32>
    %mul3A_56 = vector.broadcast %get3A_16 : vector<1x64xf32> to vector<10000x64xf32>
    %mul3A_57 = arith.mulf %mul3A_55, %mul3A_56 : vector<10000x64xf32>
    %add3A_58 = vector.broadcast %get3A_19 : vector<1x64xf32> to vector<10000x64xf32>
    %add3A_59 = arith.addf %mul3A_57, %add3A_58 : vector<10000x64xf32>
    %max3A = arith.constant 0.000000e+00 : f32
    %max3A_60 = vector.broadcast %max3A : f32 to vector<10000x64xf32>
    %max3A_61 = arith.maximumf %add3A_59, %max3A_60 : vector<10000x64xf32>
    %dot_general3A_62 = arith.constant dense<0.000000e+00> : vector<10000x64xf32>
    %dot_general3A_63 = tpu.matmul %max3A_61, %get3A_22, %dot_general3A_62 {dimension_numbers = #tpu.dot_dimension_numbers<[1], [0], [0], [1], [0, 0, 1, 1], [], []>, transpose_lhs_hint = false} : vector<10000x64xf32>, vector<64x64xf32>, vector<10000x64xf32> -> vector<10000x64xf32>
    %add3A_64 = vector.broadcast %get3A_25 : vector<1x64xf32> to vector<10000x64xf32>
    %add3A_65 = arith.addf %dot_general3A_63, %add3A_64 : vector<10000x64xf32>
    %reduce_sum3A_66 = arith.constant dense<0.000000e+00> : vector<64xf32>
    %reduce_sum3A_67 = vector.multi_reduction <add>, %add3A_65, %reduce_sum3A_66 [0] : vector<10000x64xf32> to vector<64xf32>
    %broadcast_in_dim3A_68 = vector.shape_cast %reduce_sum3A_67 : vector<64xf32> to vector<1x64xf32>
    %div3A_69 = arith.constant 1.000000e+04 : f32
    %div3A_70 = vector.broadcast %div3A_69 : f32 to vector<1x64xf32>
    %div3A_71 = arith.divf %broadcast_in_dim3A_68, %div3A_70 : vector<1x64xf32>
    %sub3A_72 = vector.broadcast %div3A_71 : vector<1x64xf32> to vector<10000x64xf32>
    %sub3A_73 = arith.subf %add3A_65, %sub3A_72 : vector<10000x64xf32>
    %sub3A_74 = vector.broadcast %div3A_71 : vector<1x64xf32> to vector<10000x64xf32>
    %sub3A_75 = arith.subf %add3A_65, %sub3A_74 : vector<10000x64xf32>
    %mul3A_76 = arith.mulf %sub3A_73, %sub3A_75 : vector<10000x64xf32>
    %reduce_sum3A_77 = arith.constant dense<0.000000e+00> : vector<64xf32>
    %reduce_sum3A_78 = vector.multi_reduction <add>, %mul3A_76, %reduce_sum3A_77 [0] : vector<10000x64xf32> to vector<64xf32>
    %broadcast_in_dim3A_79 = vector.shape_cast %reduce_sum3A_78 : vector<64xf32> to vector<1x64xf32>
    %div3A_80 = arith.constant 1.000000e+04 : f32
    %div3A_81 = vector.broadcast %div3A_80 : f32 to vector<1x64xf32>
    %div3A_82 = arith.divf %broadcast_in_dim3A_79, %div3A_81 : vector<1x64xf32>
    %sub3A_83 = vector.broadcast %div3A_71 : vector<1x64xf32> to vector<10000x64xf32>
    %sub3A_84 = arith.subf %add3A_65, %sub3A_83 : vector<10000x64xf32>
    %add3A_85 = arith.constant 9.99999974E-6 : f32
    %add3A_86 = vector.broadcast %add3A_85 : f32 to vector<1x64xf32>
    %add3A_87 = arith.addf %div3A_82, %add3A_86 : vector<1x64xf32>
    %rsqrt3A_88 = math.rsqrt %add3A_87 : vector<1x64xf32>
    %mul3A_89 = vector.broadcast %rsqrt3A_88 : vector<1x64xf32> to vector<10000x64xf32>
    %mul3A_90 = arith.mulf %sub3A_84, %mul3A_89 : vector<10000x64xf32>
    %mul3A_91 = vector.broadcast %get3A_28 : vector<1x64xf32> to vector<10000x64xf32>
    %mul3A_92 = arith.mulf %mul3A_90, %mul3A_91 : vector<10000x64xf32>
    %add3A_93 = vector.broadcast %get3A_31 : vector<1x64xf32> to vector<10000x64xf32>
    %add3A_94 = arith.addf %mul3A_92, %add3A_93 : vector<10000x64xf32>
    %max3A_95 = arith.constant 0.000000e+00 : f32
    %max3A_96 = vector.broadcast %max3A_95 : f32 to vector<10000x64xf32>
    %max3A_97 = arith.maximumf %add3A_94, %max3A_96 : vector<10000x64xf32>
    %swap3A = arith.constant 0 : index
    %swap3A_98 = arith.constant 0 : index
    %swap3A_99 = vector.load %arg11[%swap3A, %swap3A_98] : memref<10000x64xf32, #tpu.memory_space<vmem>>, vector<10000x64xf32>
    tpu.vector_store %arg11[%swap3A, %swap3A_98], %max3A_97 {strides = array<i32>} : memref<10000x64xf32, #tpu.memory_space<vmem>>, vector<10000x64xf32>,
    return
  }
}

module attributes {stable_mosaic.version = 14 : i64} {
  func.func @_final_body(%arg0: memref<10000x64xf32, #tpu.memory_space<vmem>>, %arg1: memref<10240x64xf32, #tpu.memory_space<vmem>>, %arg2: memref<10240x64xf32, #tpu.memory_space<vmem>>, %arg3: memref<64x64xf32, #tpu.memory_space<vmem>>, %arg4: memref<1x64xf32, #tpu.memory_space<vmem>>, %arg5: memref<1x64xf32, #tpu.memory_space<vmem>>, %arg6: memref<1x64xf32, #tpu.memory_space<vmem>>, %arg7: memref<64x64xf32, #tpu.memory_space<vmem>>, %arg8: memref<1x64xf32, #tpu.memory_space<vmem>>, %arg9: memref<1x64xf32, #tpu.memory_space<vmem>>, %arg10: memref<1x64xf32, #tpu.memory_space<vmem>>, %arg11: memref<1x10000xi32, #tpu.memory_space<vmem>>, %arg12: memref<64x32xf32, #tpu.memory_space<vmem>>, %arg13: memref<1x32xf32, #tpu.memory_space<vmem>>, %arg14: memref<32x6xf32, #tpu.memory_space<vmem>>, %arg15: memref<1x6xf32, #tpu.memory_space<vmem>>, %arg16: memref<64x6xf32, #tpu.memory_space<vmem>>) attributes {dimension_semantics = [], scalar_prefetch = 0 : i64, scratch_operands = 0 : i64, tpu.core_type = #tpu.core_type<tc>} {
    %get3A = arith.constant 0 : index
    %get3A_0 = arith.constant 0 : index
    %get3A_1 = vector.load %arg0[%get3A, %get3A_0] : memref<10000x64xf32, #tpu.memory_space<vmem>>, vector<10000x64xf32>
    %get3A_2 = arith.constant 0 : index
    %get3A_3 = arith.constant 0 : index
    %get3A_4 = vector.load %arg1[%get3A_2, %get3A_3] : memref<10240x64xf32, #tpu.memory_space<vmem>>, vector<10240x64xf32>
    %get3A_5 = arith.constant 0 : index
    %get3A_6 = arith.constant 0 : index
    %get3A_7 = vector.load %arg2[%get3A_5, %get3A_6] : memref<10240x64xf32, #tpu.memory_space<vmem>>, vector<10240x64xf32>
    %get3A_8 = arith.constant 0 : index
    %get3A_9 = arith.constant 0 : index
    %get3A_10 = vector.load %arg3[%get3A_8, %get3A_9] : memref<64x64xf32, #tpu.memory_space<vmem>>, vector<64x64xf32>
    %get3A_11 = arith.constant 0 : index
    %get3A_12 = arith.constant 0 : index
    %get3A_13 = vector.load %arg4[%get3A_11, %get3A_12] : memref<1x64xf32, #tpu.memory_space<vmem>>, vector<1x64xf32>
    %get3A_14 = arith.constant 0 : index
    %get3A_15 = arith.constant 0 : index
    %get3A_16 = vector.load %arg5[%get3A_14, %get3A_15] : memref<1x64xf32, #tpu.memory_space<vmem>>, vector<1x64xf32>
    %get3A_17 = arith.constant 0 : index
    %get3A_18 = arith.constant 0 : index
    %get3A_19 = vector.load %arg6[%get3A_17, %get3A_18] : memref<1x64xf32, #tpu.memory_space<vmem>>, vector<1x64xf32>
    %get3A_20 = arith.constant 0 : index
    %get3A_21 = arith.constant 0 : index
    %get3A_22 = vector.load %arg7[%get3A_20, %get3A_21] : memref<64x64xf32, #tpu.memory_space<vmem>>, vector<64x64xf32>
    %get3A_23 = arith.constant 0 : index
    %get3A_24 = arith.constant 0 : index
    %get3A_25 = vector.load %arg8[%get3A_23, %get3A_24] : memref<1x64xf32, #tpu.memory_space<vmem>>, vector<1x64xf32>
    %get3A_26 = arith.constant 0 : index
    %get3A_27 = arith.constant 0 : index
    %get3A_28 = vector.load %arg9[%get3A_26, %get3A_27] : memref<1x64xf32, #tpu.memory_space<vmem>>, vector<1x64xf32>
    %get3A_29 = arith.constant 0 : index
    %get3A_30 = arith.constant 0 : index
    %get3A_31 = vector.load %arg10[%get3A_29, %get3A_30] : memref<1x64xf32, #tpu.memory_space<vmem>>, vector<1x64xf32>
    %slice3A = vector.extract_strided_slice %get3A_4 {offsets = [0, 0], sizes = [10000, 64], strides = [1, 1]} : vector<10240x64xf32> to vector<10000x64xf32>
    %slice3A_32 = vector.extract_strided_slice %get3A_7 {offsets = [0, 0], sizes = [10000, 64], strides = [1, 1]} : vector<10240x64xf32> to vector<10000x64xf32>
    %add3A = arith.addf %slice3A, %slice3A_32 : vector<10000x64xf32>
    %add3A_33 = arith.addf %get3A_1, %add3A : vector<10000x64xf32>
    %dot_general3A = arith.constant dense<0.000000e+00> : vector<10000x64xf32>
    %dot_general3A_34 = tpu.matmul %add3A_33, %get3A_10, %dot_general3A {dimension_numbers = #tpu.dot_dimension_numbers<[1], [0], [0], [1], [0, 0, 1, 1], [], []>, transpose_lhs_hint = false} : vector<10000x64xf32>, vector<64x64xf32>, vector<10000x64xf32> -> vector<10000x64xf32>
    %add3A_35 = vector.broadcast %get3A_13 : vector<1x64xf32> to vector<10000x64xf32>
    %add3A_36 = arith.addf %dot_general3A_34, %add3A_35 : vector<10000x64xf32>
    %reduce_sum3A = arith.constant dense<0.000000e+00> : vector<64xf32>
    %reduce_sum3A_37 = vector.multi_reduction <add>, %add3A_36, %reduce_sum3A [0] : vector<10000x64xf32> to vector<64xf32>
    %broadcast_in_dim3A = vector.shape_cast %reduce_sum3A_37 : vector<64xf32> to vector<1x64xf32>
    %div3A = arith.constant 1.000000e+04 : f32
    %div3A_38 = vector.broadcast %div3A : f32 to vector<1x64xf32>
    %div3A_39 = arith.divf %broadcast_in_dim3A, %div3A_38 : vector<1x64xf32>
    %sub3A = vector.broadcast %div3A_39 : vector<1x64xf32> to vector<10000x64xf32>
    %sub3A_40 = arith.subf %add3A_36, %sub3A : vector<10000x64xf32>
    %sub3A_41 = vector.broadcast %div3A_39 : vector<1x64xf32> to vector<10000x64xf32>
    %sub3A_42 = arith.subf %add3A_36, %sub3A_41 : vector<10000x64xf32>
    %mul3A = arith.mulf %sub3A_40, %sub3A_42 : vector<10000x64xf32>
    %reduce_sum3A_43 = arith.constant dense<0.000000e+00> : vector<64xf32>
    %reduce_sum3A_44 = vector.multi_reduction <add>, %mul3A, %reduce_sum3A_43 [0] : vector<10000x64xf32> to vector<64xf32>
    %broadcast_in_dim3A_45 = vector.shape_cast %reduce_sum3A_44 : vector<64xf32> to vector<1x64xf32>
    %div3A_46 = arith.constant 1.000000e+04 : f32
    %div3A_47 = vector.broadcast %div3A_46 : f32 to vector<1x64xf32>
    %div3A_48 = arith.divf %broadcast_in_dim3A_45, %div3A_47 : vector<1x64xf32>
    %sub3A_49 = vector.broadcast %div3A_39 : vector<1x64xf32> to vector<10000x64xf32>
    %sub3A_50 = arith.subf %add3A_36, %sub3A_49 : vector<10000x64xf32>
    %add3A_51 = arith.constant 9.99999974E-6 : f32
    %add3A_52 = vector.broadcast %add3A_51 : f32 to vector<1x64xf32>
    %add3A_53 = arith.addf %div3A_48, %add3A_52 : vector<1x64xf32>
    %rsqrt3A = math.rsqrt %add3A_53 : vector<1x64xf32>
    %mul3A_54 = vector.broadcast %rsqrt3A : vector<1x64xf32> to vector<10000x64xf32>
    %mul3A_55 = arith.mulf %sub3A_50, %mul3A_54 : vector<10000x64xf32>
    %mul3A_56 = vector.broadcast %get3A_16 : vector<1x64xf32> to vector<10000x64xf32>
    %mul3A_57 = arith.mulf %mul3A_55, %mul3A_56 : vector<10000x64xf32>
    %add3A_58 = vector.broadcast %get3A_19 : vector<1x64xf32> to vector<10000x64xf32>
    %add3A_59 = arith.addf %mul3A_57, %add3A_58 : vector<10000x64xf32>
    %max3A = arith.constant 0.000000e+00 : f32
    %max3A_60 = vector.broadcast %max3A : f32 to vector<10000x64xf32>
    %max3A_61 = arith.maximumf %add3A_59, %max3A_60 : vector<10000x64xf32>
    %dot_general3A_62 = arith.constant dense<0.000000e+00> : vector<10000x64xf32>
    %dot_general3A_63 = tpu.matmul %max3A_61, %get3A_22, %dot_general3A_62 {dimension_numbers = #tpu.dot_dimension_numbers<[1], [0], [0], [1], [0, 0, 1, 1], [], []>, transpose_lhs_hint = false} : vector<10000x64xf32>, vector<64x64xf32>, vector<10000x64xf32> -> vector<10000x64xf32>
    %add3A_64 = vector.broadcast %get3A_25 : vector<1x64xf32> to vector<10000x64xf32>
    %add3A_65 = arith.addf %dot_general3A_63, %add3A_64 : vector<10000x64xf32>
    %reduce_sum3A_66 = arith.constant dense<0.000000e+00> : vector<64xf32>
    %reduce_sum3A_67 = vector.multi_reduction <add>, %add3A_65, %reduce_sum3A_66 [0] : vector<10000x64xf32> to vector<64xf32>
    %broadcast_in_dim3A_68 = vector.shape_cast %reduce_sum3A_67 : vector<64xf32> to vector<1x64xf32>
    %div3A_69 = arith.constant 1.000000e+04 : f32
    %div3A_70 = vector.broadcast %div3A_69 : f32 to vector<1x64xf32>
    %div3A_71 = arith.divf %broadcast_in_dim3A_68, %div3A_70 : vector<1x64xf32>
    %sub3A_72 = vector.broadcast %div3A_71 : vector<1x64xf32> to vector<10000x64xf32>
    %sub3A_73 = arith.subf %add3A_65, %sub3A_72 : vector<10000x64xf32>
    %sub3A_74 = vector.broadcast %div3A_71 : vector<1x64xf32> to vector<10000x64xf32>
    %sub3A_75 = arith.subf %add3A_65, %sub3A_74 : vector<10000x64xf32>
    %mul3A_76 = arith.mulf %sub3A_73, %sub3A_75 : vector<10000x64xf32>
    %reduce_sum3A_77 = arith.constant dense<0.000000e+00> : vector<64xf32>
    %reduce_sum3A_78 = vector.multi_reduction <add>, %mul3A_76, %reduce_sum3A_77 [0] : vector<10000x64xf32> to vector<64xf32>
    %broadcast_in_dim3A_79 = vector.shape_cast %reduce_sum3A_78 : vector<64xf32> to vector<1x64xf32>
    %div3A_80 = arith.constant 1.000000e+04 : f32
    %div3A_81 = vector.broadcast %div3A_80 : f32 to vector<1x64xf32>
    %div3A_82 = arith.divf %broadcast_in_dim3A_79, %div3A_81 : vector<1x64xf32>
    %sub3A_83 = vector.broadcast %div3A_71 : vector<1x64xf32> to vector<10000x64xf32>
    %sub3A_84 = arith.subf %add3A_65, %sub3A_83 : vector<10000x64xf32>
    %add3A_85 = arith.constant 9.99999974E-6 : f32
    %add3A_86 = vector.broadcast %add3A_85 : f32 to vector<1x64xf32>
    %add3A_87 = arith.addf %div3A_82, %add3A_86 : vector<1x64xf32>
    %rsqrt3A_88 = math.rsqrt %add3A_87 : vector<1x64xf32>
    %mul3A_89 = vector.broadcast %rsqrt3A_88 : vector<1x64xf32> to vector<10000x64xf32>
    %mul3A_90 = arith.mulf %sub3A_84, %mul3A_89 : vector<10000x64xf32>
    %mul3A_91 = vector.broadcast %get3A_28 : vector<1x64xf32> to vector<10000x64xf32>
    %mul3A_92 = arith.mulf %mul3A_90, %mul3A_91 : vector<10000x64xf32>
    %add3A_93 = vector.broadcast %get3A_31 : vector<1x64xf32> to vector<10000x64xf32>
    %add3A_94 = arith.addf %mul3A_92, %add3A_93 : vector<10000x64xf32>
    %max3A_95 = arith.constant 0.000000e+00 : f32
    %max3A_96 = vector.broadcast %max3A_95 : f32 to vector<10000x64xf32>
    %max3A_97 = arith.maximumf %add3A_94, %max3A_96 : vector<10000x64xf32>
    %iota3A = tpu.iota {dimensions = array<i32: 0>} : vector<64x10000xi32>
    %get3A_98 = arith.constant 0 : index
    %get3A_99 = arith.constant 0 : index
    %get3A_100 = vector.load %arg11[%get3A_98, %get3A_99] : memref<1x10000xi32, #tpu.memory_space<vmem>>, vector<1x10000xi32>
    %eq3A = vector.broadcast %get3A_100 : vector<1x10000xi32> to vector<64x10000xi32>
    %eq3A_101 = arith.cmpi eq, %eq3A, %iota3A : vector<64x10000xi32>
    %convert_element_type3A = arith.extui %eq3A_101 : vector<64x10000xi1> to vector<64x10000xi32>
    %convert_element_type3A_102 = arith.sitofp %convert_element_type3A : vector<64x10000xi32> to vector<64x10000xf32>
    %dot_general3A_103 = arith.constant dense<0.000000e+00> : vector<64x64xf32>
    %dot_general3A_104 = tpu.matmul %convert_element_type3A_102, %max3A_97, %dot_general3A_103 {dimension_numbers = #tpu.dot_dimension_numbers<[1], [0], [0], [1], [0, 0, 1, 1], [], []>, transpose_lhs_hint = false} : vector<64x10000xf32>, vector<10000x64xf32>, vector<64x64xf32> -> vector<64x64xf32>
    %reduce_sum3A_105 = arith.constant dense<0.000000e+00> : vector<64xf32>
    %reduce_sum3A_106 = vector.multi_reduction <add>, %convert_element_type3A_102, %reduce_sum3A_105 [1] : vector<64x10000xf32> to vector<64xf32>
    %broadcast_in_dim3A_107 = vector.shape_cast %reduce_sum3A_106 : vector<64xf32> to vector<64x1xf32>
    %max3A_108 = arith.constant 1.000000e+00 : f32
    %max3A_109 = vector.broadcast %max3A_108 : f32 to vector<64x1xf32>
    %max3A_110 = arith.maximumf %broadcast_in_dim3A_107, %max3A_109 : vector<64x1xf32>
    %div3A_111 = vector.broadcast %max3A_110 : vector<64x1xf32> to vector<64x64xf32>
    %div3A_112 = arith.divf %dot_general3A_104, %div3A_111 : vector<64x64xf32>
    %get3A_113 = arith.constant 0 : index
    %get3A_114 = arith.constant 0 : index
    %get3A_115 = vector.load %arg12[%get3A_113, %get3A_114] : memref<64x32xf32, #tpu.memory_space<vmem>>, vector<64x32xf32>
    %dot_general3A_116 = arith.constant dense<0.000000e+00> : vector<64x32xf32>
    %dot_general3A_117 = tpu.matmul %div3A_112, %get3A_115, %dot_general3A_116 {dimension_numbers = #tpu.dot_dimension_numbers<[1], [0], [0], [1], [0, 0, 1, 1], [], []>, transpose_lhs_hint = false} : vector<64x64xf32>, vector<64x32xf32>, vector<64x32xf32> -> vector<64x32xf32>
    %get3A_118 = arith.constant 0 : index
    %get3A_119 = arith.constant 0 : index
    %get3A_120 = vector.load %arg13[%get3A_118, %get3A_119] : memref<1x32xf32, #tpu.memory_space<vmem>>, vector<1x32xf32>
    %add3A_121 = vector.broadcast %get3A_120 : vector<1x32xf32> to vector<64x32xf32>
    %add3A_122 = arith.addf %dot_general3A_117, %add3A_121 : vector<64x32xf32>
    %max3A_123 = arith.constant 0.000000e+00 : f32
    %max3A_124 = vector.broadcast %max3A_123 : f32 to vector<64x32xf32>
    %max3A_125 = arith.maximumf %add3A_122, %max3A_124 : vector<64x32xf32>
    %get3A_126 = arith.constant 0 : index
    %get3A_127 = arith.constant 0 : index
    %get3A_128 = vector.load %arg14[%get3A_126, %get3A_127] : memref<32x6xf32, #tpu.memory_space<vmem>>, vector<32x6xf32>
    %dot_general3A_129 = arith.constant dense<0.000000e+00> : vector<64x6xf32>
    %dot_general3A_130 = tpu.matmul %max3A_125, %get3A_128, %dot_general3A_129 {dimension_numbers = #tpu.dot_dimension_numbers<[1], [0], [0], [1], [0, 0, 1, 1], [], []>, transpose_lhs_hint = false} : vector<64x32xf32>, vector<32x6xf32>, vector<64x6xf32> -> vector<64x6xf32>
    %get3A_131 = arith.constant 0 : index
    %get3A_132 = arith.constant 0 : index
    %get3A_133 = vector.load %arg15[%get3A_131, %get3A_132] : memref<1x6xf32, #tpu.memory_space<vmem>>, vector<1x6xf32>
    %add3A_134 = vector.broadcast %get3A_133 : vector<1x6xf32> to vector<64x6xf32>
    %add3A_135 = arith.addf %dot_general3A_130, %add3A_134 : vector<64x6xf32>
    %swap3A = arith.constant 0 : index
    %swap3A_136 = arith.constant 0 : index
    %swap3A_137 = vector.load %arg16[%swap3A, %swap3A_136] : memref<64x6xf32, #tpu.memory_space<vmem>>, vector<64x6xf32>
    tpu.vector_store %arg16[%swap3A, %swap3A_136], %add3A_135 {strides = array<i32>} : memref<64x6xf32, #tpu.memory_space<vmem>>, vector<64x6xf32>,
    return
  }
}

</mosaic_0001>

<sc_bundles>
// kernel: kernel.12.cloned.1.call-start
scs
__scs_entry_jumppad:
0x0: {  	(pc) =	sbr.rel $0x88, $3  }
0x1: {  	(tag) =	ssettag $0x0;
	lr =	simm.s32 $0x1  }
0x2: {  	[smem:$0x3F8E] =	sst lr;
	_ =	strace $0xD0000000  }
0x3: {  	_ = 	snop  }
0x4: {  	_ = 	snop  }
0x5: {  	_ = 	snop  }
0x6: {  	_ = 	snop  }
0x7: {  	_ = 	snop  }
__scs_overlays_trampoline_lowered:
0x8: {  	[smem:$0x3F9D] =	sst s0  }
0x9: {  	[smem:$0x3F9E] =	sst s1  }
0xa: {  	[smem:$0x3F9F] =	sst s2  }
0xb: {  	[smem:$0x3FA0] =	sst s3  }
0xc: {  	[smem:$0x3FA1] =	sst s4  }
0xd: {  	[smem:$0x3FA2] =	sst s5  }
0xe: {  	[smem:$0x3FA3] =	sst s6  }
0xf: {  	[smem:$0x3FA4] =	sst s7  }
0x10: {  	[smem:$0x3FA5] =	sst s8  }
0x11: {  	[smem:$0x3FA6] =	sst s9;
	s0 =	simm.s32 @!p0 $0x0  }
0x12: {  	s1 =	sld [smem:$0x3F8C];
	s0 =	simm.s32 @p0 $0x1  }
0x13: {  	[smem:$0x3FA7] =	sst s0;
	s0 =	simm.s32 @!p1 $0x0  }
0x14: {  	s2 =	sld [smem:$0x3F8B];
	s0 =	simm.s32 @p1 $0x1  }
0x15: {  	[smem:$0x3FA8] =	sst s0;
	s0 =	simm.s32 @!p2 $0x0  }
0x16: {  	s3 =	sld [smem:$0x3FDB];
	s0 =	simm.s32 @p2 $0x1  }
0x17: {  	s4 =	simm.s32 $0x1BF5;
	[smem:$0x3FAA] =	sst s0  }
0x18: {  	s0 =	sld [smem:$0x3F8D];
	_ =	swait.ge [sflag:s4], $0x0  }
0x19: {  	s7 =	sld [smem:$0x3F8E]  }
0x1a: {  	s8 =	sadd.s32 $0xFFFFE003, lr  }
0x1b: {  	s9 =	sadd.s32 $0xFFFFFEF7, lr;
	s5 =	simm.s32 $0xFFFFFFFF;
	p2 =	slt.u32 s8, $0xFFFFF086  }
0x1c: {  	p1 =	slt.u32 s9, $0xF7A;
	s5 =	simm.s32 @!p2 $0x0  }
0x1d: {  	s5 =	simm.s32 @p1 $0x1;
	p0 =	seq.s32 s7, s2  }
0x1e: {  	s7 =	smul.u32 @!p0 $0xF7A, s2;
	p2 =	seq.s32 @!p0 s5, $0x0  }
0x1f: {  	s9 =	smul.u32 $0xF7A, s1;
	s8 =	simm.s32 @!p0 $0x1BF5;
	p2 =	por !p2, p0  }
0x20: {  	[sflag:s8] =	ssyncset.s32 @!p0 $0xFFFFF086;
	s6 =	sadd.s32 @!p0 s3, s7;
	s7 =	simm.s32 @!p0 $0x108  }
0x21: {  	s3 =	sadd.s32 s3, s9;
	s6 =	sadd.s32 @!p0 $0x88, s6;
	s7 =	simm.s32 @p2 $0x1082  }
0x22: {  	[simem:s7], [sflag:s8] =	dma.local @!p0 [hbm:s6], $0xF7A  }
0x23: {  	s9 =	sor.u32 $0xD0000000, s2;
	s6 =	simm.s32 $0x108;
	_ =	swait.ge @!p0 [sflag:s8], $0x0  }
0x24: {  	s3 =	sadd.s32 $0x88, s3;
	s6 =	simm.s32 @!p1 $0x1082;
	[sflag:s4] =	ssyncset.s32 $0xFFFFF086  }
0x25: {  	[simem:s6], [sflag:s4] =	dma.local [hbm:s3], $0xF7A  }
0x26: {  	[smem:$0x3F8E] =	sst s1;
	(tag) =	ssettag s2;
	_ =	strace s9  }
0x27: {  	s1 =	sld [smem:$0x3F9E]  }
0x28: {  	s2 =	sld [smem:$0x3F9F]  }
0x29: {  	s4 =	sld [smem:$0x3FA1]  }
0x2a: {  	p0 =	seq.s32 s5, $0x0;
	s5 =	sld [smem:$0x3FA2]  }
0x2b: {  	s6 =	sld [smem:$0x3FA3]  }
0x2c: {  	s7 =	sld [smem:$0x3FA4]  }
0x2d: {  	s3 =	simm.s32 $0x108;
	s8 =	sld [smem:$0x3FA5]  }
0x2e: {  	s3 =	simm.s32 @!p0 $0x1082;
	s9 =	sld [smem:$0x3FA6]  }
0x2f: {  	lr =	sadd.s32 s0, s3;
	s0 =	sld [smem:$0x3F9D]  }
0x30: {  	s3 =	sld [smem:$0x3FA0]  }
0x31: {  	[smem:$0x3FA9] =	sst s10  }
0x32: {  	s10 =	sld [smem:$0x3FA7];
	_ =	sdelay $0x3  }
0x33: {  	p0 =	seq.s32 s10, $0x1;
	s10 =	sld [smem:$0x3FA9];
	_ =	sdelay $0x3  }
0x34: {  	[smem:$0x3FA9] =	sst s10  }
0x35: {  	s10 =	sld [smem:$0x3FA8];
	_ =	sdelay $0x3  }
0x36: {  	p1 =	seq.s32 s10, $0x1;
	s10 =	sld [smem:$0x3FA9];
	_ =	sdelay $0x3  }
0x37: {  	[smem:$0x3FA9] =	sst s10  }
0x38: {  	s10 =	sld [smem:$0x3FAA]  }
0x39: {  	_ = 	snop;
	(pc) =	sbr.ind lr, $3  }
0x3a: {  	_ = 	snop  }
0x3b: {  	_ = 	snop  }
0x3c: {  	p2 =	seq.s32 s10, $0x1;
	s10 =	sld [smem:$0x3FA9]  }
0x3d: {  	_ =	shalt  }
0x3e: {  	_ =	shalt  }
0x3f: {  	_ =	shalt  }
0x40: {  	_ =	shalt  }
0x41: {  	_ =	shalt  }
0x42: {  	_ =	shalt  }
0x43: {  	_ =	shalt  }
0x44: {  	_ =	shalt  }
0x45: {  	_ =	shalt  }
0x46: {  	_ =	shalt  }
0x47: {  	_ =	shalt  }
0x48: {  	_ =	shalt  }
0x49: {  	_ =	shalt  }
0x4a: {  	_ =	shalt  }
0x4b: {  	_ =	shalt  }
0x4c: {  	_ =	shalt  }
0x4d: {  	_ =	shalt  }
0x4e: {  	_ =	shalt  }
0x4f: {  	_ =	shalt  }
0x50: {  	_ =	shalt  }
0x51: {  	_ =	shalt  }
0x52: {  	_ =	shalt  }
0x53: {  	_ =	shalt  }
0x54: {  	_ =	shalt  }
0x55: {  	_ =	shalt  }
0x56: {  	_ =	shalt  }
0x57: {  	_ =	shalt  }
0x58: {  	_ =	shalt  }
0x59: {  	_ =	shalt  }
0x5a: {  	_ =	shalt  }
0x5b: {  	_ =	shalt  }
0x5c: {  	_ =	shalt  }
0x5d: {  	_ =	shalt  }
0x5e: {  	_ =	shalt  }
0x5f: {  	_ =	shalt  }
0x60: {  	_ =	shalt  }
0x61: {  	_ =	shalt  }
0x62: {  	_ =	shalt  }
0x63: {  	_ =	shalt  }
0x64: {  	_ =	shalt  }
0x65: {  	_ =	shalt  }
0x66: {  	_ =	shalt  }
0x67: {  	_ =	shalt  }
0x68: {  	_ =	shalt  }
0x69: {  	_ =	shalt  }
0x6a: {  	_ =	shalt  }
0x6b: {  	_ =	shalt  }
0x6c: {  	_ =	shalt  }
0x6d: {  	_ =	shalt  }
0x6e: {  	_ =	shalt  }
0x6f: {  	_ =	shalt  }
0x70: {  	_ =	shalt  }
0x71: {  	_ =	shalt  }
0x72: {  	_ =	shalt  }
0x73: {  	_ =	shalt  }
0x74: {  	_ =	shalt  }
0x75: {  	_ =	shalt  }
0x76: {  	_ =	shalt  }
0x77: {  	_ =	shalt  }
0x78: {  	_ =	shalt  }
0x79: {  	_ =	shalt  }
0x7a: {  	_ =	shalt  }
0x7b: {  	_ =	shalt  }
0x7c: {  	_ =	shalt  }
0x7d: {  	_ =	shalt  }
0x7e: {  	_ =	shalt  }
0x7f: {  	_ =	shalt  }
0x80: {  	_ =	shalt  }
0x81: {  	_ =	shalt  }
0x82: {  	_ =	shalt  }
0x83: {  	_ =	shalt  }
0x84: {  	_ =	shalt  }
0x85: {  	_ =	shalt  }
0x86: {  	_ =	shalt  }
0x87: {  	_ =	shalt  }
.Lfunc_end0:
.L_simem_size_0:
called_computation.1_lowered:
.L_overlay_start_0:
0x88: {  	s2 =	sld [smem:$0x3FD9]  }
0x89: {  	s3 =	sld [smem:$0x3FFE];
	_ =	sdelay $0x1  }
0x8a: {  	s1 =	srdreg.scid  }
0x8b: {  	s0 =	sand.u32 $0x1, s1  }
0x8c: {  	s16 =	sshll.u32 s0, $0xA;
	s2 =	sadd.s32 s3, s2  }
0x8d: {  	s2 =	sadd.s32 s2, s16  }
0x8e: {  	[smem:$0x3FB5] =	sst s2  }
0x8f: {  	_ = 	snop  }
0x90: {  	(tm) =	ssettm $0x1  }
0x91: {  	s17 =	sld [smem:$0x3FFB];
	_ =	sdelay $0x3  }
0x92: {  	_ =	strace s17  }
0x93: {  	s2 =	sld [smem:$0x3FFC];
	_ =	sdelay $0x3  }
0x94: {  	_ =	strace s2  }
0x95: {  	s2 =	sld [smem:$0x3FFD];
	_ =	sdelay $0x3  }
0x96: {  	_ =	strace s2  }
0x97: {  	_ =	strace $0x8FFFFFFF  }
0x98: {  	s18 =	sld [smem:$0x3FDB];
	_ =	sdelay $0x1  }
0x99: {  	s19 =	simm.s32 $_scs_section_size  }
0x9a: {  	s4 =	simm.s32 $_size__tile_overlayer_lowered;
	s5 =	simm.s32 $_tile_overlayer_lowered  }
0x9b: {  	s22 =	simm.s32 $0x1BFF;
	s21 =	sshll.u32 s5, $0x1;
	s2 =	sadd.s32 s19, s18  }
0x9c: {  	s6 =	simm.s32 $0x0;
	s20 =	sshll.u32 s4, $0x1;
	s4 =	sadd.s32 s21, s2  }
0x9d: {  	[timem:s6], [sflag:s22] =	dma.local [hbm:s4], s20  }
0x9e: {  	_ =	swait.ge [sflag:s22], s20  }
0x9f: {  	s3 =	ssub.s32 $0x0, s20;
	[sflag:s22] =	ssyncset.done $0x0  }
0xa0: {  	[sflag:s22] =	ssyncadd.s32 s3;
	_ =	sdelay $0x1  }
0xa1: {  	s23 =	simm.s32 $0x1B8B  }
0xa2: {  	_ =	swait.ge [sflag:s23], $0x1  }
0xa3: {  	[sflag:s23] =	ssyncset.done $0x0  }
0xa4: {  	s25 =	simm.s32 $0x1B8E;
	s24 =	sld [smem:$0x3FFE];
	[sflag:s23] =	ssyncadd.s32 $0xFFFFFFFF  }
0xa5: {  	s26 =	simm.s32 $execute0_lowered;
	[smem:$0x3FD2] =	sst s25  }
0xa6: {  	s4 =	sshll.u32 s26, $0x1;
	_ =	strace $0x80000049;
	[dreg:$0x1] =	wrdreg $0xFFFFFFFF  }
0xa7: {  	s28 =	simm.s32 $_size_execute0_lowered;
	s2 =	sadd.s32 s2, s4;
	[dreg:$0x0] =	wrdreg $0x0  }
0xa8: {  	s4 =	sshll.u32 s28, $0x1;
	[dreg:$0x2] =	wrdreg s2  }
0xa9: {  	[dreg:$0x3] =	wrdreg s4  }
0xaa: {  	[dreg:$0x4] =	wrdreg $0xC0  }
0xab: {  	_ =	task [dreg:s6], $0x5FFFF  }
0xac: {  	[dreg:$0x1] =	wrdreg $0xFFFFFFFF  }
0xad: {  	[dreg:$0x0] =	wrdreg $0x60  }
0xae: {  	[dreg:$0x2] =	wrdreg s24  }
0xaf: {  	[dreg:$0x3] =	wrdreg $0x150000  }
0xb0: {  	[dreg:$0x4] =	wrdreg $0x9  }
0xb1: {  	_ =	task.clear_ibuf [dreg:s6], $0x5FFFF;
	_ =	strace $0x90000049  }
0xb2: {  	s29 =	simm.s32 $0x9;
	_ =	strace $0x8000004B  }
0xb3: {  	_ =	swait.ge [sflag:s29], $0x1  }
0xb4: {  	[sflag:s29] =	ssyncadd.s32 $0xFFFFFFFF  }
0xb5: {  	_ =	strace $0x9000004B  }
0xb6: {  	_ =	sfence  }
0xb7: {  	s30 =	sld [smem:$0x0];
	_ =	sdelay $0x2  }
0xb8: {  	s31 =	sshll.u32 s1, $0xD;
	s1 =	sshrl.u32 s1, $0x2  }
0xb9: {  	s3 =	sand.u32 $0x4000, s31;
	s1 =	sadd.s32 s1, s30  }
0xba: {  	s0 =	sor.u32 s3, s0;
	s1 =	sshll.u32 s1, $0x11  }
0xbb: {  	s0 =	sor.u32 s1, s0  }
0xbc: {  	s0 =	sadd.s32 $0x8F2B, s0  }
0xbd: {  	[sflag:s0] =	ssyncadd.remote.s32 $0x1  }
0xbe: {  	_ =	sfence.sel $0xFFFF  }
0xbf: {  	[dreg:$0x0] =	wrdreg $0xFFFFFFFF;
	(pc) =	sbr.abs _section_cstart, $3  }
0xc0: {  	[dreg:$0x1] =	wrdreg $0xFFFFFFFF  }
0xc1: {  	_ =	task.clear_ibuf [dreg:s6], $0x2FFFF;
	_ =	strace $0x9FFFFFFF  }
0xc2: {  	(tm) =	ssettm $0x7FFFFFFF  }
0xc3: {  	_ =	shalt  }
tec
execute0_lowered:
.L_overlay_start_1:
0x0: {  	(tag) =	ssettag $0x1  }
0x1: {  	s0 =	srdreg.scid  }
0x2: {  	s9 =	stileid.u32;
	s3 =	rddreg [dreg:$0x0]  }
0x3: {  	s2 =	rddreg [dreg:$0x1];
	s4 =	simm.s32 $0x0;
	s14 =	simm.s32 $0x80  }
0x4: {  	s15 =	simm.s32 $0x5000;
	s16 =	simm.s32 $0x7000;
	s18 =	simm.s32 $0x9000  }
0x5: {  	s20 =	simm.s32 $0xB000;
	s22 =	simm.s32 $0xD000;
	s29 =	simm.s32 $0x13000  }
0x6: {  	s30 =	simm.s32 $0x1;
	s31 =	simm.s32 $0x2;
	s13 =	simm.s32 $0x5  }
0x7: {  	s17 =	simm.s32 $0x6;
	s19 =	simm.s32 $0x7;
	s21 =	simm.s32 $0x8  }
0x8: {  	s23 =	simm.s32 $0x9;
	s28 =	simm.s32 $0xB;
	s10 =	simm.s32 $0x10  }
0x9: {  	s0 =	sand.u32 $0x1, s0;
	s5 =	smul.u32 $0xA000, s9;
	[smem:$0x7FF] =	sst s4  }
0xa: {  	s4 =	sadd.s32 $0x3600, s3;
	s25 =	sshll.u32 s9, $0x6;
	s1 =	sshll.u32 s0, $0x4  }
0xb: {  	s6 =	smul.u32 $0xA0000, s0;
	_ =	strace $0x8000004A;
	s0 =	ssub.s32 $0x2, s0  }
0xc: {  	s11 =	sor.u32 $0x1C11, s25;
	s25 =	simm.s32 $0xA;
	s1 =	sor.u32 s9, s1  }
0xd: {  	s7 =	sshrl.u32 s5, $0x3;
	s8 =	sshrl.u32 s0, $0x1;
	s9 =	simm.s32 $0xF  }
0xe: {  	[dreg:$0x4] =	wrdreg s11;
	s1 =	smul.u32 $0x500, s1;
	s6 =	sadd.s32 s5, s6  }
0xf: {  	s7 =	sadd.s32 s7, s3;
	s0 =	ssub.s32 s0, s8;
	s5 =	sadd.s32 s5, s2  }
0x10: {  	s8 =	simm.s32 $0xE;
	s6 =	sshrl.u32 s6, $0x3;
	s24 =	sadd.s32 $0x2B000, s7  }
0x11: {  	s0 =	smax.u32 s0, $0x1;
	s12 =	sshrl.u32 s5, $0x3;
	[dreg:$0x3] =	wrdreg s24  }
0x12: {  	s5 =	simm.s32 $0xC;
	s1 =	sadd.s32 s1, s3;
	[dreg:$0x8] =	wrdreg s0  }
0x13: {  	s3 =	sadd.s32 s6, s3;
	s6 =	simm.s32 $0x0;
	[dreg:$0x9] =	wrdreg s12  }
0x14: {  	s7 =	simm.s32 $0xD;
	s26 =	sadd.s32 $0x21000, s1;
	[dreg:$0xa] =	wrdreg s6  }
0x15: {  	s24 =	simm.s32 $0xF000;
	s1 =	sadd.s32 $0x17000, s1;
	[dreg:$0x5] =	wrdreg s26  }
0x16: {  	s0 =	simm.s32 $0x4;
	s3 =	sadd.s32 $0x3F000, s3;
	[dreg:$0x6] =	wrdreg s1  }
0x17: {  	[dreg:$0x7] =	wrdreg s3;
	s26 =	simm.s32 $0x11000;
	s1 =	simm.s32 $0x3  }
.LBB2_1:
0x18: {  	s3 =	simm.s32 $0x11;
	s6 =	rddreg [dreg:$0x3]  }
0x19: {  	[spmem:s12], [sflag:s11] =	dma.local [hbm:s6], $0x1400  }
0x1a: {  	_ =	swait.ge [sflag:s3], $0x1400  }
0x1b: {  	[sflag:s3] =	ssyncset.done $0x0  }
0x1c: {  	s6 =	simm.s32 $0x0;
	s12 =	rddreg [dreg:$0x5];
	[sflag:s3] =	ssyncadd.s32 $0xFFFFEC00  }
0x1d: {  	[tilespmem:s6], [sflag:$0x11] =	stream.linear.gather [hbm4b:s12+s6], $0x2800, $0x38;
	[tilespmem:$0x1F000] =	vst v63  }
0x1e: {  	_ =	swait.ge [sflag:s3], $0x2800  }
0x1f: {  	[sflag:s3] =	ssyncset.done $0x0  }
0x20: {  	s12 =	simm.s32 $0x2800;
	s11 =	rddreg [dreg:$0x6];
	[sflag:s3] =	ssyncadd.s32 $0xFFFFD800  }
0x21: {  	[tilespmem:s12], [sflag:$0x11] =	stream.linear.gather [hbm4b:s11+s6], $0x2800, $0x38;
	[tilespmem:$0x1F000] =	vst v63  }
0x22: {  	_ =	swait.ge [sflag:s3], $0x2800  }
0x23: {  	[sflag:s3] =	ssyncset.done $0x0  }
0x24: {  	[sflag:s3] =	ssyncadd.s32 $0xFFFFD800  }
0x25: {  	[bflag:$0x0] =	sbarrier.arrive $0xFFFF  }
0x26: {  	[tilespmem:s15], [sflag:$0x1] =	stream.indirect.gather [hbm4b:s4+s14], $0x40, s6, s14, $0xb8;
	[tilespmem:$0x1F000] =	vst v63  }
0x27: {  	_ = 	snop  }
0x28: {  	[tilespmem:s16], [sflag:$0x2] =	stream.indirect.gather [hbm4b:s4+s14], $0x40, s14, s14, $0xb8;
	[tilespmem:$0x1F000] =	vst v63  }
0x29: {  	s6 =	simm.s32 $0x100  }
0x2a: {  	[tilespmem:s18], [sflag:$0x3] =	stream.indirect.gather [hbm4b:s4+s14], $0x40, s6, s14, $0xb8;
	[tilespmem:$0x1F000] =	vst v63  }
0x2b: {  	s11 =	simm.s32 $0x180  }
0x2c: {  	[tilespmem:s20], [sflag:$0x4] =	stream.indirect.gather [hbm4b:s4+s14], $0x40, s11, s14, $0xb8;
	[tilespmem:$0x1F000] =	vst v63  }
0x2d: {  	s12 =	simm.s32 $0x200  }
0x2e: {  	[tilespmem:s22], [sflag:$0x5] =	stream.indirect.gather [hbm4b:s4+s14], $0x40, s12, s14, $0xb8;
	[tilespmem:$0x1F000] =	vst v63  }
0x2f: {  	s6 =	simm.s32 $0x280  }
0x30: {  	[tilespmem:s24], [sflag:$0x6] =	stream.indirect.gather [hbm4b:s4+s14], $0x40, s6, s14, $0xb8;
	[tilespmem:$0x1F000] =	vst v63  }
0x31: {  	s11 =	simm.s32 $0x300  }
0x32: {  	[tilespmem:s26], [sflag:$0x7] =	stream.indirect.gather [hbm4b:s4+s14], $0x40, s11, s14, $0xb8;
	[tilespmem:$0x1F000] =	vst v63  }
0x33: {  	s12 =	simm.s32 $0x380  }
0x34: {  	[tilespmem:s29], [sflag:$0x8] =	stream.indirect.gather [hbm4b:s4+s14], $0x40, s12, s14, $0xb8;
	[tilespmem:$0x1F000] =	vst v63  }
0x35: {  	_ =	swait.ge [sflag:s30], $0x2000  }
0x36: {  	[sflag:s30] =	ssyncset.done $0x0  }
0x37: {  	s3 =	simm.s32 $0x2800;
	[sflag:s30] =	ssyncadd.s32 $0xFFFFE000  }
0x38: {  	[spmem:s2] =	stream.indirect.scatter.add.f32 [tilespmem:s15], [sflag:$0x9], $0x40, s3, s14, $0xb8;
	[tilespmem:$0x1F000] =	vst v63  }
0x39: {  	_ =	swait.ge [sflag:s31], $0x2000  }
0x3a: {  	[sflag:s31] =	ssyncset.done $0x0  }
0x3b: {  	s11 =	simm.s32 $0x2880;
	[sflag:s31] =	ssyncadd.s32 $0xFFFFE000  }
0x3c: {  	[spmem:s2] =	stream.indirect.scatter.add.f32 [tilespmem:s16], [sflag:$0xA], $0x40, s11, s14, $0xb8;
	[tilespmem:$0x1F000] =	vst v63  }
0x3d: {  	_ =	swait.ge [sflag:s1], $0x2000  }
0x3e: {  	[sflag:s1] =	ssyncset.done $0x0  }
0x3f: {  	s12 =	simm.s32 $0x2900;
	[sflag:s1] =	ssyncadd.s32 $0xFFFFE000  }
0x40: {  	[spmem:s2] =	stream.indirect.scatter.add.f32 [tilespmem:s18], [sflag:$0xB], $0x40, s12, s14, $0xb8;
	[tilespmem:$0x1F000] =	vst v63  }
0x41: {  	_ =	swait.ge [sflag:s0], $0x2000  }
0x42: {  	[sflag:s0] =	ssyncset.done $0x0  }
0x43: {  	s3 =	simm.s32 $0x2980;
	[sflag:s0] =	ssyncadd.s32 $0xFFFFE000  }
0x44: {  	[spmem:s2] =	stream.indirect.scatter.add.f32 [tilespmem:s20], [sflag:$0xC], $0x40, s3, s14, $0xb8;
	[tilespmem:$0x1F000] =	vst v63  }
0x45: {  	_ =	swait.ge [sflag:s13], $0x2000  }
0x46: {  	[sflag:s13] =	ssyncset.done $0x0  }
0x47: {  	s11 =	simm.s32 $0x2A00;
	[sflag:s13] =	ssyncadd.s32 $0xFFFFE000  }
0x48: {  	[spmem:s2] =	stream.indirect.scatter.add.f32 [tilespmem:s22], [sflag:$0xD], $0x40, s11, s14, $0xb8;
	[tilespmem:$0x1F000] =	vst v63  }
0x49: {  	_ =	swait.ge [sflag:s17], $0x2000  }
0x4a: {  	[sflag:s17] =	ssyncset.done $0x0  }
0x4b: {  	s12 =	simm.s32 $0x2A80;
	[sflag:s17] =	ssyncadd.s32 $0xFFFFE000  }
0x4c: {  	[spmem:s2] =	stream.indirect.scatter.add.f32 [tilespmem:s24], [sflag:$0xE], $0x40, s12, s14, $0xb8;
	[tilespmem:$0x1F000] =	vst v63  }
0x4d: {  	_ =	swait.ge [sflag:s19], $0x2000  }
0x4e: {  	[sflag:s19] =	ssyncset.done $0x0  }
0x4f: {  	s3 =	simm.s32 $0x2B00;
	[sflag:s19] =	ssyncadd.s32 $0xFFFFE000  }
0x50: {  	[spmem:s2] =	stream.indirect.scatter.add.f32 [tilespmem:s26], [sflag:$0xF], $0x40, s3, s14, $0xb8;
	[tilespmem:$0x1F000] =	vst v63  }
0x51: {  	_ =	swait.ge [sflag:s21], $0x2000  }
0x52: {  	[sflag:s21] =	ssyncset.done $0x0  }
0x53: {  	s11 =	simm.s32 $0x2B80;
	[sflag:s21] =	ssyncadd.s32 $0xFFFFE000  }
0x54: {  	[spmem:s2] =	stream.indirect.scatter.add.f32 [tilespmem:s29], [sflag:$0x10], $0x40, s11, s14, $0xb8;
	[tilespmem:$0x1F000] =	vst v63  }
0x55: {  	_ =	swait.ge [sflag:s23], $0x2000  }
0x56: {  	[sflag:s23] =	ssyncset.done $0x0  }
0x57: {  	s12 =	simm.s32 $0x400;
	[sflag:s23] =	ssyncadd.s32 $0xFFFFE000  }
0x58: {  	[tilespmem:s15], [sflag:$0x1] =	stream.indirect.gather [hbm4b:s4+s14], $0x40, s12, s14, $0xb8;
	[tilespmem:$0x1F000] =	vst v63  }
0x59: {  	_ =	swait.ge [sflag:s25], $0x2000  }
0x5a: {  	[sflag:s25] =	ssyncset.done $0x0  }
0x5b: {  	s3 =	simm.s32 $0x480;
	[sflag:s25] =	ssyncadd.s32 $0xFFFFE000  }
0x5c: {  	[tilespmem:s16], [sflag:$0x2] =	stream.indirect.gather [hbm4b:s4+s14], $0x40, s3, s14, $0xb8;
	[tilespmem:$0x1F000] =	vst v63  }
0x5d: {  	_ =	swait.ge [sflag:s28], $0x2000  }
0x5e: {  	[sflag:s28] =	ssyncset.done $0x0  }
0x5f: {  	s11 =	simm.s32 $0x500;
	[sflag:s28] =	ssyncadd.s32 $0xFFFFE000  }
0x60: {  	[tilespmem:s18], [sflag:$0x3] =	stream.indirect.gather [hbm4b:s4+s14], $0x40, s11, s14, $0xb8;
	[tilespmem:$0x1F000] =	vst v63  }
0x61: {  	_ =	swait.ge [sflag:s5], $0x2000  }
0x62: {  	[sflag:s5] =	ssyncset.done $0x0  }
0x63: {  	s12 =	simm.s32 $0x580;
	[sflag:s5] =	ssyncadd.s32 $0xFFFFE000  }
0x64: {  	[tilespmem:s20], [sflag:$0x4] =	stream.indirect.gather [hbm4b:s4+s14], $0x40, s12, s14, $0xb8;
	[tilespmem:$0x1F000] =	vst v63  }
0x65: {  	_ =	swait.ge [sflag:s7], $0x2000  }
0x66: {  	[sflag:s7] =	ssyncset.done $0x0  }
0x67: {  	s3 =	simm.s32 $0x600;
	[sflag:s7] =	ssyncadd.s32 $0xFFFFE000  }
0x68: {  	[tilespmem:s22], [sflag:$0x5] =	stream.indirect.gather [hbm4b:s4+s14], $0x40, s3, s14, $0xb8;
	[tilespmem:$0x1F000] =	vst v63  }
0x69: {  	_ =	swait.ge [sflag:s8], $0x2000  }
0x6a: {  	[sflag:s8] =	ssyncset.done $0x0  }
0x6b: {  	s11 =	simm.s32 $0x680;
	[sflag:s8] =	ssyncadd.s32 $0xFFFFE000  }
0x6c: {  	[tilespmem:s24], [sflag:$0x6] =	stream.indirect.gather [hbm4b:s4+s14], $0x40, s11, s14, $0xb8;
	[tilespmem:$0x1F000] =	vst v63  }
0x6d: {  	_ =	swait.ge [sflag:s9], $0x2000  }
0x6e: {  	[sflag:s9] =	ssyncset.done $0x0  }
0x6f: {  	s12 =	simm.s32 $0x700;
	[sflag:s9] =	ssyncadd.s32 $0xFFFFE000  }
0x70: {  	[tilespmem:s26], [sflag:$0x7] =	stream.indirect.gather [hbm4b:s4+s14], $0x40, s12, s14, $0xb8;
	[tilespmem:$0x1F000] =	vst v63  }
0x71: {  	_ =	swait.ge [sflag:s10], $0x2000  }
0x72: {  	[sflag:s10] =	ssyncset.done $0x0  }
0x73: {  	s6 =	simm.s32 $0x1000;
	s11 =	simm.s32 $0x780;
	[sflag:s10] =	ssyncadd.s32 $0xFFFFE000  }
.LBB2_2:
0x74: {  	[tilespmem:s29], [sflag:$0x8] =	stream.indirect.gather [hbm4b:s4+s14], $0x40, s11, s14, $0xb8;
	[tilespmem:$0x1F000] =	vst v63  }
0x75: {  	s11 =	smov.u32 s6  }
0x76: {  	p0 =	sne.s32 s6, $0x8000;
	s6 =	sadd.s32 $0x1000, s6;
	_ =	swait.ge [sflag:s30], $0x2000  }
0x77: {  	s11 =	sshra.s32 s11, $0x2;
	[sflag:s30] =	ssyncset.done $0x0  }
0x78: {  	s12 =	sadd.s32 $0x2800, s11;
	[sflag:s30] =	ssyncadd.s32 $0xFFFFE000  }
0x79: {  	[spmem:s2] =	stream.indirect.scatter.add.f32 [tilespmem:s15], [sflag:$0x9], $0x40, s12, s14, $0xb8;
	[tilespmem:$0x1F000] =	vst v63  }
0x7a: {  	_ =	swait.ge [sflag:s31], $0x2000  }
0x7b: {  	[sflag:s31] =	ssyncset.done $0x0  }
0x7c: {  	s12 =	sadd.s32 $0x2880, s11;
	[sflag:s31] =	ssyncadd.s32 $0xFFFFE000  }
0x7d: {  	[spmem:s2] =	stream.indirect.scatter.add.f32 [tilespmem:s16], [sflag:$0xA], $0x40, s12, s14, $0xb8;
	[tilespmem:$0x1F000] =	vst v63  }
0x7e: {  	_ =	swait.ge [sflag:s1], $0x2000  }
0x7f: {  	[sflag:s1] =	ssyncset.done $0x0  }
0x80: {  	s12 =	sadd.s32 $0x2900, s11;
	[sflag:s1] =	ssyncadd.s32 $0xFFFFE000  }
0x81: {  	[spmem:s2] =	stream.indirect.scatter.add.f32 [tilespmem:s18], [sflag:$0xB], $0x40, s12, s14, $0xb8;
	[tilespmem:$0x1F000] =	vst v63  }
0x82: {  	_ =	swait.ge [sflag:s0], $0x2000  }
0x83: {  	[sflag:s0] =	ssyncset.done $0x0  }
0x84: {  	s12 =	sadd.s32 $0x2980, s11;
	[sflag:s0] =	ssyncadd.s32 $0xFFFFE000  }
0x85: {  	[spmem:s2] =	stream.indirect.scatter.add.f32 [tilespmem:s20], [sflag:$0xC], $0x40, s12, s14, $0xb8;
	[tilespmem:$0x1F000] =	vst v63  }
0x86: {  	_ =	swait.ge [sflag:s13], $0x2000  }
0x87: {  	[sflag:s13] =	ssyncset.done $0x0  }
0x88: {  	s12 =	sadd.s32 $0x2A00, s11;
	[sflag:s13] =	ssyncadd.s32 $0xFFFFE000  }
0x89: {  	[spmem:s2] =	stream.indirect.scatter.add.f32 [tilespmem:s22], [sflag:$0xD], $0x40, s12, s14, $0xb8;
	[tilespmem:$0x1F000] =	vst v63  }
0x8a: {  	_ =	swait.ge [sflag:s17], $0x2000  }
0x8b: {  	[sflag:s17] =	ssyncset.done $0x0  }
0x8c: {  	s12 =	sadd.s32 $0x2A80, s11;
	[sflag:s17] =	ssyncadd.s32 $0xFFFFE000  }
0x8d: {  	[spmem:s2] =	stream.indirect.scatter.add.f32 [tilespmem:s24], [sflag:$0xE], $0x40, s12, s14, $0xb8;
	[tilespmem:$0x1F000] =	vst v63  }
0x8e: {  	_ =	swait.ge [sflag:s19], $0x2000  }
0x8f: {  	[sflag:s19] =	ssyncset.done $0x0  }
0x90: {  	s12 =	sadd.s32 $0x2B00, s11;
	[sflag:s19] =	ssyncadd.s32 $0xFFFFE000  }
0x91: {  	[spmem:s2] =	stream.indirect.scatter.add.f32 [tilespmem:s26], [sflag:$0xF], $0x40, s12, s14, $0xb8;
	[tilespmem:$0x1F000] =	vst v63  }
0x92: {  	_ =	swait.ge [sflag:s21], $0x2000  }
0x93: {  	[sflag:s21] =	ssyncset.done $0x0  }
0x94: {  	s12 =	sadd.s32 $0x2B80, s11;
	[sflag:s21] =	ssyncadd.s32 $0xFFFFE000  }
0x95: {  	[spmem:s2] =	stream.indirect.scatter.add.f32 [tilespmem:s29], [sflag:$0x10], $0x40, s12, s14, $0xb8;
	[tilespmem:$0x1F000] =	vst v63  }
0x96: {  	_ =	swait.ge [sflag:s23], $0x2000  }
0x97: {  	[sflag:s23] =	ssyncset.done $0x0  }
0x98: {  	s12 =	sadd.s32 $0x400, s11;
	[sflag:s23] =	ssyncadd.s32 $0xFFFFE000  }
0x99: {  	[tilespmem:s15], [sflag:$0x1] =	stream.indirect.gather [hbm4b:s4+s14], $0x40, s12, s14, $0xb8;
	[tilespmem:$0x1F000] =	vst v63  }
0x9a: {  	_ =	swait.ge [sflag:s25], $0x2000  }
0x9b: {  	[sflag:s25] =	ssyncset.done $0x0  }
0x9c: {  	s12 =	sadd.s32 $0x480, s11;
	[sflag:s25] =	ssyncadd.s32 $0xFFFFE000  }
0x9d: {  	[tilespmem:s16], [sflag:$0x2] =	stream.indirect.gather [hbm4b:s4+s14], $0x40, s12, s14, $0xb8;
	[tilespmem:$0x1F000] =	vst v63  }
0x9e: {  	_ =	swait.ge [sflag:s28], $0x2000  }
0x9f: {  	[sflag:s28] =	ssyncset.done $0x0  }
0xa0: {  	s12 =	sadd.s32 $0x500, s11;
	[sflag:s28] =	ssyncadd.s32 $0xFFFFE000  }
0xa1: {  	[tilespmem:s18], [sflag:$0x3] =	stream.indirect.gather [hbm4b:s4+s14], $0x40, s12, s14, $0xb8;
	[tilespmem:$0x1F000] =	vst v63  }
0xa2: {  	_ =	swait.ge [sflag:s5], $0x2000  }
0xa3: {  	[sflag:s5] =	ssyncset.done $0x0  }
0xa4: {  	s12 =	sadd.s32 $0x580, s11;
	[sflag:s5] =	ssyncadd.s32 $0xFFFFE000  }
0xa5: {  	[tilespmem:s20], [sflag:$0x4] =	stream.indirect.gather [hbm4b:s4+s14], $0x40, s12, s14, $0xb8;
	[tilespmem:$0x1F000] =	vst v63  }
0xa6: {  	_ =	swait.ge [sflag:s7], $0x2000  }
0xa7: {  	[sflag:s7] =	ssyncset.done $0x0  }
0xa8: {  	s12 =	sadd.s32 $0x600, s11;
	[sflag:s7] =	ssyncadd.s32 $0xFFFFE000  }
0xa9: {  	[tilespmem:s22], [sflag:$0x5] =	stream.indirect.gather [hbm4b:s4+s14], $0x40, s12, s14, $0xb8;
	[tilespmem:$0x1F000] =	vst v63  }
0xaa: {  	_ =	swait.ge [sflag:s8], $0x2000  }
0xab: {  	[sflag:s8] =	ssyncset.done $0x0  }
0xac: {  	s12 =	sadd.s32 $0x680, s11;
	[sflag:s8] =	ssyncadd.s32 $0xFFFFE000  }
0xad: {  	[tilespmem:s24], [sflag:$0x6] =	stream.indirect.gather [hbm4b:s4+s14], $0x40, s12, s14, $0xb8;
	[tilespmem:$0x1F000] =	vst v63  }
0xae: {  	_ =	swait.ge [sflag:s9], $0x2000  }
0xaf: {  	[sflag:s9] =	ssyncset.done $0x0  }
.Ltmp0:
0xb0: {  	s12 =	sadd.s32 $0x700, s11;
	[sflag:s9] =	ssyncadd.s32 $0xFFFFE000;
	(pc) =	sbr.rel @p0 .LBB2_2-.Ltmp0, $4  }
0xb1: {  	[tilespmem:s26], [sflag:$0x7] =	stream.indirect.gather [hbm4b:s4+s14], $0x40, s12, s14, $0xb8;
	[tilespmem:$0x1F000] =	vst v63  }
0xb2: {  	_ =	swait.ge [sflag:s10], $0x2000  }
0xb3: {  	[sflag:s10] =	ssyncset.done $0x0  }
0xb4: {  	s11 =	sadd.s32 $0x780, s11;
	[sflag:s10] =	ssyncadd.s32 $0xFFFFE000  }
0xb5: {  	[tilespmem:s29], [sflag:$0x8] =	stream.indirect.gather [hbm4b:s4+s14], $0x40, s11, s14, $0xb8;
	[tilespmem:$0x1F000] =	vst v63  }
0xb6: {  	_ =	swait.ge [sflag:s30], $0x2000  }
0xb7: {  	[sflag:s30] =	ssyncset.done $0x0  }
0xb8: {  	s3 =	simm.s32 $0x4C00;
	[sflag:s30] =	ssyncadd.s32 $0xFFFFE000  }
0xb9: {  	[spmem:s2] =	stream.indirect.scatter.add.f32 [tilespmem:s15], [sflag:$0x9], $0x40, s3, s14, $0xb8;
	[tilespmem:$0x1F000] =	vst v63  }
0xba: {  	_ =	swait.ge [sflag:s31], $0x2000  }
0xbb: {  	[sflag:s31] =	ssyncset.done $0x0  }
0xbc: {  	s12 =	simm.s32 $0x4C80;
	[sflag:s31] =	ssyncadd.s32 $0xFFFFE000  }
0xbd: {  	[spmem:s2] =	stream.indirect.scatter.add.f32 [tilespmem:s16], [sflag:$0xA], $0x40, s12, s14, $0xb8;
	[tilespmem:$0x1F000] =	vst v63  }
0xbe: {  	_ =	swait.ge [sflag:s1], $0x2000  }
0xbf: {  	[sflag:s1] =	ssyncset.done $0x0  }
0xc0: {  	s6 =	simm.s32 $0x4D00;
	[sflag:s1] =	ssyncadd.s32 $0xFFFFE000  }
0xc1: {  	[spmem:s2] =	stream.indirect.scatter.add.f32 [tilespmem:s18], [sflag:$0xB], $0x40, s6, s14, $0xb8;
	[tilespmem:$0x1F000] =	vst v63  }
0xc2: {  	_ =	swait.ge [sflag:s0], $0x2000  }
0xc3: {  	[sflag:s0] =	ssyncset.done $0x0  }
0xc4: {  	s11 =	simm.s32 $0x4D80;
	[sflag:s0] =	ssyncadd.s32 $0xFFFFE000  }
0xc5: {  	[spmem:s2] =	stream.indirect.scatter.add.f32 [tilespmem:s20], [sflag:$0xC], $0x40, s11, s14, $0xb8;
	[tilespmem:$0x1F000] =	vst v63  }
0xc6: {  	_ =	swait.ge [sflag:s13], $0x2000  }
0xc7: {  	[sflag:s13] =	ssyncset.done $0x0  }
0xc8: {  	s12 =	simm.s32 $0x4E00;
	[sflag:s13] =	ssyncadd.s32 $0xFFFFE000  }
0xc9: {  	[spmem:s2] =	stream.indirect.scatter.add.f32 [tilespmem:s22], [sflag:$0xD], $0x40, s12, s14, $0xb8;
	[tilespmem:$0x1F000] =	vst v63  }
0xca: {  	_ =	swait.ge [sflag:s17], $0x2000  }
0xcb: {  	[sflag:s17] =	ssyncset.done $0x0  }
0xcc: {  	s6 =	simm.s32 $0x4E80;
	[sflag:s17] =	ssyncadd.s32 $0xFFFFE000  }
0xcd: {  	[spmem:s2] =	stream.indirect.scatter.add.f32 [tilespmem:s24], [sflag:$0xE], $0x40, s6, s14, $0xb8;
	[tilespmem:$0x1F000] =	vst v63  }
0xce: {  	_ =	swait.ge [sflag:s19], $0x2000  }
0xcf: {  	[sflag:s19] =	ssyncset.done $0x0  }
0xd0: {  	s11 =	simm.s32 $0x4F00;
	[sflag:s19] =	ssyncadd.s32 $0xFFFFE000  }
0xd1: {  	[spmem:s2] =	stream.indirect.scatter.add.f32 [tilespmem:s26], [sflag:$0xF], $0x40, s11, s14, $0xb8;
	[tilespmem:$0x1F000] =	vst v63  }
0xd2: {  	_ =	swait.ge [sflag:s21], $0x2000  }
0xd3: {  	[sflag:s21] =	ssyncset.done $0x0  }
0xd4: {  	s12 =	simm.s32 $0x4F80;
	[sflag:s21] =	ssyncadd.s32 $0xFFFFE000  }
0xd5: {  	[spmem:s2] =	stream.indirect.scatter.add.f32 [tilespmem:s29], [sflag:$0x10], $0x40, s12, s14, $0xb8;
	[tilespmem:$0x1F000] =	vst v63  }
0xd6: {  	_ =	swait.ge [sflag:s23], $0x2000  }
0xd7: {  	[sflag:s23] =	ssyncset.done $0x0  }
0xd8: {  	[sflag:s23] =	ssyncadd.s32 $0xFFFFE000  }
0xd9: {  	_ =	swait.ge [sflag:s25], $0x2000  }
0xda: {  	[sflag:s25] =	ssyncset.done $0x0  }
0xdb: {  	[sflag:s25] =	ssyncadd.s32 $0xFFFFE000  }
0xdc: {  	_ =	swait.ge [sflag:s28], $0x2000  }
0xdd: {  	[sflag:s28] =	ssyncset.done $0x0  }
0xde: {  	[sflag:s28] =	ssyncadd.s32 $0xFFFFE000  }
0xdf: {  	_ =	swait.ge [sflag:s5], $0x2000  }
0xe0: {  	[sflag:s5] =	ssyncset.done $0x0  }
0xe1: {  	[sflag:s5] =	ssyncadd.s32 $0xFFFFE000  }
0xe2: {  	_ =	swait.ge [sflag:s7], $0x2000  }
0xe3: {  	[sflag:s7] =	ssyncset.done $0x0  }
0xe4: {  	[sflag:s7] =	ssyncadd.s32 $0xFFFFE000  }
0xe5: {  	_ =	swait.ge [sflag:s8], $0x2000  }
0xe6: {  	[sflag:s8] =	ssyncset.done $0x0  }
0xe7: {  	[sflag:s8] =	ssyncadd.s32 $0xFFFFE000  }
0xe8: {  	_ =	swait.ge [sflag:s9], $0x2000  }
0xe9: {  	[sflag:s9] =	ssyncset.done $0x0  }
0xea: {  	[sflag:s9] =	ssyncadd.s32 $0xFFFFE000  }
0xeb: {  	_ =	swait.ge [sflag:s10], $0x2000  }
0xec: {  	[sflag:s10] =	ssyncset.done $0x0  }
0xed: {  	[sflag:s10] =	ssyncadd.s32 $0xFFFFE000  }
0xee: {  	[bflag:$0x0] =	sbarrier.arrive $0xFFFF  }
0xef: {  	s11 =	rddreg [dreg:$0x4]  }
0xf0: {  	s6 =	rddreg [dreg:$0x7]  }
0xf1: {  	s12 =	rddreg [dreg:$0x9]  }
0xf2: {  	[hbm:s6], [sflag:s11] =	dma.local [spmem:s12], $0x1400  }
0xf3: {  	s6 =	simm.s32 $0x11  }
0xf4: {  	_ =	swait.ge [sflag:s6], $0x1400  }
0xf5: {  	s3 =	rddreg [dreg:$0xa]  }
0xf6: {  	[sflag:s6] =	ssyncset.done $0x0;
	s6 =	rddreg [dreg:$0x8];
	s3 =	sadd.s32 $0x1, s3  }
0xf7: {  	p0 =	sne.s32 s3, s6  }
.Ltmp1:
0xf8: {  	_ = 	snop;
	(pc) =	sbr.rel @p0 .LBB2_1-.Ltmp1, $3  }
0xf9: {  	_ =	sdelay $0x1  }
0xfa: {  	s6 =	simm.s32 $0x11  }
0xfb: {  	[dreg:$0xa] =	wrdreg s3;
	[sflag:s6] =	ssyncadd.s32 $0xFFFFEC00  }
0xfc: {  	_ =	sfence.sel $0x180000  }
0xfd: {  	[bflag:$0x0] =	sbarrier.arrive $0xFFFF  }
0xfe: {  	_ =	strace $0x9000004A  }
0xff: {  	s0 =	stileid.u32;
	[bflag:$0x2] =	sbarrier.arrive $0xFFFF  }
0x100: {  	p0 =	sne.s32 s0, $0x0;
	s0 =	rddreg [dreg:$0x2]  }
0x101: {  	s0 =	sadd.s32 @!p0 $0x100000, s0  }
0x102: {  	[sflag:s0] =	ssyncadd.tile.s32 @!p0 $0x1;
	_ =	shalt  }
.Lfunc_end2:
_tile_overlayer_lowered:
.L_overlay_start_2:
0x103: {  	(tag) =	ssettag $0x2  }
0x104: {  	s0 =	rddreg [dreg:$0x0];
	s2 =	stileid.u32  }
0x105: {  	s1 =	rddreg [dreg:$0x1];
	p0 =	sne.s32 s2, $0x0  }
0x106: {  	s3 =	rddreg [dreg:$0x2];
	[bflag:$0x3] =	sbarrier.arrive $0xFFFF;
	s2 =	simm.s32 @!p0 $0x1C11  }
0x107: {  	[timem:s3], [sflag:s2] =	dma.local @!p0 [hbm:s0], s1  }
0x108: {  	s0 =	simm.s32 @!p0 $0x11  }
0x109: {  	_ =	swait.ge @!p0 [sflag:s0], s1  }
0x10a: {  	s1 =	ssub.s32 @!p0 $0x0, s1;
	[sflag:s0] =	ssyncset.done @!p0 $0x0  }
0x10b: {  	[sflag:s0] =	ssyncadd.s32 @!p0 s1  }
0x10c: {  	[bflag:$0x3] =	sbarrier.arrive $0xFFFF  }
0x10d: {  	_ =	shalt  }

// kernel: kernel.15.cloned.1.call-start
scs
__scs_entry_jumppad:
0x0: {  	(pc) =	sbr.rel $0x88, $3  }
0x1: {  	(tag) =	ssettag $0x0;
	lr =	simm.s32 $0x1  }
0x2: {  	[smem:$0x3F8E] =	sst lr;
	_ =	strace $0xD0000000  }
0x3: {  	_ = 	snop  }
0x4: {  	_ = 	snop  }
0x5: {  	_ = 	snop  }
0x6: {  	_ = 	snop  }
0x7: {  	_ = 	snop  }
__scs_overlays_trampoline_lowered:
0x8: {  	[smem:$0x3F9D] =	sst s0  }
0x9: {  	[smem:$0x3F9E] =	sst s1  }
0xa: {  	[smem:$0x3F9F] =	sst s2  }
0xb: {  	[smem:$0x3FA0] =	sst s3  }
0xc: {  	[smem:$0x3FA1] =	sst s4  }
0xd: {  	[smem:$0x3FA2] =	sst s5  }
0xe: {  	[smem:$0x3FA3] =	sst s6  }
0xf: {  	[smem:$0x3FA4] =	sst s7  }
0x10: {  	[smem:$0x3FA5] =	sst s8  }
0x11: {  	[smem:$0x3FA6] =	sst s9;
	s0 =	simm.s32 @!p0 $0x0  }
0x12: {  	s1 =	sld [smem:$0x3F8C];
	s0 =	simm.s32 @p0 $0x1  }
0x13: {  	[smem:$0x3FA7] =	sst s0;
	s0 =	simm.s32 @!p1 $0x0  }
0x14: {  	s2 =	sld [smem:$0x3F8B];
	s0 =	simm.s32 @p1 $0x1  }
0x15: {  	[smem:$0x3FA8] =	sst s0;
	s0 =	simm.s32 @!p2 $0x0  }
0x16: {  	s3 =	sld [smem:$0x3FDB];
	s0 =	simm.s32 @p2 $0x1  }
0x17: {  	s4 =	simm.s32 $0x1BF5;
	[smem:$0x3FAA] =	sst s0  }
0x18: {  	s0 =	sld [smem:$0x3F8D];
	_ =	swait.ge [sflag:s4], $0x0  }
0x19: {  	s7 =	sld [smem:$0x3F8E]  }
0x1a: {  	s8 =	sadd.s32 $0xFFFFE003, lr  }
0x1b: {  	s9 =	sadd.s32 $0xFFFFFEF7, lr;
	s5 =	simm.s32 $0xFFFFFFFF;
	p2 =	slt.u32 s8, $0xFFFFF086  }
0x1c: {  	p1 =	slt.u32 s9, $0xF7A;
	s5 =	simm.s32 @!p2 $0x0  }
0x1d: {  	s5 =	simm.s32 @p1 $0x1;
	p0 =	seq.s32 s7, s2  }
0x1e: {  	s7 =	smul.u32 @!p0 $0xF7A, s2;
	p2 =	seq.s32 @!p0 s5, $0x0  }
0x1f: {  	s9 =	smul.u32 $0xF7A, s1;
	s8 =	simm.s32 @!p0 $0x1BF5;
	p2 =	por !p2, p0  }
0x20: {  	[sflag:s8] =	ssyncset.s32 @!p0 $0xFFFFF086;
	s6 =	sadd.s32 @!p0 s3, s7;
	s7 =	simm.s32 @!p0 $0x108  }
0x21: {  	s3 =	sadd.s32 s3, s9;
	s6 =	sadd.s32 @!p0 $0x88, s6;
	s7 =	simm.s32 @p2 $0x1082  }
0x22: {  	[simem:s7], [sflag:s8] =	dma.local @!p0 [hbm:s6], $0xF7A  }
0x23: {  	s9 =	sor.u32 $0xD0000000, s2;
	s6 =	simm.s32 $0x108;
	_ =	swait.ge @!p0 [sflag:s8], $0x0  }
0x24: {  	s3 =	sadd.s32 $0x88, s3;
	s6 =	simm.s32 @!p1 $0x1082;
	[sflag:s4] =	ssyncset.s32 $0xFFFFF086  }
0x25: {  	[simem:s6], [sflag:s4] =	dma.local [hbm:s3], $0xF7A  }
0x26: {  	[smem:$0x3F8E] =	sst s1;
	(tag) =	ssettag s2;
	_ =	strace s9  }
0x27: {  	s1 =	sld [smem:$0x3F9E]  }
0x28: {  	s2 =	sld [smem:$0x3F9F]  }
0x29: {  	s4 =	sld [smem:$0x3FA1]  }
0x2a: {  	p0 =	seq.s32 s5, $0x0;
	s5 =	sld [smem:$0x3FA2]  }
0x2b: {  	s6 =	sld [smem:$0x3FA3]  }
0x2c: {  	s7 =	sld [smem:$0x3FA4]  }
0x2d: {  	s3 =	simm.s32 $0x108;
	s8 =	sld [smem:$0x3FA5]  }
0x2e: {  	s3 =	simm.s32 @!p0 $0x1082;
	s9 =	sld [smem:$0x3FA6]  }
0x2f: {  	lr =	sadd.s32 s0, s3;
	s0 =	sld [smem:$0x3F9D]  }
0x30: {  	s3 =	sld [smem:$0x3FA0]  }
0x31: {  	[smem:$0x3FA9] =	sst s10  }
0x32: {  	s10 =	sld [smem:$0x3FA7];
	_ =	sdelay $0x3  }
0x33: {  	p0 =	seq.s32 s10, $0x1;
	s10 =	sld [smem:$0x3FA9];
	_ =	sdelay $0x3  }
0x34: {  	[smem:$0x3FA9] =	sst s10  }
0x35: {  	s10 =	sld [smem:$0x3FA8];
	_ =	sdelay $0x3  }
0x36: {  	p1 =	seq.s32 s10, $0x1;
	s10 =	sld [smem:$0x3FA9];
	_ =	sdelay $0x3  }
0x37: {  	[smem:$0x3FA9] =	sst s10  }
0x38: {  	s10 =	sld [smem:$0x3FAA]  }
0x39: {  	_ = 	snop;
	(pc) =	sbr.ind lr, $3  }
0x3a: {  	_ = 	snop  }
0x3b: {  	_ = 	snop  }
0x3c: {  	p2 =	seq.s32 s10, $0x1;
	s10 =	sld [smem:$0x3FA9]  }
0x3d: {  	_ =	shalt  }
0x3e: {  	_ =	shalt  }
0x3f: {  	_ =	shalt  }
0x40: {  	_ =	shalt  }
0x41: {  	_ =	shalt  }
0x42: {  	_ =	shalt  }
0x43: {  	_ =	shalt  }
0x44: {  	_ =	shalt  }
0x45: {  	_ =	shalt  }
0x46: {  	_ =	shalt  }
0x47: {  	_ =	shalt  }
0x48: {  	_ =	shalt  }
0x49: {  	_ =	shalt  }
0x4a: {  	_ =	shalt  }
0x4b: {  	_ =	shalt  }
0x4c: {  	_ =	shalt  }
0x4d: {  	_ =	shalt  }
0x4e: {  	_ =	shalt  }
0x4f: {  	_ =	shalt  }
0x50: {  	_ =	shalt  }
0x51: {  	_ =	shalt  }
0x52: {  	_ =	shalt  }
0x53: {  	_ =	shalt  }
0x54: {  	_ =	shalt  }
0x55: {  	_ =	shalt  }
0x56: {  	_ =	shalt  }
0x57: {  	_ =	shalt  }
0x58: {  	_ =	shalt  }
0x59: {  	_ =	shalt  }
0x5a: {  	_ =	shalt  }
0x5b: {  	_ =	shalt  }
0x5c: {  	_ =	shalt  }
0x5d: {  	_ =	shalt  }
0x5e: {  	_ =	shalt  }
0x5f: {  	_ =	shalt  }
0x60: {  	_ =	shalt  }
0x61: {  	_ =	shalt  }
0x62: {  	_ =	shalt  }
0x63: {  	_ =	shalt  }
0x64: {  	_ =	shalt  }
0x65: {  	_ =	shalt  }
0x66: {  	_ =	shalt  }
0x67: {  	_ =	shalt  }
0x68: {  	_ =	shalt  }
0x69: {  	_ =	shalt  }
0x6a: {  	_ =	shalt  }
0x6b: {  	_ =	shalt  }
0x6c: {  	_ =	shalt  }
0x6d: {  	_ =	shalt  }
0x6e: {  	_ =	shalt  }
0x6f: {  	_ =	shalt  }
0x70: {  	_ =	shalt  }
0x71: {  	_ =	shalt  }
0x72: {  	_ =	shalt  }
0x73: {  	_ =	shalt  }
0x74: {  	_ =	shalt  }
0x75: {  	_ =	shalt  }
0x76: {  	_ =	shalt  }
0x77: {  	_ =	shalt  }
0x78: {  	_ =	shalt  }
0x79: {  	_ =	shalt  }
0x7a: {  	_ =	shalt  }
0x7b: {  	_ =	shalt  }
0x7c: {  	_ =	shalt  }
0x7d: {  	_ =	shalt  }
0x7e: {  	_ =	shalt  }
0x7f: {  	_ =	shalt  }
0x80: {  	_ =	shalt  }
0x81: {  	_ =	shalt  }
0x82: {  	_ =	shalt  }
0x83: {  	_ =	shalt  }
0x84: {  	_ =	shalt  }
0x85: {  	_ =	shalt  }
0x86: {  	_ =	shalt  }
0x87: {  	_ =	shalt  }
.Lfunc_end0:
.L_simem_size_0:
called_computation.2_lowered:
.L_overlay_start_0:
0x88: {  	s2 =	sld [smem:$0x3FD9]  }
0x89: {  	s3 =	sld [smem:$0x3FFE];
	_ =	sdelay $0x1  }
0x8a: {  	s1 =	srdreg.scid  }
0x8b: {  	s0 =	sand.u32 $0x1, s1  }
0x8c: {  	s16 =	sshll.u32 s0, $0xA;
	s2 =	sadd.s32 s3, s2  }
0x8d: {  	s2 =	sadd.s32 s2, s16  }
0x8e: {  	[smem:$0x3FB5] =	sst s2  }
0x8f: {  	_ = 	snop  }
0x90: {  	(tm) =	ssettm $0x1  }
0x91: {  	s17 =	sld [smem:$0x3FFB];
	_ =	sdelay $0x3  }
0x92: {  	_ =	strace s17  }
0x93: {  	s2 =	sld [smem:$0x3FFC];
	_ =	sdelay $0x3  }
0x94: {  	_ =	strace s2  }
0x95: {  	s2 =	sld [smem:$0x3FFD];
	_ =	sdelay $0x3  }
0x96: {  	_ =	strace s2  }
0x97: {  	_ =	strace $0x8FFFFFFF  }
0x98: {  	s18 =	sld [smem:$0x3FDB];
	_ =	sdelay $0x1  }
0x99: {  	s19 =	simm.s32 $_scs_section_size  }
0x9a: {  	s4 =	simm.s32 $_size__tile_overlayer_lowered;
	s5 =	simm.s32 $_tile_overlayer_lowered  }
0x9b: {  	s22 =	simm.s32 $0x1BFF;
	s21 =	sshll.u32 s5, $0x1;
	s2 =	sadd.s32 s19, s18  }
0x9c: {  	s6 =	simm.s32 $0x0;
	s20 =	sshll.u32 s4, $0x1;
	s4 =	sadd.s32 s21, s2  }
0x9d: {  	[timem:s6], [sflag:s22] =	dma.local [hbm:s4], s20  }
0x9e: {  	_ =	swait.ge [sflag:s22], s20  }
0x9f: {  	s3 =	ssub.s32 $0x0, s20;
	[sflag:s22] =	ssyncset.done $0x0  }
0xa0: {  	[sflag:s22] =	ssyncadd.s32 s3;
	_ =	sdelay $0x1  }
0xa1: {  	s23 =	simm.s32 $0x1B8B  }
0xa2: {  	_ =	swait.ge [sflag:s23], $0x1  }
0xa3: {  	[sflag:s23] =	ssyncset.done $0x0  }
0xa4: {  	s25 =	simm.s32 $0x1B8E;
	s24 =	sld [smem:$0x3FFE];
	[sflag:s23] =	ssyncadd.s32 $0xFFFFFFFF  }
0xa5: {  	s26 =	simm.s32 $execute0_lowered;
	[smem:$0x3FD2] =	sst s25  }
0xa6: {  	s4 =	sshll.u32 s26, $0x1;
	_ =	strace $0x8000004C;
	[dreg:$0x1] =	wrdreg $0xFFFFFFFF  }
0xa7: {  	s28 =	simm.s32 $_size_execute0_lowered;
	s2 =	sadd.s32 s2, s4;
	[dreg:$0x0] =	wrdreg $0x0  }
0xa8: {  	s4 =	sshll.u32 s28, $0x1;
	[dreg:$0x2] =	wrdreg s2  }
0xa9: {  	[dreg:$0x3] =	wrdreg s4  }
0xaa: {  	[dreg:$0x4] =	wrdreg $0xC0  }
0xab: {  	_ =	task [dreg:s6], $0x5FFFF  }
0xac: {  	[dreg:$0x1] =	wrdreg $0xFFFFFFFF  }
0xad: {  	[dreg:$0x0] =	wrdreg $0x60  }
0xae: {  	[dreg:$0x2] =	wrdreg s24  }
0xaf: {  	[dreg:$0x3] =	wrdreg $0x150000  }
0xb0: {  	[dreg:$0x4] =	wrdreg $0x9  }
0xb1: {  	_ =	task.clear_ibuf [dreg:s6], $0x5FFFF;
	_ =	strace $0x9000004C  }
0xb2: {  	s29 =	simm.s32 $0x9;
	_ =	strace $0x8000004E  }
0xb3: {  	_ =	swait.ge [sflag:s29], $0x1  }
0xb4: {  	[sflag:s29] =	ssyncadd.s32 $0xFFFFFFFF  }
0xb5: {  	_ =	strace $0x9000004E  }
0xb6: {  	_ =	sfence  }
0xb7: {  	s30 =	sld [smem:$0x0];
	_ =	sdelay $0x2  }
0xb8: {  	s31 =	sshll.u32 s1, $0xD;
	s1 =	sshrl.u32 s1, $0x2  }
0xb9: {  	s3 =	sand.u32 $0x4000, s31;
	s1 =	sadd.s32 s1, s30  }
0xba: {  	s0 =	sor.u32 s3, s0;
	s1 =	sshll.u32 s1, $0x11  }
0xbb: {  	s0 =	sor.u32 s1, s0  }
0xbc: {  	s0 =	sadd.s32 $0x8F2B, s0  }
0xbd: {  	[sflag:s0] =	ssyncadd.remote.s32 $0x1  }
0xbe: {  	_ =	sfence.sel $0xFFFF  }
0xbf: {  	[dreg:$0x0] =	wrdreg $0xFFFFFFFF;
	(pc) =	sbr.abs _section_cstart, $3  }
0xc0: {  	[dreg:$0x1] =	wrdreg $0xFFFFFFFF  }
0xc1: {  	_ =	task.clear_ibuf [dreg:s6], $0x2FFFF;
	_ =	strace $0x9FFFFFFF  }
0xc2: {  	(tm) =	ssettm $0x7FFFFFFF  }
0xc3: {  	_ =	shalt  }
tec
execute0_lowered:
.L_overlay_start_1:
0x0: {  	(tag) =	ssettag $0x1  }
0x1: {  	s0 =	srdreg.scid  }
0x2: {  	s9 =	stileid.u32;
	s3 =	rddreg [dreg:$0x0]  }
0x3: {  	s2 =	rddreg [dreg:$0x1];
	s4 =	simm.s32 $0x0;
	s14 =	simm.s32 $0x80  }
0x4: {  	s15 =	simm.s32 $0x5000;
	s16 =	simm.s32 $0x7000;
	s18 =	simm.s32 $0x9000  }
0x5: {  	s20 =	simm.s32 $0xB000;
	s22 =	simm.s32 $0xD000;
	s29 =	simm.s32 $0x13000  }
0x6: {  	s30 =	simm.s32 $0x1;
	s31 =	simm.s32 $0x2;
	s13 =	simm.s32 $0x5  }
0x7: {  	s17 =	simm.s32 $0x6;
	s19 =	simm.s32 $0x7;
	s21 =	simm.s32 $0x8  }
0x8: {  	s23 =	simm.s32 $0x9;
	s28 =	simm.s32 $0xB;
	s10 =	simm.s32 $0x10  }
0x9: {  	s0 =	sand.u32 $0x1, s0;
	s5 =	smul.u32 $0xA000, s9;
	[smem:$0x7FF] =	sst s4  }
0xa: {  	s4 =	sadd.s32 $0x3600, s3;
	s25 =	sshll.u32 s9, $0x6;
	s1 =	sshll.u32 s0, $0x4  }
0xb: {  	s6 =	smul.u32 $0xA0000, s0;
	_ =	strace $0x8000004D;
	s0 =	ssub.s32 $0x2, s0  }
0xc: {  	s11 =	sor.u32 $0x1C11, s25;
	s25 =	simm.s32 $0xA;
	s1 =	sor.u32 s9, s1  }
0xd: {  	s7 =	sshrl.u32 s5, $0x3;
	s8 =	sshrl.u32 s0, $0x1;
	s9 =	simm.s32 $0xF  }
0xe: {  	[dreg:$0x4] =	wrdreg s11;
	s1 =	smul.u32 $0x500, s1;
	s6 =	sadd.s32 s5, s6  }
0xf: {  	s7 =	sadd.s32 s7, s3;
	s0 =	ssub.s32 s0, s8;
	s5 =	sadd.s32 s5, s2  }
0x10: {  	s8 =	simm.s32 $0xE;
	s6 =	sshrl.u32 s6, $0x3;
	s24 =	sadd.s32 $0x2B000, s7  }
0x11: {  	s0 =	smax.u32 s0, $0x1;
	s12 =	sshrl.u32 s5, $0x3;
	[dreg:$0x3] =	wrdreg s24  }
0x12: {  	s5 =	simm.s32 $0xC;
	s1 =	sadd.s32 s1, s3;
	[dreg:$0x8] =	wrdreg s0  }
0x13: {  	s3 =	sadd.s32 s6, s3;
	s6 =	simm.s32 $0x0;
	[dreg:$0x9] =	wrdreg s12  }
0x14: {  	s7 =	simm.s32 $0xD;
	s26 =	sadd.s32 $0x21000, s1;
	[dreg:$0xa] =	wrdreg s6  }
0x15: {  	s24 =	simm.s32 $0xF000;
	s1 =	sadd.s32 $0x17000, s1;
	[dreg:$0x5] =	wrdreg s26  }
0x16: {  	s0 =	simm.s32 $0x4;
	s3 =	sadd.s32 $0x3F000, s3;
	[dreg:$0x6] =	wrdreg s1  }
0x17: {  	[dreg:$0x7] =	wrdreg s3;
	s26 =	simm.s32 $0x11000;
	s1 =	simm.s32 $0x3  }
.LBB2_1:
0x18: {  	s3 =	simm.s32 $0x11;
	s6 =	rddreg [dreg:$0x3]  }
0x19: {  	[spmem:s12], [sflag:s11] =	dma.local [hbm:s6], $0x1400  }
0x1a: {  	_ =	swait.ge [sflag:s3], $0x1400  }
0x1b: {  	[sflag:s3] =	ssyncset.done $0x0  }
0x1c: {  	s6 =	simm.s32 $0x0;
	s12 =	rddreg [dreg:$0x5];
	[sflag:s3] =	ssyncadd.s32 $0xFFFFEC00  }
0x1d: {  	[tilespmem:s6], [sflag:$0x11] =	stream.linear.gather [hbm4b:s12+s6], $0x2800, $0x38;
	[tilespmem:$0x1F000] =	vst v63  }
0x1e: {  	_ =	swait.ge [sflag:s3], $0x2800  }
0x1f: {  	[sflag:s3] =	ssyncset.done $0x0  }
0x20: {  	s12 =	simm.s32 $0x2800;
	s11 =	rddreg [dreg:$0x6];
	[sflag:s3] =	ssyncadd.s32 $0xFFFFD800  }
0x21: {  	[tilespmem:s12], [sflag:$0x11] =	stream.linear.gather [hbm4b:s11+s6], $0x2800, $0x38;
	[tilespmem:$0x1F000] =	vst v63  }
0x22: {  	_ =	swait.ge [sflag:s3], $0x2800  }
0x23: {  	[sflag:s3] =	ssyncset.done $0x0  }
0x24: {  	[sflag:s3] =	ssyncadd.s32 $0xFFFFD800  }
0x25: {  	[bflag:$0x0] =	sbarrier.arrive $0xFFFF  }
0x26: {  	[tilespmem:s15], [sflag:$0x1] =	stream.indirect.gather [hbm4b:s4+s14], $0x40, s6, s14, $0xb8;
	[tilespmem:$0x1F000] =	vst v63  }
0x27: {  	_ = 	snop  }
0x28: {  	[tilespmem:s16], [sflag:$0x2] =	stream.indirect.gather [hbm4b:s4+s14], $0x40, s14, s14, $0xb8;
	[tilespmem:$0x1F000] =	vst v63  }
0x29: {  	s6 =	simm.s32 $0x100  }
0x2a: {  	[tilespmem:s18], [sflag:$0x3] =	stream.indirect.gather [hbm4b:s4+s14], $0x40, s6, s14, $0xb8;
	[tilespmem:$0x1F000] =	vst v63  }
0x2b: {  	s11 =	simm.s32 $0x180  }
0x2c: {  	[tilespmem:s20], [sflag:$0x4] =	stream.indirect.gather [hbm4b:s4+s14], $0x40, s11, s14, $0xb8;
	[tilespmem:$0x1F000] =	vst v63  }
0x2d: {  	s12 =	simm.s32 $0x200  }
0x2e: {  	[tilespmem:s22], [sflag:$0x5] =	stream.indirect.gather [hbm4b:s4+s14], $0x40, s12, s14, $0xb8;
	[tilespmem:$0x1F000] =	vst v63  }
0x2f: {  	s6 =	simm.s32 $0x280  }
0x30: {  	[tilespmem:s24], [sflag:$0x6] =	stream.indirect.gather [hbm4b:s4+s14], $0x40, s6, s14, $0xb8;
	[tilespmem:$0x1F000] =	vst v63  }
0x31: {  	s11 =	simm.s32 $0x300  }
0x32: {  	[tilespmem:s26], [sflag:$0x7] =	stream.indirect.gather [hbm4b:s4+s14], $0x40, s11, s14, $0xb8;
	[tilespmem:$0x1F000] =	vst v63  }
0x33: {  	s12 =	simm.s32 $0x380  }
0x34: {  	[tilespmem:s29], [sflag:$0x8] =	stream.indirect.gather [hbm4b:s4+s14], $0x40, s12, s14, $0xb8;
	[tilespmem:$0x1F000] =	vst v63  }
0x35: {  	_ =	swait.ge [sflag:s30], $0x2000  }
0x36: {  	[sflag:s30] =	ssyncset.done $0x0  }
0x37: {  	s3 =	simm.s32 $0x2800;
	[sflag:s30] =	ssyncadd.s32 $0xFFFFE000  }
0x38: {  	[spmem:s2] =	stream.indirect.scatter.add.f32 [tilespmem:s15], [sflag:$0x9], $0x40, s3, s14, $0xb8;
	[tilespmem:$0x1F000] =	vst v63  }
0x39: {  	_ =	swait.ge [sflag:s31], $0x2000  }
0x3a: {  	[sflag:s31] =	ssyncset.done $0x0  }
0x3b: {  	s11 =	simm.s32 $0x2880;
	[sflag:s31] =	ssyncadd.s32 $0xFFFFE000  }
0x3c: {  	[spmem:s2] =	stream.indirect.scatter.add.f32 [tilespmem:s16], [sflag:$0xA], $0x40, s11, s14, $0xb8;
	[tilespmem:$0x1F000] =	vst v63  }
0x3d: {  	_ =	swait.ge [sflag:s1], $0x2000  }
0x3e: {  	[sflag:s1] =	ssyncset.done $0x0  }
0x3f: {  	s12 =	simm.s32 $0x2900;
	[sflag:s1] =	ssyncadd.s32 $0xFFFFE000  }
0x40: {  	[spmem:s2] =	stream.indirect.scatter.add.f32 [tilespmem:s18], [sflag:$0xB], $0x40, s12, s14, $0xb8;
	[tilespmem:$0x1F000] =	vst v63  }
0x41: {  	_ =	swait.ge [sflag:s0], $0x2000  }
0x42: {  	[sflag:s0] =	ssyncset.done $0x0  }
0x43: {  	s3 =	simm.s32 $0x2980;
	[sflag:s0] =	ssyncadd.s32 $0xFFFFE000  }
0x44: {  	[spmem:s2] =	stream.indirect.scatter.add.f32 [tilespmem:s20], [sflag:$0xC], $0x40, s3, s14, $0xb8;
	[tilespmem:$0x1F000] =	vst v63  }
0x45: {  	_ =	swait.ge [sflag:s13], $0x2000  }
0x46: {  	[sflag:s13] =	ssyncset.done $0x0  }
0x47: {  	s11 =	simm.s32 $0x2A00;
	[sflag:s13] =	ssyncadd.s32 $0xFFFFE000  }
0x48: {  	[spmem:s2] =	stream.indirect.scatter.add.f32 [tilespmem:s22], [sflag:$0xD], $0x40, s11, s14, $0xb8;
	[tilespmem:$0x1F000] =	vst v63  }
0x49: {  	_ =	swait.ge [sflag:s17], $0x2000  }
0x4a: {  	[sflag:s17] =	ssyncset.done $0x0  }
0x4b: {  	s12 =	simm.s32 $0x2A80;
	[sflag:s17] =	ssyncadd.s32 $0xFFFFE000  }
0x4c: {  	[spmem:s2] =	stream.indirect.scatter.add.f32 [tilespmem:s24], [sflag:$0xE], $0x40, s12, s14, $0xb8;
	[tilespmem:$0x1F000] =	vst v63  }
0x4d: {  	_ =	swait.ge [sflag:s19], $0x2000  }
0x4e: {  	[sflag:s19] =	ssyncset.done $0x0  }
0x4f: {  	s3 =	simm.s32 $0x2B00;
	[sflag:s19] =	ssyncadd.s32 $0xFFFFE000  }
0x50: {  	[spmem:s2] =	stream.indirect.scatter.add.f32 [tilespmem:s26], [sflag:$0xF], $0x40, s3, s14, $0xb8;
	[tilespmem:$0x1F000] =	vst v63  }
0x51: {  	_ =	swait.ge [sflag:s21], $0x2000  }
0x52: {  	[sflag:s21] =	ssyncset.done $0x0  }
0x53: {  	s11 =	simm.s32 $0x2B80;
	[sflag:s21] =	ssyncadd.s32 $0xFFFFE000  }
0x54: {  	[spmem:s2] =	stream.indirect.scatter.add.f32 [tilespmem:s29], [sflag:$0x10], $0x40, s11, s14, $0xb8;
	[tilespmem:$0x1F000] =	vst v63  }
0x55: {  	_ =	swait.ge [sflag:s23], $0x2000  }
0x56: {  	[sflag:s23] =	ssyncset.done $0x0  }
0x57: {  	s12 =	simm.s32 $0x400;
	[sflag:s23] =	ssyncadd.s32 $0xFFFFE000  }
0x58: {  	[tilespmem:s15], [sflag:$0x1] =	stream.indirect.gather [hbm4b:s4+s14], $0x40, s12, s14, $0xb8;
	[tilespmem:$0x1F000] =	vst v63  }
0x59: {  	_ =	swait.ge [sflag:s25], $0x2000  }
0x5a: {  	[sflag:s25] =	ssyncset.done $0x0  }
0x5b: {  	s3 =	simm.s32 $0x480;
	[sflag:s25] =	ssyncadd.s32 $0xFFFFE000  }
0x5c: {  	[tilespmem:s16], [sflag:$0x2] =	stream.indirect.gather [hbm4b:s4+s14], $0x40, s3, s14, $0xb8;
	[tilespmem:$0x1F000] =	vst v63  }
0x5d: {  	_ =	swait.ge [sflag:s28], $0x2000  }
0x5e: {  	[sflag:s28] =	ssyncset.done $0x0  }
0x5f: {  	s11 =	simm.s32 $0x500;
	[sflag:s28] =	ssyncadd.s32 $0xFFFFE000  }
0x60: {  	[tilespmem:s18], [sflag:$0x3] =	stream.indirect.gather [hbm4b:s4+s14], $0x40, s11, s14, $0xb8;
	[tilespmem:$0x1F000] =	vst v63  }
0x61: {  	_ =	swait.ge [sflag:s5], $0x2000  }
0x62: {  	[sflag:s5] =	ssyncset.done $0x0  }
0x63: {  	s12 =	simm.s32 $0x580;
	[sflag:s5] =	ssyncadd.s32 $0xFFFFE000  }
0x64: {  	[tilespmem:s20], [sflag:$0x4] =	stream.indirect.gather [hbm4b:s4+s14], $0x40, s12, s14, $0xb8;
	[tilespmem:$0x1F000] =	vst v63  }
0x65: {  	_ =	swait.ge [sflag:s7], $0x2000  }
0x66: {  	[sflag:s7] =	ssyncset.done $0x0  }
0x67: {  	s3 =	simm.s32 $0x600;
	[sflag:s7] =	ssyncadd.s32 $0xFFFFE000  }
0x68: {  	[tilespmem:s22], [sflag:$0x5] =	stream.indirect.gather [hbm4b:s4+s14], $0x40, s3, s14, $0xb8;
	[tilespmem:$0x1F000] =	vst v63  }
0x69: {  	_ =	swait.ge [sflag:s8], $0x2000  }
0x6a: {  	[sflag:s8] =	ssyncset.done $0x0  }
0x6b: {  	s11 =	simm.s32 $0x680;
	[sflag:s8] =	ssyncadd.s32 $0xFFFFE000  }
0x6c: {  	[tilespmem:s24], [sflag:$0x6] =	stream.indirect.gather [hbm4b:s4+s14], $0x40, s11, s14, $0xb8;
	[tilespmem:$0x1F000] =	vst v63  }
0x6d: {  	_ =	swait.ge [sflag:s9], $0x2000  }
0x6e: {  	[sflag:s9] =	ssyncset.done $0x0  }
0x6f: {  	s12 =	simm.s32 $0x700;
	[sflag:s9] =	ssyncadd.s32 $0xFFFFE000  }
0x70: {  	[tilespmem:s26], [sflag:$0x7] =	stream.indirect.gather [hbm4b:s4+s14], $0x40, s12, s14, $0xb8;
	[tilespmem:$0x1F000] =	vst v63  }
0x71: {  	_ =	swait.ge [sflag:s10], $0x2000  }
0x72: {  	[sflag:s10] =	ssyncset.done $0x0  }
0x73: {  	s6 =	simm.s32 $0x1000;
	s11 =	simm.s32 $0x780;
	[sflag:s10] =	ssyncadd.s32 $0xFFFFE000  }
.LBB2_2:
0x74: {  	[tilespmem:s29], [sflag:$0x8] =	stream.indirect.gather [hbm4b:s4+s14], $0x40, s11, s14, $0xb8;
	[tilespmem:$0x1F000] =	vst v63  }
0x75: {  	s11 =	smov.u32 s6  }
0x76: {  	p0 =	sne.s32 s6, $0x8000;
	s6 =	sadd.s32 $0x1000, s6;
	_ =	swait.ge [sflag:s30], $0x2000  }
0x77: {  	s11 =	sshra.s32 s11, $0x2;
	[sflag:s30] =	ssyncset.done $0x0  }
0x78: {  	s12 =	sadd.s32 $0x2800, s11;
	[sflag:s30] =	ssyncadd.s32 $0xFFFFE000  }
0x79: {  	[spmem:s2] =	stream.indirect.scatter.add.f32 [tilespmem:s15], [sflag:$0x9], $0x40, s12, s14, $0xb8;
	[tilespmem:$0x1F000] =	vst v63  }
0x7a: {  	_ =	swait.ge [sflag:s31], $0x2000  }
0x7b: {  	[sflag:s31] =	ssyncset.done $0x0  }
0x7c: {  	s12 =	sadd.s32 $0x2880, s11;
	[sflag:s31] =	ssyncadd.s32 $0xFFFFE000  }
0x7d: {  	[spmem:s2] =	stream.indirect.scatter.add.f32 [tilespmem:s16], [sflag:$0xA], $0x40, s12, s14, $0xb8;
	[tilespmem:$0x1F000] =	vst v63  }
0x7e: {  	_ =	swait.ge [sflag:s1], $0x2000  }
0x7f: {  	[sflag:s1] =	ssyncset.done $0x0  }
0x80: {  	s12 =	sadd.s32 $0x2900, s11;
	[sflag:s1] =	ssyncadd.s32 $0xFFFFE000  }
0x81: {  	[spmem:s2] =	stream.indirect.scatter.add.f32 [tilespmem:s18], [sflag:$0xB], $0x40, s12, s14, $0xb8;
	[tilespmem:$0x1F000] =	vst v63  }
0x82: {  	_ =	swait.ge [sflag:s0], $0x2000  }
0x83: {  	[sflag:s0] =	ssyncset.done $0x0  }
0x84: {  	s12 =	sadd.s32 $0x2980, s11;
	[sflag:s0] =	ssyncadd.s32 $0xFFFFE000  }
0x85: {  	[spmem:s2] =	stream.indirect.scatter.add.f32 [tilespmem:s20], [sflag:$0xC], $0x40, s12, s14, $0xb8;
	[tilespmem:$0x1F000] =	vst v63  }
0x86: {  	_ =	swait.ge [sflag:s13], $0x2000  }
0x87: {  	[sflag:s13] =	ssyncset.done $0x0  }
0x88: {  	s12 =	sadd.s32 $0x2A00, s11;
	[sflag:s13] =	ssyncadd.s32 $0xFFFFE000  }
0x89: {  	[spmem:s2] =	stream.indirect.scatter.add.f32 [tilespmem:s22], [sflag:$0xD], $0x40, s12, s14, $0xb8;
	[tilespmem:$0x1F000] =	vst v63  }
0x8a: {  	_ =	swait.ge [sflag:s17], $0x2000  }
0x8b: {  	[sflag:s17] =	ssyncset.done $0x0  }
0x8c: {  	s12 =	sadd.s32 $0x2A80, s11;
	[sflag:s17] =	ssyncadd.s32 $0xFFFFE000  }
0x8d: {  	[spmem:s2] =	stream.indirect.scatter.add.f32 [tilespmem:s24], [sflag:$0xE], $0x40, s12, s14, $0xb8;
	[tilespmem:$0x1F000] =	vst v63  }
0x8e: {  	_ =	swait.ge [sflag:s19], $0x2000  }
0x8f: {  	[sflag:s19] =	ssyncset.done $0x0  }
0x90: {  	s12 =	sadd.s32 $0x2B00, s11;
	[sflag:s19] =	ssyncadd.s32 $0xFFFFE000  }
0x91: {  	[spmem:s2] =	stream.indirect.scatter.add.f32 [tilespmem:s26], [sflag:$0xF], $0x40, s12, s14, $0xb8;
	[tilespmem:$0x1F000] =	vst v63  }
0x92: {  	_ =	swait.ge [sflag:s21], $0x2000  }
0x93: {  	[sflag:s21] =	ssyncset.done $0x0  }
0x94: {  	s12 =	sadd.s32 $0x2B80, s11;
	[sflag:s21] =	ssyncadd.s32 $0xFFFFE000  }
0x95: {  	[spmem:s2] =	stream.indirect.scatter.add.f32 [tilespmem:s29], [sflag:$0x10], $0x40, s12, s14, $0xb8;
	[tilespmem:$0x1F000] =	vst v63  }
0x96: {  	_ =	swait.ge [sflag:s23], $0x2000  }
0x97: {  	[sflag:s23] =	ssyncset.done $0x0  }
0x98: {  	s12 =	sadd.s32 $0x400, s11;
	[sflag:s23] =	ssyncadd.s32 $0xFFFFE000  }
0x99: {  	[tilespmem:s15], [sflag:$0x1] =	stream.indirect.gather [hbm4b:s4+s14], $0x40, s12, s14, $0xb8;
	[tilespmem:$0x1F000] =	vst v63  }
0x9a: {  	_ =	swait.ge [sflag:s25], $0x2000  }
0x9b: {  	[sflag:s25] =	ssyncset.done $0x0  }
0x9c: {  	s12 =	sadd.s32 $0x480, s11;
	[sflag:s25] =	ssyncadd.s32 $0xFFFFE000  }
0x9d: {  	[tilespmem:s16], [sflag:$0x2] =	stream.indirect.gather [hbm4b:s4+s14], $0x40, s12, s14, $0xb8;
	[tilespmem:$0x1F000] =	vst v63  }
0x9e: {  	_ =	swait.ge [sflag:s28], $0x2000  }
0x9f: {  	[sflag:s28] =	ssyncset.done $0x0  }
0xa0: {  	s12 =	sadd.s32 $0x500, s11;
	[sflag:s28] =	ssyncadd.s32 $0xFFFFE000  }
0xa1: {  	[tilespmem:s18], [sflag:$0x3] =	stream.indirect.gather [hbm4b:s4+s14], $0x40, s12, s14, $0xb8;
	[tilespmem:$0x1F000] =	vst v63  }
0xa2: {  	_ =	swait.ge [sflag:s5], $0x2000  }
0xa3: {  	[sflag:s5] =	ssyncset.done $0x0  }
0xa4: {  	s12 =	sadd.s32 $0x580, s11;
	[sflag:s5] =	ssyncadd.s32 $0xFFFFE000  }
0xa5: {  	[tilespmem:s20], [sflag:$0x4] =	stream.indirect.gather [hbm4b:s4+s14], $0x40, s12, s14, $0xb8;
	[tilespmem:$0x1F000] =	vst v63  }
0xa6: {  	_ =	swait.ge [sflag:s7], $0x2000  }
0xa7: {  	[sflag:s7] =	ssyncset.done $0x0  }
0xa8: {  	s12 =	sadd.s32 $0x600, s11;
	[sflag:s7] =	ssyncadd.s32 $0xFFFFE000  }
0xa9: {  	[tilespmem:s22], [sflag:$0x5] =	stream.indirect.gather [hbm4b:s4+s14], $0x40, s12, s14, $0xb8;
	[tilespmem:$0x1F000] =	vst v63  }
0xaa: {  	_ =	swait.ge [sflag:s8], $0x2000  }
0xab: {  	[sflag:s8] =	ssyncset.done $0x0  }
0xac: {  	s12 =	sadd.s32 $0x680, s11;
	[sflag:s8] =	ssyncadd.s32 $0xFFFFE000  }
0xad: {  	[tilespmem:s24], [sflag:$0x6] =	stream.indirect.gather [hbm4b:s4+s14], $0x40, s12, s14, $0xb8;
	[tilespmem:$0x1F000] =	vst v63  }
0xae: {  	_ =	swait.ge [sflag:s9], $0x2000  }
0xaf: {  	[sflag:s9] =	ssyncset.done $0x0  }
.Ltmp0:
0xb0: {  	s12 =	sadd.s32 $0x700, s11;
	[sflag:s9] =	ssyncadd.s32 $0xFFFFE000;
	(pc) =	sbr.rel @p0 .LBB2_2-.Ltmp0, $4  }
0xb1: {  	[tilespmem:s26], [sflag:$0x7] =	stream.indirect.gather [hbm4b:s4+s14], $0x40, s12, s14, $0xb8;
	[tilespmem:$0x1F000] =	vst v63  }
0xb2: {  	_ =	swait.ge [sflag:s10], $0x2000  }
0xb3: {  	[sflag:s10] =	ssyncset.done $0x0  }
0xb4: {  	s11 =	sadd.s32 $0x780, s11;
	[sflag:s10] =	ssyncadd.s32 $0xFFFFE000  }
0xb5: {  	[tilespmem:s29], [sflag:$0x8] =	stream.indirect.gather [hbm4b:s4+s14], $0x40, s11, s14, $0xb8;
	[tilespmem:$0x1F000] =	vst v63  }
0xb6: {  	_ =	swait.ge [sflag:s30], $0x2000  }
0xb7: {  	[sflag:s30] =	ssyncset.done $0x0  }
0xb8: {  	s3 =	simm.s32 $0x4C00;
	[sflag:s30] =	ssyncadd.s32 $0xFFFFE000  }
0xb9: {  	[spmem:s2] =	stream.indirect.scatter.add.f32 [tilespmem:s15], [sflag:$0x9], $0x40, s3, s14, $0xb8;
	[tilespmem:$0x1F000] =	vst v63  }
0xba: {  	_ =	swait.ge [sflag:s31], $0x2000  }
0xbb: {  	[sflag:s31] =	ssyncset.done $0x0  }
0xbc: {  	s12 =	simm.s32 $0x4C80;
	[sflag:s31] =	ssyncadd.s32 $0xFFFFE000  }
0xbd: {  	[spmem:s2] =	stream.indirect.scatter.add.f32 [tilespmem:s16], [sflag:$0xA], $0x40, s12, s14, $0xb8;
	[tilespmem:$0x1F000] =	vst v63  }
0xbe: {  	_ =	swait.ge [sflag:s1], $0x2000  }
0xbf: {  	[sflag:s1] =	ssyncset.done $0x0  }
0xc0: {  	s6 =	simm.s32 $0x4D00;
	[sflag:s1] =	ssyncadd.s32 $0xFFFFE000  }
0xc1: {  	[spmem:s2] =	stream.indirect.scatter.add.f32 [tilespmem:s18], [sflag:$0xB], $0x40, s6, s14, $0xb8;
	[tilespmem:$0x1F000] =	vst v63  }
0xc2: {  	_ =	swait.ge [sflag:s0], $0x2000  }
0xc3: {  	[sflag:s0] =	ssyncset.done $0x0  }
0xc4: {  	s11 =	simm.s32 $0x4D80;
	[sflag:s0] =	ssyncadd.s32 $0xFFFFE000  }
0xc5: {  	[spmem:s2] =	stream.indirect.scatter.add.f32 [tilespmem:s20], [sflag:$0xC], $0x40, s11, s14, $0xb8;
	[tilespmem:$0x1F000] =	vst v63  }
0xc6: {  	_ =	swait.ge [sflag:s13], $0x2000  }
0xc7: {  	[sflag:s13] =	ssyncset.done $0x0  }
0xc8: {  	s12 =	simm.s32 $0x4E00;
	[sflag:s13] =	ssyncadd.s32 $0xFFFFE000  }
0xc9: {  	[spmem:s2] =	stream.indirect.scatter.add.f32 [tilespmem:s22], [sflag:$0xD], $0x40, s12, s14, $0xb8;
	[tilespmem:$0x1F000] =	vst v63  }
0xca: {  	_ =	swait.ge [sflag:s17], $0x2000  }
0xcb: {  	[sflag:s17] =	ssyncset.done $0x0  }
0xcc: {  	s6 =	simm.s32 $0x4E80;
	[sflag:s17] =	ssyncadd.s32 $0xFFFFE000  }
0xcd: {  	[spmem:s2] =	stream.indirect.scatter.add.f32 [tilespmem:s24], [sflag:$0xE], $0x40, s6, s14, $0xb8;
	[tilespmem:$0x1F000] =	vst v63  }
0xce: {  	_ =	swait.ge [sflag:s19], $0x2000  }
0xcf: {  	[sflag:s19] =	ssyncset.done $0x0  }
0xd0: {  	s11 =	simm.s32 $0x4F00;
	[sflag:s19] =	ssyncadd.s32 $0xFFFFE000  }
0xd1: {  	[spmem:s2] =	stream.indirect.scatter.add.f32 [tilespmem:s26], [sflag:$0xF], $0x40, s11, s14, $0xb8;
	[tilespmem:$0x1F000] =	vst v63  }
0xd2: {  	_ =	swait.ge [sflag:s21], $0x2000  }
0xd3: {  	[sflag:s21] =	ssyncset.done $0x0  }
0xd4: {  	s12 =	simm.s32 $0x4F80;
	[sflag:s21] =	ssyncadd.s32 $0xFFFFE000  }
0xd5: {  	[spmem:s2] =	stream.indirect.scatter.add.f32 [tilespmem:s29], [sflag:$0x10], $0x40, s12, s14, $0xb8;
	[tilespmem:$0x1F000] =	vst v63  }
0xd6: {  	_ =	swait.ge [sflag:s23], $0x2000  }
0xd7: {  	[sflag:s23] =	ssyncset.done $0x0  }
0xd8: {  	[sflag:s23] =	ssyncadd.s32 $0xFFFFE000  }
0xd9: {  	_ =	swait.ge [sflag:s25], $0x2000  }
0xda: {  	[sflag:s25] =	ssyncset.done $0x0  }
0xdb: {  	[sflag:s25] =	ssyncadd.s32 $0xFFFFE000  }
0xdc: {  	_ =	swait.ge [sflag:s28], $0x2000  }
0xdd: {  	[sflag:s28] =	ssyncset.done $0x0  }
0xde: {  	[sflag:s28] =	ssyncadd.s32 $0xFFFFE000  }
0xdf: {  	_ =	swait.ge [sflag:s5], $0x2000  }
0xe0: {  	[sflag:s5] =	ssyncset.done $0x0  }
0xe1: {  	[sflag:s5] =	ssyncadd.s32 $0xFFFFE000  }
0xe2: {  	_ =	swait.ge [sflag:s7], $0x2000  }
0xe3: {  	[sflag:s7] =	ssyncset.done $0x0  }
0xe4: {  	[sflag:s7] =	ssyncadd.s32 $0xFFFFE000  }
0xe5: {  	_ =	swait.ge [sflag:s8], $0x2000  }
0xe6: {  	[sflag:s8] =	ssyncset.done $0x0  }
0xe7: {  	[sflag:s8] =	ssyncadd.s32 $0xFFFFE000  }
0xe8: {  	_ =	swait.ge [sflag:s9], $0x2000  }
0xe9: {  	[sflag:s9] =	ssyncset.done $0x0  }
0xea: {  	[sflag:s9] =	ssyncadd.s32 $0xFFFFE000  }
0xeb: {  	_ =	swait.ge [sflag:s10], $0x2000  }
0xec: {  	[sflag:s10] =	ssyncset.done $0x0  }
0xed: {  	[sflag:s10] =	ssyncadd.s32 $0xFFFFE000  }
0xee: {  	[bflag:$0x0] =	sbarrier.arrive $0xFFFF  }
0xef: {  	s11 =	rddreg [dreg:$0x4]  }
0xf0: {  	s6 =	rddreg [dreg:$0x7]  }
0xf1: {  	s12 =	rddreg [dreg:$0x9]  }
0xf2: {  	[hbm:s6], [sflag:s11] =	dma.local [spmem:s12], $0x1400  }
0xf3: {  	s6 =	simm.s32 $0x11  }
0xf4: {  	_ =	swait.ge [sflag:s6], $0x1400  }
0xf5: {  	s3 =	rddreg [dreg:$0xa]  }
0xf6: {  	[sflag:s6] =	ssyncset.done $0x0;
	s6 =	rddreg [dreg:$0x8];
	s3 =	sadd.s32 $0x1, s3  }
0xf7: {  	p0 =	sne.s32 s3, s6  }
.Ltmp1:
0xf8: {  	_ = 	snop;
	(pc) =	sbr.rel @p0 .LBB2_1-.Ltmp1, $3  }
0xf9: {  	_ =	sdelay $0x1  }
0xfa: {  	s6 =	simm.s32 $0x11  }
0xfb: {  	[dreg:$0xa] =	wrdreg s3;
	[sflag:s6] =	ssyncadd.s32 $0xFFFFEC00  }
0xfc: {  	_ =	sfence.sel $0x180000  }
0xfd: {  	[bflag:$0x0] =	sbarrier.arrive $0xFFFF  }
0xfe: {  	_ =	strace $0x9000004D  }
0xff: {  	s0 =	stileid.u32;
	[bflag:$0x2] =	sbarrier.arrive $0xFFFF  }
0x100: {  	p0 =	sne.s32 s0, $0x0;
	s0 =	rddreg [dreg:$0x2]  }
0x101: {  	s0 =	sadd.s32 @!p0 $0x100000, s0  }
0x102: {  	[sflag:s0] =	ssyncadd.tile.s32 @!p0 $0x1;
	_ =	shalt  }
.Lfunc_end2:
_tile_overlayer_lowered:
.L_overlay_start_2:
0x103: {  	(tag) =	ssettag $0x2  }
0x104: {  	s0 =	rddreg [dreg:$0x0];
	s2 =	stileid.u32  }
0x105: {  	s1 =	rddreg [dreg:$0x1];
	p0 =	sne.s32 s2, $0x0  }
0x106: {  	s3 =	rddreg [dreg:$0x2];
	[bflag:$0x3] =	sbarrier.arrive $0xFFFF;
	s2 =	simm.s32 @!p0 $0x1C11  }
0x107: {  	[timem:s3], [sflag:s2] =	dma.local @!p0 [hbm:s0], s1  }
0x108: {  	s0 =	simm.s32 @!p0 $0x11  }
0x109: {  	_ =	swait.ge @!p0 [sflag:s0], s1  }
0x10a: {  	s1 =	ssub.s32 @!p0 $0x0, s1;
	[sflag:s0] =	ssyncset.done @!p0 $0x0  }
0x10b: {  	[sflag:s0] =	ssyncadd.s32 @!p0 s1  }
0x10c: {  	[bflag:$0x3] =	sbarrier.arrive $0xFFFF  }
0x10d: {  	_ =	shalt  }

// kernel: kernel.9.cloned.1.call-start
scs
__scs_entry_jumppad:
0x0: {  	(pc) =	sbr.rel $0x88, $3  }
0x1: {  	(tag) =	ssettag $0x0;
	lr =	simm.s32 $0x1  }
0x2: {  	[smem:$0x3F8E] =	sst lr;
	_ =	strace $0xD0000000  }
0x3: {  	_ = 	snop  }
0x4: {  	_ = 	snop  }
0x5: {  	_ = 	snop  }
0x6: {  	_ = 	snop  }
0x7: {  	_ = 	snop  }
__scs_overlays_trampoline_lowered:
0x8: {  	[smem:$0x3F9D] =	sst s0  }
0x9: {  	[smem:$0x3F9E] =	sst s1  }
0xa: {  	[smem:$0x3F9F] =	sst s2  }
0xb: {  	[smem:$0x3FA0] =	sst s3  }
0xc: {  	[smem:$0x3FA1] =	sst s4  }
0xd: {  	[smem:$0x3FA2] =	sst s5  }
0xe: {  	[smem:$0x3FA3] =	sst s6  }
0xf: {  	[smem:$0x3FA4] =	sst s7  }
0x10: {  	[smem:$0x3FA5] =	sst s8  }
0x11: {  	[smem:$0x3FA6] =	sst s9;
	s0 =	simm.s32 @!p0 $0x0  }
0x12: {  	s1 =	sld [smem:$0x3F8C];
	s0 =	simm.s32 @p0 $0x1  }
0x13: {  	[smem:$0x3FA7] =	sst s0;
	s0 =	simm.s32 @!p1 $0x0  }
0x14: {  	s2 =	sld [smem:$0x3F8B];
	s0 =	simm.s32 @p1 $0x1  }
0x15: {  	[smem:$0x3FA8] =	sst s0;
	s0 =	simm.s32 @!p2 $0x0  }
0x16: {  	s3 =	sld [smem:$0x3FDB];
	s0 =	simm.s32 @p2 $0x1  }
0x17: {  	s4 =	simm.s32 $0x1BF5;
	[smem:$0x3FAA] =	sst s0  }
0x18: {  	s0 =	sld [smem:$0x3F8D];
	_ =	swait.ge [sflag:s4], $0x0  }
0x19: {  	s7 =	sld [smem:$0x3F8E]  }
0x1a: {  	s8 =	sadd.s32 $0xFFFFE003, lr  }
0x1b: {  	s9 =	sadd.s32 $0xFFFFFEF7, lr;
	s5 =	simm.s32 $0xFFFFFFFF;
	p2 =	slt.u32 s8, $0xFFFFF086  }
0x1c: {  	p1 =	slt.u32 s9, $0xF7A;
	s5 =	simm.s32 @!p2 $0x0  }
0x1d: {  	s5 =	simm.s32 @p1 $0x1;
	p0 =	seq.s32 s7, s2  }
0x1e: {  	s7 =	smul.u32 @!p0 $0xF7A, s2;
	p2 =	seq.s32 @!p0 s5, $0x0  }
0x1f: {  	s9 =	smul.u32 $0xF7A, s1;
	s8 =	simm.s32 @!p0 $0x1BF5;
	p2 =	por !p2, p0  }
0x20: {  	[sflag:s8] =	ssyncset.s32 @!p0 $0xFFFFF086;
	s6 =	sadd.s32 @!p0 s3, s7;
	s7 =	simm.s32 @!p0 $0x108  }
0x21: {  	s3 =	sadd.s32 s3, s9;
	s6 =	sadd.s32 @!p0 $0x88, s6;
	s7 =	simm.s32 @p2 $0x1082  }
0x22: {  	[simem:s7], [sflag:s8] =	dma.local @!p0 [hbm:s6], $0xF7A  }
0x23: {  	s9 =	sor.u32 $0xD0000000, s2;
	s6 =	simm.s32 $0x108;
	_ =	swait.ge @!p0 [sflag:s8], $0x0  }
0x24: {  	s3 =	sadd.s32 $0x88, s3;
	s6 =	simm.s32 @!p1 $0x1082;
	[sflag:s4] =	ssyncset.s32 $0xFFFFF086  }
0x25: {  	[simem:s6], [sflag:s4] =	dma.local [hbm:s3], $0xF7A  }
0x26: {  	[smem:$0x3F8E] =	sst s1;
	(tag) =	ssettag s2;
	_ =	strace s9  }
0x27: {  	s1 =	sld [smem:$0x3F9E]  }
0x28: {  	s2 =	sld [smem:$0x3F9F]  }
0x29: {  	s4 =	sld [smem:$0x3FA1]  }
0x2a: {  	p0 =	seq.s32 s5, $0x0;
	s5 =	sld [smem:$0x3FA2]  }
0x2b: {  	s6 =	sld [smem:$0x3FA3]  }
0x2c: {  	s7 =	sld [smem:$0x3FA4]  }
0x2d: {  	s3 =	simm.s32 $0x108;
	s8 =	sld [smem:$0x3FA5]  }
0x2e: {  	s3 =	simm.s32 @!p0 $0x1082;
	s9 =	sld [smem:$0x3FA6]  }
0x2f: {  	lr =	sadd.s32 s0, s3;
	s0 =	sld [smem:$0x3F9D]  }
0x30: {  	s3 =	sld [smem:$0x3FA0]  }
0x31: {  	[smem:$0x3FA9] =	sst s10  }
0x32: {  	s10 =	sld [smem:$0x3FA7];
	_ =	sdelay $0x3  }
0x33: {  	p0 =	seq.s32 s10, $0x1;
	s10 =	sld [smem:$0x3FA9];
	_ =	sdelay $0x3  }
0x34: {  	[smem:$0x3FA9] =	sst s10  }
0x35: {  	s10 =	sld [smem:$0x3FA8];
	_ =	sdelay $0x3  }
0x36: {  	p1 =	seq.s32 s10, $0x1;
	s10 =	sld [smem:$0x3FA9];
	_ =	sdelay $0x3  }
0x37: {  	[smem:$0x3FA9] =	sst s10  }
0x38: {  	s10 =	sld [smem:$0x3FAA]  }
0x39: {  	_ = 	snop;
	(pc) =	sbr.ind lr, $3  }
0x3a: {  	_ = 	snop  }
0x3b: {  	_ = 	snop  }
0x3c: {  	p2 =	seq.s32 s10, $0x1;
	s10 =	sld [smem:$0x3FA9]  }
0x3d: {  	_ =	shalt  }
0x3e: {  	_ =	shalt  }
0x3f: {  	_ =	shalt  }
0x40: {  	_ =	shalt  }
0x41: {  	_ =	shalt  }
0x42: {  	_ =	shalt  }
0x43: {  	_ =	shalt  }
0x44: {  	_ =	shalt  }
0x45: {  	_ =	shalt  }
0x46: {  	_ =	shalt  }
0x47: {  	_ =	shalt  }
0x48: {  	_ =	shalt  }
0x49: {  	_ =	shalt  }
0x4a: {  	_ =	shalt  }
0x4b: {  	_ =	shalt  }
0x4c: {  	_ =	shalt  }
0x4d: {  	_ =	shalt  }
0x4e: {  	_ =	shalt  }
0x4f: {  	_ =	shalt  }
0x50: {  	_ =	shalt  }
0x51: {  	_ =	shalt  }
0x52: {  	_ =	shalt  }
0x53: {  	_ =	shalt  }
0x54: {  	_ =	shalt  }
0x55: {  	_ =	shalt  }
0x56: {  	_ =	shalt  }
0x57: {  	_ =	shalt  }
0x58: {  	_ =	shalt  }
0x59: {  	_ =	shalt  }
0x5a: {  	_ =	shalt  }
0x5b: {  	_ =	shalt  }
0x5c: {  	_ =	shalt  }
0x5d: {  	_ =	shalt  }
0x5e: {  	_ =	shalt  }
0x5f: {  	_ =	shalt  }
0x60: {  	_ =	shalt  }
0x61: {  	_ =	shalt  }
0x62: {  	_ =	shalt  }
0x63: {  	_ =	shalt  }
0x64: {  	_ =	shalt  }
0x65: {  	_ =	shalt  }
0x66: {  	_ =	shalt  }
0x67: {  	_ =	shalt  }
0x68: {  	_ =	shalt  }
0x69: {  	_ =	shalt  }
0x6a: {  	_ =	shalt  }
0x6b: {  	_ =	shalt  }
0x6c: {  	_ =	shalt  }
0x6d: {  	_ =	shalt  }
0x6e: {  	_ =	shalt  }
0x6f: {  	_ =	shalt  }
0x70: {  	_ =	shalt  }
0x71: {  	_ =	shalt  }
0x72: {  	_ =	shalt  }
0x73: {  	_ =	shalt  }
0x74: {  	_ =	shalt  }
0x75: {  	_ =	shalt  }
0x76: {  	_ =	shalt  }
0x77: {  	_ =	shalt  }
0x78: {  	_ =	shalt  }
0x79: {  	_ =	shalt  }
0x7a: {  	_ =	shalt  }
0x7b: {  	_ =	shalt  }
0x7c: {  	_ =	shalt  }
0x7d: {  	_ =	shalt  }
0x7e: {  	_ =	shalt  }
0x7f: {  	_ =	shalt  }
0x80: {  	_ =	shalt  }
0x81: {  	_ =	shalt  }
0x82: {  	_ =	shalt  }
0x83: {  	_ =	shalt  }
0x84: {  	_ =	shalt  }
0x85: {  	_ =	shalt  }
0x86: {  	_ =	shalt  }
0x87: {  	_ =	shalt  }
.Lfunc_end0:
.L_simem_size_0:
called_computation_lowered:
.L_overlay_start_0:
0x88: {  	s2 =	sld [smem:$0x3FD9]  }
0x89: {  	s3 =	sld [smem:$0x3FFE];
	_ =	sdelay $0x1  }
0x8a: {  	s1 =	srdreg.scid  }
0x8b: {  	s0 =	sand.u32 $0x1, s1  }
0x8c: {  	s16 =	sshll.u32 s0, $0xA;
	s2 =	sadd.s32 s3, s2  }
0x8d: {  	s2 =	sadd.s32 s2, s16  }
0x8e: {  	[smem:$0x3FB5] =	sst s2  }
0x8f: {  	_ = 	snop  }
0x90: {  	(tm) =	ssettm $0x1  }
0x91: {  	s17 =	sld [smem:$0x3FFB];
	_ =	sdelay $0x3  }
0x92: {  	_ =	strace s17  }
0x93: {  	s2 =	sld [smem:$0x3FFC];
	_ =	sdelay $0x3  }
0x94: {  	_ =	strace s2  }
0x95: {  	s2 =	sld [smem:$0x3FFD];
	_ =	sdelay $0x3  }
0x96: {  	_ =	strace s2  }
0x97: {  	_ =	strace $0x8FFFFFFF  }
0x98: {  	s18 =	sld [smem:$0x3FDB];
	_ =	sdelay $0x1  }
0x99: {  	s19 =	simm.s32 $_scs_section_size  }
0x9a: {  	s4 =	simm.s32 $_size__tile_overlayer_lowered;
	s5 =	simm.s32 $_tile_overlayer_lowered  }
0x9b: {  	s22 =	simm.s32 $0x1BFF;
	s21 =	sshll.u32 s5, $0x1;
	s2 =	sadd.s32 s19, s18  }
0x9c: {  	s6 =	simm.s32 $0x0;
	s20 =	sshll.u32 s4, $0x1;
	s4 =	sadd.s32 s21, s2  }
0x9d: {  	[timem:s6], [sflag:s22] =	dma.local [hbm:s4], s20  }
0x9e: {  	_ =	swait.ge [sflag:s22], s20  }
0x9f: {  	s3 =	ssub.s32 $0x0, s20;
	[sflag:s22] =	ssyncset.done $0x0  }
0xa0: {  	[sflag:s22] =	ssyncadd.s32 s3;
	_ =	sdelay $0x1  }
0xa1: {  	s23 =	simm.s32 $0x1B8B  }
0xa2: {  	_ =	swait.ge [sflag:s23], $0x1  }
0xa3: {  	[sflag:s23] =	ssyncset.done $0x0  }
0xa4: {  	s25 =	simm.s32 $0x1B8E;
	s24 =	sld [smem:$0x3FFE];
	[sflag:s23] =	ssyncadd.s32 $0xFFFFFFFF  }
0xa5: {  	s26 =	simm.s32 $execute0_lowered;
	[smem:$0x3FD2] =	sst s25  }
0xa6: {  	s4 =	sshll.u32 s26, $0x1;
	_ =	strace $0x80000046;
	[dreg:$0x1] =	wrdreg $0xFFFFFFFF  }
0xa7: {  	s28 =	simm.s32 $_size_execute0_lowered;
	s2 =	sadd.s32 s2, s4;
	[dreg:$0x0] =	wrdreg $0x0  }
0xa8: {  	s4 =	sshll.u32 s28, $0x1;
	[dreg:$0x2] =	wrdreg s2  }
0xa9: {  	[dreg:$0x3] =	wrdreg s4  }
0xaa: {  	[dreg:$0x4] =	wrdreg $0xC0  }
0xab: {  	_ =	task [dreg:s6], $0x5FFFF  }
0xac: {  	[dreg:$0x1] =	wrdreg $0xFFFFFFFF  }
0xad: {  	[dreg:$0x0] =	wrdreg $0x60  }
0xae: {  	[dreg:$0x2] =	wrdreg s24  }
0xaf: {  	[dreg:$0x3] =	wrdreg $0x150000  }
0xb0: {  	[dreg:$0x4] =	wrdreg $0x9  }
0xb1: {  	_ =	task.clear_ibuf [dreg:s6], $0x5FFFF;
	_ =	strace $0x90000046  }
0xb2: {  	s29 =	simm.s32 $0x9;
	_ =	strace $0x80000048  }
0xb3: {  	_ =	swait.ge [sflag:s29], $0x1  }
0xb4: {  	[sflag:s29] =	ssyncadd.s32 $0xFFFFFFFF  }
0xb5: {  	_ =	strace $0x90000048  }
0xb6: {  	_ =	sfence  }
0xb7: {  	s30 =	sld [smem:$0x0];
	_ =	sdelay $0x2  }
0xb8: {  	s31 =	sshll.u32 s1, $0xD;
	s1 =	sshrl.u32 s1, $0x2  }
0xb9: {  	s3 =	sand.u32 $0x4000, s31;
	s1 =	sadd.s32 s1, s30  }
0xba: {  	s0 =	sor.u32 s3, s0;
	s1 =	sshll.u32 s1, $0x11  }
0xbb: {  	s0 =	sor.u32 s1, s0  }
0xbc: {  	s0 =	sadd.s32 $0x8F2B, s0  }
0xbd: {  	[sflag:s0] =	ssyncadd.remote.s32 $0x1  }
0xbe: {  	_ =	sfence.sel $0xFFFF  }
0xbf: {  	[dreg:$0x0] =	wrdreg $0xFFFFFFFF;
	(pc) =	sbr.abs _section_cstart, $3  }
0xc0: {  	[dreg:$0x1] =	wrdreg $0xFFFFFFFF  }
0xc1: {  	_ =	task.clear_ibuf [dreg:s6], $0x2FFFF;
	_ =	strace $0x9FFFFFFF  }
0xc2: {  	(tm) =	ssettm $0x7FFFFFFF  }
0xc3: {  	_ =	shalt  }
tec
execute0_lowered:
.L_overlay_start_1:
0x0: {  	(tag) =	ssettag $0x1  }
0x1: {  	s0 =	srdreg.scid  }
0x2: {  	s9 =	stileid.u32;
	s3 =	rddreg [dreg:$0x0]  }
0x3: {  	s2 =	rddreg [dreg:$0x1];
	s4 =	simm.s32 $0x0;
	s14 =	simm.s32 $0x80  }
0x4: {  	s15 =	simm.s32 $0x5000;
	s16 =	simm.s32 $0x7000;
	s18 =	simm.s32 $0x9000  }
0x5: {  	s20 =	simm.s32 $0xB000;
	s22 =	simm.s32 $0xD000;
	s29 =	simm.s32 $0x13000  }
0x6: {  	s30 =	simm.s32 $0x1;
	s31 =	simm.s32 $0x2;
	s13 =	simm.s32 $0x5  }
0x7: {  	s17 =	simm.s32 $0x6;
	s19 =	simm.s32 $0x7;
	s21 =	simm.s32 $0x8  }
0x8: {  	s23 =	simm.s32 $0x9;
	s28 =	simm.s32 $0xB;
	s10 =	simm.s32 $0x10  }
0x9: {  	s0 =	sand.u32 $0x1, s0;
	s5 =	smul.u32 $0xA000, s9;
	[smem:$0x7FF] =	sst s4  }
0xa: {  	s4 =	sadd.s32 $0x3600, s3;
	s25 =	sshll.u32 s9, $0x6;
	s1 =	sshll.u32 s0, $0x4  }
0xb: {  	s6 =	smul.u32 $0xA0000, s0;
	_ =	strace $0x80000047;
	s0 =	ssub.s32 $0x2, s0  }
0xc: {  	s11 =	sor.u32 $0x1C11, s25;
	s25 =	simm.s32 $0xA;
	s1 =	sor.u32 s9, s1  }
0xd: {  	s7 =	sshrl.u32 s5, $0x3;
	s8 =	sshrl.u32 s0, $0x1;
	s9 =	simm.s32 $0xF  }
0xe: {  	[dreg:$0x4] =	wrdreg s11;
	s1 =	smul.u32 $0x500, s1;
	s6 =	sadd.s32 s5, s6  }
0xf: {  	s7 =	sadd.s32 s7, s3;
	s0 =	ssub.s32 s0, s8;
	s5 =	sadd.s32 s5, s2  }
0x10: {  	s8 =	simm.s32 $0xE;
	s6 =	sshrl.u32 s6, $0x3;
	s24 =	sadd.s32 $0x2B000, s7  }
0x11: {  	s0 =	smax.u32 s0, $0x1;
	s12 =	sshrl.u32 s5, $0x3;
	[dreg:$0x3] =	wrdreg s24  }
0x12: {  	s5 =	simm.s32 $0xC;
	s1 =	sadd.s32 s1, s3;
	[dreg:$0x8] =	wrdreg s0  }
0x13: {  	s3 =	sadd.s32 s6, s3;
	s6 =	simm.s32 $0x0;
	[dreg:$0x9] =	wrdreg s12  }
0x14: {  	s7 =	simm.s32 $0xD;
	s26 =	sadd.s32 $0x21000, s1;
	[dreg:$0xa] =	wrdreg s6  }
0x15: {  	s24 =	simm.s32 $0xF000;
	s1 =	sadd.s32 $0x17000, s1;
	[dreg:$0x5] =	wrdreg s26  }
0x16: {  	s0 =	simm.s32 $0x4;
	s3 =	sadd.s32 $0x3F000, s3;
	[dreg:$0x6] =	wrdreg s1  }
0x17: {  	[dreg:$0x7] =	wrdreg s3;
	s26 =	simm.s32 $0x11000;
	s1 =	simm.s32 $0x3  }
.LBB2_1:
0x18: {  	s3 =	simm.s32 $0x11;
	s6 =	rddreg [dreg:$0x3]  }
0x19: {  	[spmem:s12], [sflag:s11] =	dma.local [hbm:s6], $0x1400  }
0x1a: {  	_ =	swait.ge [sflag:s3], $0x1400  }
0x1b: {  	[sflag:s3] =	ssyncset.done $0x0  }
0x1c: {  	s6 =	simm.s32 $0x0;
	s12 =	rddreg [dreg:$0x5];
	[sflag:s3] =	ssyncadd.s32 $0xFFFFEC00  }
0x1d: {  	[tilespmem:s6], [sflag:$0x11] =	stream.linear.gather [hbm4b:s12+s6], $0x2800, $0x38;
	[tilespmem:$0x1F000] =	vst v63  }
0x1e: {  	_ =	swait.ge [sflag:s3], $0x2800  }
0x1f: {  	[sflag:s3] =	ssyncset.done $0x0  }
0x20: {  	s12 =	simm.s32 $0x2800;
	s11 =	rddreg [dreg:$0x6];
	[sflag:s3] =	ssyncadd.s32 $0xFFFFD800  }
0x21: {  	[tilespmem:s12], [sflag:$0x11] =	stream.linear.gather [hbm4b:s11+s6], $0x2800, $0x38;
	[tilespmem:$0x1F000] =	vst v63  }
0x22: {  	_ =	swait.ge [sflag:s3], $0x2800  }
0x23: {  	[sflag:s3] =	ssyncset.done $0x0  }
0x24: {  	[sflag:s3] =	ssyncadd.s32 $0xFFFFD800  }
0x25: {  	[bflag:$0x0] =	sbarrier.arrive $0xFFFF  }
0x26: {  	[tilespmem:s15], [sflag:$0x1] =	stream.indirect.gather [hbm4b:s4+s14], $0x40, s6, s14, $0xb8;
	[tilespmem:$0x1F000] =	vst v63  }
0x27: {  	_ = 	snop  }
0x28: {  	[tilespmem:s16], [sflag:$0x2] =	stream.indirect.gather [hbm4b:s4+s14], $0x40, s14, s14, $0xb8;
	[tilespmem:$0x1F000] =	vst v63  }
0x29: {  	s6 =	simm.s32 $0x100  }
0x2a: {  	[tilespmem:s18], [sflag:$0x3] =	stream.indirect.gather [hbm4b:s4+s14], $0x40, s6, s14, $0xb8;
	[tilespmem:$0x1F000] =	vst v63  }
0x2b: {  	s11 =	simm.s32 $0x180  }
0x2c: {  	[tilespmem:s20], [sflag:$0x4] =	stream.indirect.gather [hbm4b:s4+s14], $0x40, s11, s14, $0xb8;
	[tilespmem:$0x1F000] =	vst v63  }
0x2d: {  	s12 =	simm.s32 $0x200  }
0x2e: {  	[tilespmem:s22], [sflag:$0x5] =	stream.indirect.gather [hbm4b:s4+s14], $0x40, s12, s14, $0xb8;
	[tilespmem:$0x1F000] =	vst v63  }
0x2f: {  	s6 =	simm.s32 $0x280  }
0x30: {  	[tilespmem:s24], [sflag:$0x6] =	stream.indirect.gather [hbm4b:s4+s14], $0x40, s6, s14, $0xb8;
	[tilespmem:$0x1F000] =	vst v63  }
0x31: {  	s11 =	simm.s32 $0x300  }
0x32: {  	[tilespmem:s26], [sflag:$0x7] =	stream.indirect.gather [hbm4b:s4+s14], $0x40, s11, s14, $0xb8;
	[tilespmem:$0x1F000] =	vst v63  }
0x33: {  	s12 =	simm.s32 $0x380  }
0x34: {  	[tilespmem:s29], [sflag:$0x8] =	stream.indirect.gather [hbm4b:s4+s14], $0x40, s12, s14, $0xb8;
	[tilespmem:$0x1F000] =	vst v63  }
0x35: {  	_ =	swait.ge [sflag:s30], $0x2000  }
0x36: {  	[sflag:s30] =	ssyncset.done $0x0  }
0x37: {  	s3 =	simm.s32 $0x2800;
	[sflag:s30] =	ssyncadd.s32 $0xFFFFE000  }
0x38: {  	[spmem:s2] =	stream.indirect.scatter.add.f32 [tilespmem:s15], [sflag:$0x9], $0x40, s3, s14, $0xb8;
	[tilespmem:$0x1F000] =	vst v63  }
0x39: {  	_ =	swait.ge [sflag:s31], $0x2000  }
0x3a: {  	[sflag:s31] =	ssyncset.done $0x0  }
0x3b: {  	s11 =	simm.s32 $0x2880;
	[sflag:s31] =	ssyncadd.s32 $0xFFFFE000  }
0x3c: {  	[spmem:s2] =	stream.indirect.scatter.add.f32 [tilespmem:s16], [sflag:$0xA], $0x40, s11, s14, $0xb8;
	[tilespmem:$0x1F000] =	vst v63  }
0x3d: {  	_ =	swait.ge [sflag:s1], $0x2000  }
0x3e: {  	[sflag:s1] =	ssyncset.done $0x0  }
0x3f: {  	s12 =	simm.s32 $0x2900;
	[sflag:s1] =	ssyncadd.s32 $0xFFFFE000  }
0x40: {  	[spmem:s2] =	stream.indirect.scatter.add.f32 [tilespmem:s18], [sflag:$0xB], $0x40, s12, s14, $0xb8;
	[tilespmem:$0x1F000] =	vst v63  }
0x41: {  	_ =	swait.ge [sflag:s0], $0x2000  }
0x42: {  	[sflag:s0] =	ssyncset.done $0x0  }
0x43: {  	s3 =	simm.s32 $0x2980;
	[sflag:s0] =	ssyncadd.s32 $0xFFFFE000  }
0x44: {  	[spmem:s2] =	stream.indirect.scatter.add.f32 [tilespmem:s20], [sflag:$0xC], $0x40, s3, s14, $0xb8;
	[tilespmem:$0x1F000] =	vst v63  }
0x45: {  	_ =	swait.ge [sflag:s13], $0x2000  }
0x46: {  	[sflag:s13] =	ssyncset.done $0x0  }
0x47: {  	s11 =	simm.s32 $0x2A00;
	[sflag:s13] =	ssyncadd.s32 $0xFFFFE000  }
0x48: {  	[spmem:s2] =	stream.indirect.scatter.add.f32 [tilespmem:s22], [sflag:$0xD], $0x40, s11, s14, $0xb8;
	[tilespmem:$0x1F000] =	vst v63  }
0x49: {  	_ =	swait.ge [sflag:s17], $0x2000  }
0x4a: {  	[sflag:s17] =	ssyncset.done $0x0  }
0x4b: {  	s12 =	simm.s32 $0x2A80;
	[sflag:s17] =	ssyncadd.s32 $0xFFFFE000  }
0x4c: {  	[spmem:s2] =	stream.indirect.scatter.add.f32 [tilespmem:s24], [sflag:$0xE], $0x40, s12, s14, $0xb8;
	[tilespmem:$0x1F000] =	vst v63  }
0x4d: {  	_ =	swait.ge [sflag:s19], $0x2000  }
0x4e: {  	[sflag:s19] =	ssyncset.done $0x0  }
0x4f: {  	s3 =	simm.s32 $0x2B00;
	[sflag:s19] =	ssyncadd.s32 $0xFFFFE000  }
0x50: {  	[spmem:s2] =	stream.indirect.scatter.add.f32 [tilespmem:s26], [sflag:$0xF], $0x40, s3, s14, $0xb8;
	[tilespmem:$0x1F000] =	vst v63  }
0x51: {  	_ =	swait.ge [sflag:s21], $0x2000  }
0x52: {  	[sflag:s21] =	ssyncset.done $0x0  }
0x53: {  	s11 =	simm.s32 $0x2B80;
	[sflag:s21] =	ssyncadd.s32 $0xFFFFE000  }
0x54: {  	[spmem:s2] =	stream.indirect.scatter.add.f32 [tilespmem:s29], [sflag:$0x10], $0x40, s11, s14, $0xb8;
	[tilespmem:$0x1F000] =	vst v63  }
0x55: {  	_ =	swait.ge [sflag:s23], $0x2000  }
0x56: {  	[sflag:s23] =	ssyncset.done $0x0  }
0x57: {  	s12 =	simm.s32 $0x400;
	[sflag:s23] =	ssyncadd.s32 $0xFFFFE000  }
0x58: {  	[tilespmem:s15], [sflag:$0x1] =	stream.indirect.gather [hbm4b:s4+s14], $0x40, s12, s14, $0xb8;
	[tilespmem:$0x1F000] =	vst v63  }
0x59: {  	_ =	swait.ge [sflag:s25], $0x2000  }
0x5a: {  	[sflag:s25] =	ssyncset.done $0x0  }
0x5b: {  	s3 =	simm.s32 $0x480;
	[sflag:s25] =	ssyncadd.s32 $0xFFFFE000  }
0x5c: {  	[tilespmem:s16], [sflag:$0x2] =	stream.indirect.gather [hbm4b:s4+s14], $0x40, s3, s14, $0xb8;
	[tilespmem:$0x1F000] =	vst v63  }
0x5d: {  	_ =	swait.ge [sflag:s28], $0x2000  }
0x5e: {  	[sflag:s28] =	ssyncset.done $0x0  }
0x5f: {  	s11 =	simm.s32 $0x500;
	[sflag:s28] =	ssyncadd.s32 $0xFFFFE000  }
0x60: {  	[tilespmem:s18], [sflag:$0x3] =	stream.indirect.gather [hbm4b:s4+s14], $0x40, s11, s14, $0xb8;
	[tilespmem:$0x1F000] =	vst v63  }
0x61: {  	_ =	swait.ge [sflag:s5], $0x2000  }
0x62: {  	[sflag:s5] =	ssyncset.done $0x0  }
0x63: {  	s12 =	simm.s32 $0x580;
	[sflag:s5] =	ssyncadd.s32 $0xFFFFE000  }
0x64: {  	[tilespmem:s20], [sflag:$0x4] =	stream.indirect.gather [hbm4b:s4+s14], $0x40, s12, s14, $0xb8;
	[tilespmem:$0x1F000] =	vst v63  }
0x65: {  	_ =	swait.ge [sflag:s7], $0x2000  }
0x66: {  	[sflag:s7] =	ssyncset.done $0x0  }
0x67: {  	s3 =	simm.s32 $0x600;
	[sflag:s7] =	ssyncadd.s32 $0xFFFFE000  }
0x68: {  	[tilespmem:s22], [sflag:$0x5] =	stream.indirect.gather [hbm4b:s4+s14], $0x40, s3, s14, $0xb8;
	[tilespmem:$0x1F000] =	vst v63  }
0x69: {  	_ =	swait.ge [sflag:s8], $0x2000  }
0x6a: {  	[sflag:s8] =	ssyncset.done $0x0  }
0x6b: {  	s11 =	simm.s32 $0x680;
	[sflag:s8] =	ssyncadd.s32 $0xFFFFE000  }
0x6c: {  	[tilespmem:s24], [sflag:$0x6] =	stream.indirect.gather [hbm4b:s4+s14], $0x40, s11, s14, $0xb8;
	[tilespmem:$0x1F000] =	vst v63  }
0x6d: {  	_ =	swait.ge [sflag:s9], $0x2000  }
0x6e: {  	[sflag:s9] =	ssyncset.done $0x0  }
0x6f: {  	s12 =	simm.s32 $0x700;
	[sflag:s9] =	ssyncadd.s32 $0xFFFFE000  }
0x70: {  	[tilespmem:s26], [sflag:$0x7] =	stream.indirect.gather [hbm4b:s4+s14], $0x40, s12, s14, $0xb8;
	[tilespmem:$0x1F000] =	vst v63  }
0x71: {  	_ =	swait.ge [sflag:s10], $0x2000  }
0x72: {  	[sflag:s10] =	ssyncset.done $0x0  }
0x73: {  	s6 =	simm.s32 $0x1000;
	s11 =	simm.s32 $0x780;
	[sflag:s10] =	ssyncadd.s32 $0xFFFFE000  }
.LBB2_2:
0x74: {  	[tilespmem:s29], [sflag:$0x8] =	stream.indirect.gather [hbm4b:s4+s14], $0x40, s11, s14, $0xb8;
	[tilespmem:$0x1F000] =	vst v63  }
0x75: {  	s11 =	smov.u32 s6  }
0x76: {  	p0 =	sne.s32 s6, $0x8000;
	s6 =	sadd.s32 $0x1000, s6;
	_ =	swait.ge [sflag:s30], $0x2000  }
0x77: {  	s11 =	sshra.s32 s11, $0x2;
	[sflag:s30] =	ssyncset.done $0x0  }
0x78: {  	s12 =	sadd.s32 $0x2800, s11;
	[sflag:s30] =	ssyncadd.s32 $0xFFFFE000  }
0x79: {  	[spmem:s2] =	stream.indirect.scatter.add.f32 [tilespmem:s15], [sflag:$0x9], $0x40, s12, s14, $0xb8;
	[tilespmem:$0x1F000] =	vst v63  }
0x7a: {  	_ =	swait.ge [sflag:s31], $0x2000  }
0x7b: {  	[sflag:s31] =	ssyncset.done $0x0  }
0x7c: {  	s12 =	sadd.s32 $0x2880, s11;
	[sflag:s31] =	ssyncadd.s32 $0xFFFFE000  }
0x7d: {  	[spmem:s2] =	stream.indirect.scatter.add.f32 [tilespmem:s16], [sflag:$0xA], $0x40, s12, s14, $0xb8;
	[tilespmem:$0x1F000] =	vst v63  }
0x7e: {  	_ =	swait.ge [sflag:s1], $0x2000  }
0x7f: {  	[sflag:s1] =	ssyncset.done $0x0  }
0x80: {  	s12 =	sadd.s32 $0x2900, s11;
	[sflag:s1] =	ssyncadd.s32 $0xFFFFE000  }
0x81: {  	[spmem:s2] =	stream.indirect.scatter.add.f32 [tilespmem:s18], [sflag:$0xB], $0x40, s12, s14, $0xb8;
	[tilespmem:$0x1F000] =	vst v63  }
0x82: {  	_ =	swait.ge [sflag:s0], $0x2000  }
0x83: {  	[sflag:s0] =	ssyncset.done $0x0  }
0x84: {  	s12 =	sadd.s32 $0x2980, s11;
	[sflag:s0] =	ssyncadd.s32 $0xFFFFE000  }
0x85: {  	[spmem:s2] =	stream.indirect.scatter.add.f32 [tilespmem:s20], [sflag:$0xC], $0x40, s12, s14, $0xb8;
	[tilespmem:$0x1F000] =	vst v63  }
0x86: {  	_ =	swait.ge [sflag:s13], $0x2000  }
0x87: {  	[sflag:s13] =	ssyncset.done $0x0  }
0x88: {  	s12 =	sadd.s32 $0x2A00, s11;
	[sflag:s13] =	ssyncadd.s32 $0xFFFFE000  }
0x89: {  	[spmem:s2] =	stream.indirect.scatter.add.f32 [tilespmem:s22], [sflag:$0xD], $0x40, s12, s14, $0xb8;
	[tilespmem:$0x1F000] =	vst v63  }
0x8a: {  	_ =	swait.ge [sflag:s17], $0x2000  }
0x8b: {  	[sflag:s17] =	ssyncset.done $0x0  }
0x8c: {  	s12 =	sadd.s32 $0x2A80, s11;
	[sflag:s17] =	ssyncadd.s32 $0xFFFFE000  }
0x8d: {  	[spmem:s2] =	stream.indirect.scatter.add.f32 [tilespmem:s24], [sflag:$0xE], $0x40, s12, s14, $0xb8;
	[tilespmem:$0x1F000] =	vst v63  }
0x8e: {  	_ =	swait.ge [sflag:s19], $0x2000  }
0x8f: {  	[sflag:s19] =	ssyncset.done $0x0  }
0x90: {  	s12 =	sadd.s32 $0x2B00, s11;
	[sflag:s19] =	ssyncadd.s32 $0xFFFFE000  }
0x91: {  	[spmem:s2] =	stream.indirect.scatter.add.f32 [tilespmem:s26], [sflag:$0xF], $0x40, s12, s14, $0xb8;
	[tilespmem:$0x1F000] =	vst v63  }
0x92: {  	_ =	swait.ge [sflag:s21], $0x2000  }
0x93: {  	[sflag:s21] =	ssyncset.done $0x0  }
0x94: {  	s12 =	sadd.s32 $0x2B80, s11;
	[sflag:s21] =	ssyncadd.s32 $0xFFFFE000  }
0x95: {  	[spmem:s2] =	stream.indirect.scatter.add.f32 [tilespmem:s29], [sflag:$0x10], $0x40, s12, s14, $0xb8;
	[tilespmem:$0x1F000] =	vst v63  }
0x96: {  	_ =	swait.ge [sflag:s23], $0x2000  }
0x97: {  	[sflag:s23] =	ssyncset.done $0x0  }
0x98: {  	s12 =	sadd.s32 $0x400, s11;
	[sflag:s23] =	ssyncadd.s32 $0xFFFFE000  }
0x99: {  	[tilespmem:s15], [sflag:$0x1] =	stream.indirect.gather [hbm4b:s4+s14], $0x40, s12, s14, $0xb8;
	[tilespmem:$0x1F000] =	vst v63  }
0x9a: {  	_ =	swait.ge [sflag:s25], $0x2000  }
0x9b: {  	[sflag:s25] =	ssyncset.done $0x0  }
0x9c: {  	s12 =	sadd.s32 $0x480, s11;
	[sflag:s25] =	ssyncadd.s32 $0xFFFFE000  }
0x9d: {  	[tilespmem:s16], [sflag:$0x2] =	stream.indirect.gather [hbm4b:s4+s14], $0x40, s12, s14, $0xb8;
	[tilespmem:$0x1F000] =	vst v63  }
0x9e: {  	_ =	swait.ge [sflag:s28], $0x2000  }
0x9f: {  	[sflag:s28] =	ssyncset.done $0x0  }
0xa0: {  	s12 =	sadd.s32 $0x500, s11;
	[sflag:s28] =	ssyncadd.s32 $0xFFFFE000  }
0xa1: {  	[tilespmem:s18], [sflag:$0x3] =	stream.indirect.gather [hbm4b:s4+s14], $0x40, s12, s14, $0xb8;
	[tilespmem:$0x1F000] =	vst v63  }
0xa2: {  	_ =	swait.ge [sflag:s5], $0x2000  }
0xa3: {  	[sflag:s5] =	ssyncset.done $0x0  }
0xa4: {  	s12 =	sadd.s32 $0x580, s11;
	[sflag:s5] =	ssyncadd.s32 $0xFFFFE000  }
0xa5: {  	[tilespmem:s20], [sflag:$0x4] =	stream.indirect.gather [hbm4b:s4+s14], $0x40, s12, s14, $0xb8;
	[tilespmem:$0x1F000] =	vst v63  }
0xa6: {  	_ =	swait.ge [sflag:s7], $0x2000  }
0xa7: {  	[sflag:s7] =	ssyncset.done $0x0  }
0xa8: {  	s12 =	sadd.s32 $0x600, s11;
	[sflag:s7] =	ssyncadd.s32 $0xFFFFE000  }
0xa9: {  	[tilespmem:s22], [sflag:$0x5] =	stream.indirect.gather [hbm4b:s4+s14], $0x40, s12, s14, $0xb8;
	[tilespmem:$0x1F000] =	vst v63  }
0xaa: {  	_ =	swait.ge [sflag:s8], $0x2000  }
0xab: {  	[sflag:s8] =	ssyncset.done $0x0  }
0xac: {  	s12 =	sadd.s32 $0x680, s11;
	[sflag:s8] =	ssyncadd.s32 $0xFFFFE000  }
0xad: {  	[tilespmem:s24], [sflag:$0x6] =	stream.indirect.gather [hbm4b:s4+s14], $0x40, s12, s14, $0xb8;
	[tilespmem:$0x1F000] =	vst v63  }
0xae: {  	_ =	swait.ge [sflag:s9], $0x2000  }
0xaf: {  	[sflag:s9] =	ssyncset.done $0x0  }
.Ltmp0:
0xb0: {  	s12 =	sadd.s32 $0x700, s11;
	[sflag:s9] =	ssyncadd.s32 $0xFFFFE000;
	(pc) =	sbr.rel @p0 .LBB2_2-.Ltmp0, $4  }
0xb1: {  	[tilespmem:s26], [sflag:$0x7] =	stream.indirect.gather [hbm4b:s4+s14], $0x40, s12, s14, $0xb8;
	[tilespmem:$0x1F000] =	vst v63  }
0xb2: {  	_ =	swait.ge [sflag:s10], $0x2000  }
0xb3: {  	[sflag:s10] =	ssyncset.done $0x0  }
0xb4: {  	s11 =	sadd.s32 $0x780, s11;
	[sflag:s10] =	ssyncadd.s32 $0xFFFFE000  }
0xb5: {  	[tilespmem:s29], [sflag:$0x8] =	stream.indirect.gather [hbm4b:s4+s14], $0x40, s11, s14, $0xb8;
	[tilespmem:$0x1F000] =	vst v63  }
0xb6: {  	_ =	swait.ge [sflag:s30], $0x2000  }
0xb7: {  	[sflag:s30] =	ssyncset.done $0x0  }
0xb8: {  	s3 =	simm.s32 $0x4C00;
	[sflag:s30] =	ssyncadd.s32 $0xFFFFE000  }
0xb9: {  	[spmem:s2] =	stream.indirect.scatter.add.f32 [tilespmem:s15], [sflag:$0x9], $0x40, s3, s14, $0xb8;
	[tilespmem:$0x1F000] =	vst v63  }
0xba: {  	_ =	swait.ge [sflag:s31], $0x2000  }
0xbb: {  	[sflag:s31] =	ssyncset.done $0x0  }
0xbc: {  	s12 =	simm.s32 $0x4C80;
	[sflag:s31] =	ssyncadd.s32 $0xFFFFE000  }
0xbd: {  	[spmem:s2] =	stream.indirect.scatter.add.f32 [tilespmem:s16], [sflag:$0xA], $0x40, s12, s14, $0xb8;
	[tilespmem:$0x1F000] =	vst v63  }
0xbe: {  	_ =	swait.ge [sflag:s1], $0x2000  }
0xbf: {  	[sflag:s1] =	ssyncset.done $0x0  }
0xc0: {  	s6 =	simm.s32 $0x4D00;
	[sflag:s1] =	ssyncadd.s32 $0xFFFFE000  }
0xc1: {  	[spmem:s2] =	stream.indirect.scatter.add.f32 [tilespmem:s18], [sflag:$0xB], $0x40, s6, s14, $0xb8;
	[tilespmem:$0x1F000] =	vst v63  }
0xc2: {  	_ =	swait.ge [sflag:s0], $0x2000  }
0xc3: {  	[sflag:s0] =	ssyncset.done $0x0  }
0xc4: {  	s11 =	simm.s32 $0x4D80;
	[sflag:s0] =	ssyncadd.s32 $0xFFFFE000  }
0xc5: {  	[spmem:s2] =	stream.indirect.scatter.add.f32 [tilespmem:s20], [sflag:$0xC], $0x40, s11, s14, $0xb8;
	[tilespmem:$0x1F000] =	vst v63  }
0xc6: {  	_ =	swait.ge [sflag:s13], $0x2000  }
0xc7: {  	[sflag:s13] =	ssyncset.done $0x0  }
0xc8: {  	s12 =	simm.s32 $0x4E00;
	[sflag:s13] =	ssyncadd.s32 $0xFFFFE000  }
0xc9: {  	[spmem:s2] =	stream.indirect.scatter.add.f32 [tilespmem:s22], [sflag:$0xD], $0x40, s12, s14, $0xb8;
	[tilespmem:$0x1F000] =	vst v63  }
0xca: {  	_ =	swait.ge [sflag:s17], $0x2000  }
0xcb: {  	[sflag:s17] =	ssyncset.done $0x0  }
0xcc: {  	s6 =	simm.s32 $0x4E80;
	[sflag:s17] =	ssyncadd.s32 $0xFFFFE000  }
0xcd: {  	[spmem:s2] =	stream.indirect.scatter.add.f32 [tilespmem:s24], [sflag:$0xE], $0x40, s6, s14, $0xb8;
	[tilespmem:$0x1F000] =	vst v63  }
0xce: {  	_ =	swait.ge [sflag:s19], $0x2000  }
0xcf: {  	[sflag:s19] =	ssyncset.done $0x0  }
0xd0: {  	s11 =	simm.s32 $0x4F00;
	[sflag:s19] =	ssyncadd.s32 $0xFFFFE000  }
0xd1: {  	[spmem:s2] =	stream.indirect.scatter.add.f32 [tilespmem:s26], [sflag:$0xF], $0x40, s11, s14, $0xb8;
	[tilespmem:$0x1F000] =	vst v63  }
0xd2: {  	_ =	swait.ge [sflag:s21], $0x2000  }
0xd3: {  	[sflag:s21] =	ssyncset.done $0x0  }
0xd4: {  	s12 =	simm.s32 $0x4F80;
	[sflag:s21] =	ssyncadd.s32 $0xFFFFE000  }
0xd5: {  	[spmem:s2] =	stream.indirect.scatter.add.f32 [tilespmem:s29], [sflag:$0x10], $0x40, s12, s14, $0xb8;
	[tilespmem:$0x1F000] =	vst v63  }
0xd6: {  	_ =	swait.ge [sflag:s23], $0x2000  }
0xd7: {  	[sflag:s23] =	ssyncset.done $0x0  }
0xd8: {  	[sflag:s23] =	ssyncadd.s32 $0xFFFFE000  }
0xd9: {  	_ =	swait.ge [sflag:s25], $0x2000  }
0xda: {  	[sflag:s25] =	ssyncset.done $0x0  }
0xdb: {  	[sflag:s25] =	ssyncadd.s32 $0xFFFFE000  }
0xdc: {  	_ =	swait.ge [sflag:s28], $0x2000  }
0xdd: {  	[sflag:s28] =	ssyncset.done $0x0  }
0xde: {  	[sflag:s28] =	ssyncadd.s32 $0xFFFFE000  }
0xdf: {  	_ =	swait.ge [sflag:s5], $0x2000  }
0xe0: {  	[sflag:s5] =	ssyncset.done $0x0  }
0xe1: {  	[sflag:s5] =	ssyncadd.s32 $0xFFFFE000  }
0xe2: {  	_ =	swait.ge [sflag:s7], $0x2000  }
0xe3: {  	[sflag:s7] =	ssyncset.done $0x0  }
0xe4: {  	[sflag:s7] =	ssyncadd.s32 $0xFFFFE000  }
0xe5: {  	_ =	swait.ge [sflag:s8], $0x2000  }
0xe6: {  	[sflag:s8] =	ssyncset.done $0x0  }
0xe7: {  	[sflag:s8] =	ssyncadd.s32 $0xFFFFE000  }
0xe8: {  	_ =	swait.ge [sflag:s9], $0x2000  }
0xe9: {  	[sflag:s9] =	ssyncset.done $0x0  }
0xea: {  	[sflag:s9] =	ssyncadd.s32 $0xFFFFE000  }
0xeb: {  	_ =	swait.ge [sflag:s10], $0x2000  }
0xec: {  	[sflag:s10] =	ssyncset.done $0x0  }
0xed: {  	[sflag:s10] =	ssyncadd.s32 $0xFFFFE000  }
0xee: {  	[bflag:$0x0] =	sbarrier.arrive $0xFFFF  }
0xef: {  	s11 =	rddreg [dreg:$0x4]  }
0xf0: {  	s6 =	rddreg [dreg:$0x7]  }
0xf1: {  	s12 =	rddreg [dreg:$0x9]  }
0xf2: {  	[hbm:s6], [sflag:s11] =	dma.local [spmem:s12], $0x1400  }
0xf3: {  	s6 =	simm.s32 $0x11  }
0xf4: {  	_ =	swait.ge [sflag:s6], $0x1400  }
0xf5: {  	s3 =	rddreg [dreg:$0xa]  }
0xf6: {  	[sflag:s6] =	ssyncset.done $0x0;
	s6 =	rddreg [dreg:$0x8];
	s3 =	sadd.s32 $0x1, s3  }
0xf7: {  	p0 =	sne.s32 s3, s6  }
.Ltmp1:
0xf8: {  	_ = 	snop;
	(pc) =	sbr.rel @p0 .LBB2_1-.Ltmp1, $3  }
0xf9: {  	_ =	sdelay $0x1  }
0xfa: {  	s6 =	simm.s32 $0x11  }
0xfb: {  	[dreg:$0xa] =	wrdreg s3;
	[sflag:s6] =	ssyncadd.s32 $0xFFFFEC00  }
0xfc: {  	_ =	sfence.sel $0x180000  }
0xfd: {  	[bflag:$0x0] =	sbarrier.arrive $0xFFFF  }
0xfe: {  	_ =	strace $0x90000047  }
0xff: {  	s0 =	stileid.u32;
	[bflag:$0x2] =	sbarrier.arrive $0xFFFF  }
0x100: {  	p0 =	sne.s32 s0, $0x0;
	s0 =	rddreg [dreg:$0x2]  }
0x101: {  	s0 =	sadd.s32 @!p0 $0x100000, s0  }
0x102: {  	[sflag:s0] =	ssyncadd.tile.s32 @!p0 $0x1;
	_ =	shalt  }
.Lfunc_end2:
_tile_overlayer_lowered:
.L_overlay_start_2:
0x103: {  	(tag) =	ssettag $0x2  }
0x104: {  	s0 =	rddreg [dreg:$0x0];
	s2 =	stileid.u32  }
0x105: {  	s1 =	rddreg [dreg:$0x1];
	p0 =	sne.s32 s2, $0x0  }
0x106: {  	s3 =	rddreg [dreg:$0x2];
	[bflag:$0x3] =	sbarrier.arrive $0xFFFF;
	s2 =	simm.s32 @!p0 $0x1C11  }
0x107: {  	[timem:s3], [sflag:s2] =	dma.local @!p0 [hbm:s0], s1  }
0x108: {  	s0 =	simm.s32 @!p0 $0x11  }
0x109: {  	_ =	swait.ge @!p0 [sflag:s0], s1  }
0x10a: {  	s1 =	ssub.s32 @!p0 $0x0, s1;
	[sflag:s0] =	ssyncset.done @!p0 $0x0  }
0x10b: {  	[sflag:s0] =	ssyncadd.s32 @!p0 s1  }
0x10c: {  	[bflag:$0x3] =	sbarrier.arrive $0xFFFF  }
0x10d: {  	_ =	shalt  }

</sc_bundles>
